<compile_context>
chip_gen: v7x
topology: tpu7x:2x2x1
jax: 0.10.2.dev20260603
libtpu: 0.0.44.dev20260713+nightly
codegen_flags: <defaults>
</compile_context>

<pallas_src>
import functools

import jax
import jax.numpy as jnp
from jax import lax
from jax.experimental import pallas as pl
from jax.experimental.pallas import tpu as pltpu
from jax.experimental.pallas import tpu_sc as plsc

N = 10000
E = 320000
IN_C = 128
HID_C = 64
OUT_C = 128

NPAD = 10240
EPAD = 327680
RPT = NPAD // 16
EPT = EPAD // 32
CH = 128

_mesh = plsc.VectorSubcoreMesh(core_axis_name="c", subcore_axis_name="s")



@functools.partial(
    pl.kernel,
    out_type=jax.ShapeDtypeStruct((2, NPAD), jnp.float32),
    mesh=_mesh,
    scratch_types=[
        pltpu.VMEM((EPT,), jnp.int32),
        pltpu.VMEM((NPAD,), jnp.float32),
        pltpu.VMEM((16, RPT), jnp.float32),
        pltpu.VMEM((RPT,), jnp.float32),
        pltpu.VMEM_SHARED((16, NPAD), jnp.float32),
    ],
    compiler_params=pltpu.CompilerParams(needs_layout_passes=False),
)
def _deg_kernel(dst_hbm, zeros_hbm, deg_out, dst_v, hist, buf, res, hist_sh):
    c = lax.axis_index("c")
    s = lax.axis_index("s")
    pltpu.sync_copy(zeros_hbm, hist)
    pltpu.sync_copy(dst_hbm.at[c, s], dst_v)
    ones = jnp.full((16,), 1.0, jnp.float32)

    def hbody(i, carry):
        idx = dst_v[pl.ds(i * 16, 16)]
        plsc.addupdate_scatter(hist, [idx], ones)
        return carry

    lax.fori_loop(0, EPT // 16, hbody, 0)
    pltpu.sync_copy(hist, hist_sh.at[s])
    plsc.subcore_barrier()
    base = s * RPT
    for t in range(16):
        pltpu.sync_copy(hist_sh.at[t, pl.ds(base, RPT)], buf.at[t])

    def cbody(i, carry):
        col = i * 16
        a = buf[0, pl.ds(col, 16)]
        for t in range(1, 16):
            a = a + buf[t, pl.ds(col, 16)]
        res[pl.ds(col, 16)] = a
        return carry

    lax.fori_loop(0, RPT // 16, cbody, 0)
    pltpu.sync_copy(res, deg_out.at[c, pl.ds(base, RPT)])




def _make_mp(edge_split):
    n_chunks = (EPAD // 32 // CH) if edge_split else (EPAD // 16 // CH)
    hs_shape = (NPAD, HID_C) if edge_split else (2, NPAD, HID_C)
    idx_shape = (2, 16, n_chunks, CH) if edge_split else (16, n_chunks, CH)

    R = 4
    G = 2
    assert n_chunks % R == 0

    @functools.partial(
        pl.kernel,
        out_type=jax.ShapeDtypeStruct((2, NPAD, HID_C), jnp.float32),
        mesh=_mesh,
        scratch_types=[
            pltpu.VMEM((n_chunks, CH), jnp.int32),
            pltpu.VMEM((n_chunks, CH), jnp.int32),
            pltpu.VMEM((R, CH, HID_C), jnp.float32),
            pltpu.VMEM_SHARED((NPAD, HID_C), jnp.float32),
        ] + [pltpu.SemaphoreType.DMA] * (2 * R),
        compiler_params=pltpu.CompilerParams(use_tc_tiling_on_sc=False),
    )
    def mp(hs_hbm, src_hbm, dst_hbm, zeros_hbm, out_hbm,
           src_v, dst_v, rows_v, acc_sh, *sems):
        sem_g = sems[:R]
        sem_s = sems[R:]
        c = lax.axis_index("c")
        s = lax.axis_index("s")
        base = s * RPT
        if edge_split:
            pltpu.sync_copy(src_hbm.at[c, s], src_v)
            pltpu.sync_copy(dst_hbm.at[c, s], dst_v)
        else:
            pltpu.sync_copy(src_hbm.at[s], src_v)
            pltpu.sync_copy(dst_hbm.at[s], dst_v)
        pltpu.sync_copy(zeros_hbm, acc_sh.at[pl.ds(base, RPT)])
        plsc.subcore_barrier()

        def gather_src(j):
            if edge_split:
                return hs_hbm.at[src_v.at[j]]
            return hs_hbm.at[c].at[src_v.at[j]]

        def start_gather(j, b):
            pltpu.async_copy(gather_src(j), rows_v.at[b], sem_g[b])

        for t in range(G):
            start_gather(t, t)

        def obody(i, carry):
            jbase = i * R
            for t in range(R):
                j = jbase + t
                bg = (t + G) % R
                jg = j + G

                @pl.when(jg - R >= 0)
                def _wait_scatter():
                    pltpu.make_async_copy(
                        rows_v.at[bg], acc_sh.at[dst_v.at[j]], sem_s[bg]).wait()

                @pl.when(jg < n_chunks)
                def _prefetch():
                    start_gather(jg, bg)

                pltpu.make_async_copy(
                    gather_src(j), rows_v.at[t], sem_g[t]).wait()
                pltpu.async_copy(
                    rows_v.at[t], acc_sh.at[dst_v.at[j]], sem_s[t], add=True)
            return carry

        lax.fori_loop(0, n_chunks // R, obody, 0)
        for t in range(R - G):
            j = n_chunks - (R - G) + t
            b = j % R
            pltpu.make_async_copy(
                rows_v.at[b], acc_sh.at[dst_v.at[n_chunks - 1]], sem_s[b]).wait()
        plsc.subcore_barrier()
        pltpu.sync_copy(acc_sh.at[pl.ds(base, RPT)],
                        out_hbm.at[c, pl.ds(base, RPT)])

    return mp, idx_shape


_mp_layer1, _IDX1_SHAPE = _make_mp(edge_split=True)
_mp_layer2, _IDX2_SHAPE = _make_mp(edge_split=False)


BLK = 512
GRID = NPAD // BLK


def _tc_b_body(x_ref, w1_ref, d0_ref, d1_ref, hs1_ref, dinv_ref):
    deg = d0_ref[...] + d1_ref[...] + 1.0
    dinv = lax.rsqrt(deg)
    h = jnp.dot(x_ref[...], w1_ref[...], preferred_element_type=jnp.float32)
    hs1_ref[...] = dinv * h
    dinv_ref[...] = dinv


_tc_b = pl.pallas_call(
    _tc_b_body,
    grid=(GRID,),
    in_specs=[
        pl.BlockSpec((BLK, IN_C), lambda i: (i, 0)),
        pl.BlockSpec((IN_C, HID_C), lambda i: (0, 0)),
        pl.BlockSpec((BLK, 1), lambda i: (i, 0)),
        pl.BlockSpec((BLK, 1), lambda i: (i, 0)),
    ],
    out_specs=[
        pl.BlockSpec((BLK, HID_C), lambda i: (i, 0)),
        pl.BlockSpec((BLK, 1), lambda i: (i, 0)),
    ],
    out_shape=[
        jax.ShapeDtypeStruct((NPAD, HID_C), jnp.float32),
        jax.ShapeDtypeStruct((NPAD, 1), jnp.float32),
    ],
)


def _tc_d_body(acc1_ref, hs1_ref, dinv_ref, b1_ref, w2_ref, b2_ref,
               hs2s_ref, outb_ref):
    dv = dinv_ref[...]
    h1 = jnp.maximum(
        dv * (acc1_ref[0] + acc1_ref[1] + hs1_ref[...]) + b1_ref[...], 0.0)
    h2 = jnp.dot(h1, w2_ref[...], preferred_element_type=jnp.float32)
    outb_ref[...] = h2 + b2_ref[...]
    hs2 = dv * h2
    hs2s_ref[0] = hs2[:, :HID_C]
    hs2s_ref[1] = hs2[:, HID_C:]


_tc_d = pl.pallas_call(
    _tc_d_body,
    grid=(GRID,),
    in_specs=[
        pl.BlockSpec((2, BLK, HID_C), lambda i: (0, i, 0)),
        pl.BlockSpec((BLK, HID_C), lambda i: (i, 0)),
        pl.BlockSpec((BLK, 1), lambda i: (i, 0)),
        pl.BlockSpec((1, HID_C), lambda i: (0, 0)),
        pl.BlockSpec((HID_C, OUT_C), lambda i: (0, 0)),
        pl.BlockSpec((1, OUT_C), lambda i: (0, 0)),
    ],
    out_specs=[
        pl.BlockSpec((2, BLK, HID_C), lambda i: (0, i, 0)),
        pl.BlockSpec((BLK, OUT_C), lambda i: (i, 0)),
    ],
    out_shape=[
        jax.ShapeDtypeStruct((2, NPAD, HID_C), jnp.float32),
        jax.ShapeDtypeStruct((NPAD, OUT_C), jnp.float32),
    ],
)


def _tc_f_body(acc2_ref, hs2s_ref, dinv_ref, b2_ref, outa_ref):
    dv = dinv_ref[...]
    left = dv * (acc2_ref[0] + hs2s_ref[0])
    right = dv * (acc2_ref[1] + hs2s_ref[1])
    outa_ref[...] = jnp.concatenate([left, right], axis=1) + b2_ref[...]


_tc_f = pl.pallas_call(
    _tc_f_body,
    grid=(GRID,),
    in_specs=[
        pl.BlockSpec((2, BLK, HID_C), lambda i: (0, i, 0)),
        pl.BlockSpec((2, BLK, HID_C), lambda i: (0, i, 0)),
        pl.BlockSpec((BLK, 1), lambda i: (i, 0)),
        pl.BlockSpec((1, OUT_C), lambda i: (0, 0)),
    ],
    out_specs=pl.BlockSpec((BLK, OUT_C), lambda i: (i, 0)),
    out_shape=jax.ShapeDtypeStruct((NPAD, OUT_C), jnp.float32),
)




@jax.jit
def kernel(x, edge_index, W1, b1, W2, b2):
    src = edge_index[0]
    dst = edge_index[1]
    ppt = (EPAD - E) // 32
    pad_rows = N + jnp.arange(ppt, dtype=jnp.int32)
    srcp = jnp.concatenate(
        [src.reshape(32, E // 32),
         jnp.broadcast_to(pad_rows, (32, ppt))], axis=1)
    dstp = jnp.concatenate(
        [dst.reshape(32, E // 32),
         jnp.broadcast_to(pad_rows, (32, ppt))], axis=1)

    dst_a = dstp.reshape(2, 16, EPT)
    src_1 = srcp.reshape(_IDX1_SHAPE)
    dst_1 = dstp.reshape(_IDX1_SHAPE)
    src_2 = srcp.reshape(_IDX2_SHAPE)
    dst_2 = dstp.reshape(_IDX2_SHAPE)

    xp = jnp.pad(x, ((0, NPAD - N), (0, 0)))
    zeros_h = jnp.zeros((NPAD,), jnp.float32)
    zeros_r = jnp.zeros((RPT, HID_C), jnp.float32)

    deg_part = _deg_kernel(dst_a, zeros_h)
    hs1, dinv = _tc_b(xp, W1, deg_part[0][:, None], deg_part[1][:, None])
    acc1 = _mp_layer1(hs1, src_1, dst_1, zeros_r)
    hs2s, out_b = _tc_d(acc1, hs1, dinv, b1[None, :], W2, b2[None, :])
    acc2 = _mp_layer2(hs2s, src_2, dst_2, zeros_r)
    out_a = _tc_f(acc2, hs2s, dinv, b2[None, :])
    return (out_a[:N], out_b[:N])

# --- scband reference (transcript-rebuilt; emitter-appended) ---
"""Pipeline reference for scband-gcnencoder-18897856102726 (READ-ONLY COPY).

The authoritative reference and input builder live on the scoring server;
editing this copy changes nothing except your own understanding.
"""

import jax, jax.numpy as jnp
import numpy as np

N = 10000
E = 320000
IN_C = 128
HID_C = 64
OUT_C = 128


def setup_inputs(seed: int = 0) -> dict:
    key = jax.random.key(seed)
    k1, k2, k3, k4 = jax.random.split(key, 4)
    x = jax.random.normal(k1, (N, IN_C), dtype=jnp.float32)
    edge_index = jax.random.randint(k2, (2, E), 0, N, dtype=jnp.int32)
    W1 = jax.random.normal(k3, (IN_C, HID_C), dtype=jnp.float32) * (1.0 / np.sqrt(IN_C))
    b1 = jnp.zeros((HID_C,), dtype=jnp.float32)
    W2 = jax.random.normal(k4, (HID_C, OUT_C), dtype=jnp.float32) * (1.0 / np.sqrt(HID_C))
    b2 = jnp.zeros((OUT_C,), dtype=jnp.float32)
    return {"x": x, "edge_index": edge_index, "W1": W1, "b1": b1, "W2": W2, "b2": b2}


def _gcn_conv(x, edge_index, W, b):
    # GCNConv: h = x W; add self-loops; symmetric normalization; scatter-add to dst; add bias
    h = x @ W
    src = edge_index[0]
    dst = edge_index[1]
    loop = jnp.arange(N, dtype=src.dtype)
    src = jnp.concatenate([src, loop])
    dst = jnp.concatenate([dst, loop])
    deg = jnp.zeros((N,), dtype=x.dtype).at[dst].add(jnp.ones_like(dst, dtype=x.dtype))
    deg_inv_sqrt = jax.lax.rsqrt(deg)  # deg >= 1 because of self-loops
    norm = deg_inv_sqrt[src] * deg_inv_sqrt[dst]
    msgs = norm[:, None] * h[src]
    out = jnp.zeros((N, W.shape[1]), dtype=x.dtype).at[dst].add(msgs)
    return out + b


def _gcn_conv_self_loops_only(x, W, b):
    # GCNConv applied to an empty edge_index: add_self_loops makes every node deg=1,
    # norm=1, so the output is simply x @ W + b
    return x @ W + b


def reference(x, edge_index, W1, b1, W2, b2):
    h = jax.nn.relu(_gcn_conv(x, edge_index, W1, b1))
    out_a = _gcn_conv(h, edge_index, W2, b2)
    out_b = _gcn_conv_self_loops_only(h, W2, b2)
    return (out_a, out_b)

if __name__ == "__main__":
    import jax
    _d = setup_inputs()
    print(jax.jit(kernel)(*tuple(_d.values())))

</pallas_src>

<mosaic_0001>
#map = affine_map<(d0, d1) -> (0, 0)>
#map1 = affine_map<(d0, d1) -> (0, 0, 0, 0)>
#map2 = affine_map<(d0, d1) -> (0, 0, 0)>
module attributes {stable_mosaic.version = 14 : i64} {
  func.func @mp(%arg0: i32, %arg1: i32, %arg2: memref<10240x64xf32, #tpu.memory_space<hbm>>, %arg3: memref<2x16x80x128xi32, #tpu.memory_space<hbm>>, %arg4: memref<2x16x80x128xi32, #tpu.memory_space<hbm>>, %arg5: memref<640x64xf32, #tpu.memory_space<hbm>>, %arg6: memref<2x10240x64xf32, #tpu.memory_space<hbm>>, %arg7: memref<80x128xi32, #tpu.memory_space<vmem>>, %arg8: memref<80x128xi32, #tpu.memory_space<vmem>>, %arg9: memref<4x128x64xf32, #tpu.memory_space<vmem>>, %arg10: memref<10240x64xf32, #tpu.memory_space<vmem_shared>>, %arg11: memref<!tpu.dma_semaphore, #tpu.memory_space<semaphore_mem>>, %arg12: memref<!tpu.dma_semaphore, #tpu.memory_space<semaphore_mem>>, %arg13: memref<!tpu.dma_semaphore, #tpu.memory_space<semaphore_mem>>, %arg14: memref<!tpu.dma_semaphore, #tpu.memory_space<semaphore_mem>>, %arg15: memref<!tpu.dma_semaphore, #tpu.memory_space<semaphore_mem>>, %arg16: memref<!tpu.dma_semaphore, #tpu.memory_space<semaphore_mem>>, %arg17: memref<!tpu.dma_semaphore, #tpu.memory_space<semaphore_mem>>, %arg18: memref<!tpu.dma_semaphore, #tpu.memory_space<semaphore_mem>>) attributes {dimension_semantics = [#tpu.dimension_semantics<core_parallel>, #tpu.dimension_semantics<subcore_parallel>], iteration_bounds = array<i64: 2, 16>, scalar_prefetch = 0 : i64, scratch_operands = 12 : i64, tpu.core_type = #tpu.core_type<sc_vector_subcore>, window_params = [{transform_indices = #map}, {transform_indices = #map1}, {transform_indices = #map1}, {transform_indices = #map}, {transform_indices = #map2}]} {
    %mul3A = arith.constant 640 : i32
    %mul3A_0 = arith.muli %arg1, %mul3A : i32
    "tpu.region"() ({
      %run_scoped3A = tpu.sem_alloc : memref<!tpu.dma_semaphore, #tpu.memory_space<semaphore_mem>>
      %dma_start3A_53 = arith.constant 0 : i32
      %dma_start3A_54 = arith.constant 0 : i32
      %dma_start3A_55 = tpu.memref_slice %arg3[%arg0, %arg1, %dma_start3A_53, %dma_start3A_54] : memref<2x16x80x128xi32, #tpu.memory_space<hbm>> -> memref<1x1x80x128xi32, #tpu.memory_space<hbm>>
      %dma_start3A_56 = tpu.memref_squeeze %dma_start3A_55 : memref<1x1x80x128xi32, #tpu.memory_space<hbm>> -> memref<80x128xi32, #tpu.memory_space<hbm>>
      %dma_start3A_57 = arith.constant 0 : i32
      %dma_start3A_58 = arith.constant 0 : i32
      %dma_start3A_59 = tpu.memref_slice %arg3[%arg0, %arg1, %dma_start3A_57, %dma_start3A_58] : memref<2x16x80x128xi32, #tpu.memory_space<hbm>> -> memref<1x1x80x128xi32, #tpu.memory_space<hbm>>
      %dma_start3A_60 = tpu.memref_squeeze %dma_start3A_59 : memref<1x1x80x128xi32, #tpu.memory_space<hbm>> -> memref<80x128xi32, #tpu.memory_space<hbm>>
      tpu.enqueue_dma source(%dma_start3A_60 : memref<80x128xi32, #tpu.memory_space<hbm>>) target(%arg7 : memref<80x128xi32, #tpu.memory_space<vmem>>) target_semaphore(%run_scoped3A : memref<!tpu.dma_semaphore, #tpu.memory_space<semaphore_mem>>)
      %dma_wait3A_61 = arith.constant 0 : i32
      %dma_wait3A_62 = arith.constant 0 : i32
      %dma_wait3A_63 = tpu.memref_slice %arg3[%arg0, %arg1, %dma_wait3A_61, %dma_wait3A_62] : memref<2x16x80x128xi32, #tpu.memory_space<hbm>> -> memref<1x1x80x128xi32, #tpu.memory_space<hbm>>
      %dma_wait3A_64 = tpu.memref_squeeze %dma_wait3A_63 : memref<1x1x80x128xi32, #tpu.memory_space<hbm>> -> memref<80x128xi32, #tpu.memory_space<hbm>>
      %dma_wait3A_65 = arith.constant 0 : i32
      %dma_wait3A_66 = arith.constant 0 : i32
      %dma_wait3A_67 = tpu.memref_slice %arg3[%arg0, %arg1, %dma_wait3A_65, %dma_wait3A_66] : memref<2x16x80x128xi32, #tpu.memory_space<hbm>> -> memref<1x1x80x128xi32, #tpu.memory_space<hbm>>
      %dma_wait3A_68 = tpu.memref_squeeze %dma_wait3A_67 : memref<1x1x80x128xi32, #tpu.memory_space<hbm>> -> memref<80x128xi32, #tpu.memory_space<hbm>>
      tpu.wait_dma2 semaphore(%run_scoped3A : memref<!tpu.dma_semaphore, #tpu.memory_space<semaphore_mem>>) src(%dma_wait3A_68 : memref<80x128xi32, #tpu.memory_space<hbm>>) dst(%arg7 : memref<80x128xi32, #tpu.memory_space<vmem>>)
      tpu.yield
    }) : () -> ()
    "tpu.region"() ({
      %run_scoped3A = tpu.sem_alloc : memref<!tpu.dma_semaphore, #tpu.memory_space<semaphore_mem>>
      %dma_start3A_53 = arith.constant 0 : i32
      %dma_start3A_54 = arith.constant 0 : i32
      %dma_start3A_55 = tpu.memref_slice %arg4[%arg0, %arg1, %dma_start3A_53, %dma_start3A_54] : memref<2x16x80x128xi32, #tpu.memory_space<hbm>> -> memref<1x1x80x128xi32, #tpu.memory_space<hbm>>
      %dma_start3A_56 = tpu.memref_squeeze %dma_start3A_55 : memref<1x1x80x128xi32, #tpu.memory_space<hbm>> -> memref<80x128xi32, #tpu.memory_space<hbm>>
      %dma_start3A_57 = arith.constant 0 : i32
      %dma_start3A_58 = arith.constant 0 : i32
      %dma_start3A_59 = tpu.memref_slice %arg4[%arg0, %arg1, %dma_start3A_57, %dma_start3A_58] : memref<2x16x80x128xi32, #tpu.memory_space<hbm>> -> memref<1x1x80x128xi32, #tpu.memory_space<hbm>>
      %dma_start3A_60 = tpu.memref_squeeze %dma_start3A_59 : memref<1x1x80x128xi32, #tpu.memory_space<hbm>> -> memref<80x128xi32, #tpu.memory_space<hbm>>
      tpu.enqueue_dma source(%dma_start3A_60 : memref<80x128xi32, #tpu.memory_space<hbm>>) target(%arg8 : memref<80x128xi32, #tpu.memory_space<vmem>>) target_semaphore(%run_scoped3A : memref<!tpu.dma_semaphore, #tpu.memory_space<semaphore_mem>>)
      %dma_wait3A_61 = arith.constant 0 : i32
      %dma_wait3A_62 = arith.constant 0 : i32
      %dma_wait3A_63 = tpu.memref_slice %arg4[%arg0, %arg1, %dma_wait3A_61, %dma_wait3A_62] : memref<2x16x80x128xi32, #tpu.memory_space<hbm>> -> memref<1x1x80x128xi32, #tpu.memory_space<hbm>>
      %dma_wait3A_64 = tpu.memref_squeeze %dma_wait3A_63 : memref<1x1x80x128xi32, #tpu.memory_space<hbm>> -> memref<80x128xi32, #tpu.memory_space<hbm>>
      %dma_wait3A_65 = arith.constant 0 : i32
      %dma_wait3A_66 = arith.constant 0 : i32
      %dma_wait3A_67 = tpu.memref_slice %arg4[%arg0, %arg1, %dma_wait3A_65, %dma_wait3A_66] : memref<2x16x80x128xi32, #tpu.memory_space<hbm>> -> memref<1x1x80x128xi32, #tpu.memory_space<hbm>>
      %dma_wait3A_68 = tpu.memref_squeeze %dma_wait3A_67 : memref<1x1x80x128xi32, #tpu.memory_space<hbm>> -> memref<80x128xi32, #tpu.memory_space<hbm>>
      tpu.wait_dma2 semaphore(%run_scoped3A : memref<!tpu.dma_semaphore, #tpu.memory_space<semaphore_mem>>) src(%dma_wait3A_68 : memref<80x128xi32, #tpu.memory_space<hbm>>) dst(%arg8 : memref<80x128xi32, #tpu.memory_space<vmem>>)
      tpu.yield
    }) : () -> ()
    "tpu.region"() ({
      %run_scoped3A = tpu.sem_alloc : memref<!tpu.dma_semaphore, #tpu.memory_space<semaphore_mem>>
      %dma_start3A_53 = arith.constant 0 : i32
      %dma_start3A_54 = tpu.memref_slice %arg10[%mul3A_0, %dma_start3A_53] : memref<10240x64xf32, #tpu.memory_space<vmem_shared>> -> memref<640x64xf32, #tpu.memory_space<vmem_shared>>
      tpu.enqueue_dma source(%arg5 : memref<640x64xf32, #tpu.memory_space<hbm>>) target(%dma_start3A_54 : memref<640x64xf32, #tpu.memory_space<vmem_shared>>) target_semaphore(%run_scoped3A : memref<!tpu.dma_semaphore, #tpu.memory_space<semaphore_mem>>)
      %dma_wait3A_55 = arith.constant 0 : i32
      %dma_wait3A_56 = tpu.memref_slice %arg10[%mul3A_0, %dma_wait3A_55] : memref<10240x64xf32, #tpu.memory_space<vmem_shared>> -> memref<640x64xf32, #tpu.memory_space<vmem_shared>>
      tpu.wait_dma2 semaphore(%run_scoped3A : memref<!tpu.dma_semaphore, #tpu.memory_space<semaphore_mem>>) src(%arg5 : memref<640x64xf32, #tpu.memory_space<hbm>>) dst(%dma_wait3A_56 : memref<640x64xf32, #tpu.memory_space<vmem_shared>>)
      tpu.yield
    }) : () -> ()
    %barrier3A = arith.constant 0 : index
    tpu.barrier barrier_id(%barrier3A)
    %dma_start3A = arith.constant 0 : i32
    %dma_start3A_1 = arith.constant 0 : i32
    %dma_start3A_2 = arith.constant 0 : i32
    %dma_start3A_3 = arith.constant 0 : i32
    %dma_start3A_4 = tpu.memref_slice %arg9[%dma_start3A_1, %dma_start3A_2, %dma_start3A_3] : memref<4x128x64xf32, #tpu.memory_space<vmem>> -> memref<1x128x64xf32, #tpu.memory_space<vmem>>
    %dma_start3A_5 = tpu.memref_squeeze %dma_start3A_4 : memref<1x128x64xf32, #tpu.memory_space<vmem>> -> memref<128x64xf32, #tpu.memory_space<vmem>>
    %dma_start3A_6 = arith.constant 0 : i32
    %dma_start3A_7 = tpu.memref_slice %arg7[%dma_start3A, %dma_start3A_6] : memref<80x128xi32, #tpu.memory_space<vmem>> -> memref<1x128xi32, #tpu.memory_space<vmem>>
    %dma_start3A_8 = tpu.memref_squeeze %dma_start3A_7 : memref<1x128xi32, #tpu.memory_space<vmem>> -> memref<128xi32, #tpu.memory_space<vmem>>
    %dma_start3A_9 = arith.constant 0 : i32
    %dma_start3A_10 = arith.constant 0 : i32
    %dma_start3A_11 = tpu.memref_slice %arg2[%dma_start3A_9, %dma_start3A_10] : memref<10240x64xf32, #tpu.memory_space<hbm>> -> memref<10240x64xf32, #tpu.memory_space<hbm>>
    tpu.enqueue_indirect_dma source(%dma_start3A_11 : memref<10240x64xf32, #tpu.memory_space<hbm>>) target(%dma_start3A_5 : memref<128x64xf32, #tpu.memory_space<vmem>>) offsets(%dma_start3A_8 : memref<128xi32, #tpu.memory_space<vmem>>) semaphore(%arg11 : memref<!tpu.dma_semaphore, #tpu.memory_space<semaphore_mem>>)
    %dma_start3A_12 = arith.constant 1 : i32
    %dma_start3A_13 = arith.constant 1 : i32
    %dma_start3A_14 = arith.constant 0 : i32
    %dma_start3A_15 = arith.constant 0 : i32
    %dma_start3A_16 = tpu.memref_slice %arg9[%dma_start3A_13, %dma_start3A_14, %dma_start3A_15] : memref<4x128x64xf32, #tpu.memory_space<vmem>> -> memref<1x128x64xf32, #tpu.memory_space<vmem>>
    %dma_start3A_17 = tpu.memref_squeeze %dma_start3A_16 : memref<1x128x64xf32, #tpu.memory_space<vmem>> -> memref<128x64xf32, #tpu.memory_space<vmem>>
    %dma_start3A_18 = arith.constant 0 : i32
    %dma_start3A_19 = tpu.memref_slice %arg7[%dma_start3A_12, %dma_start3A_18] : memref<80x128xi32, #tpu.memory_space<vmem>> -> memref<1x128xi32, #tpu.memory_space<vmem>>
    %dma_start3A_20 = tpu.memref_squeeze %dma_start3A_19 : memref<1x128xi32, #tpu.memory_space<vmem>> -> memref<128xi32, #tpu.memory_space<vmem>>
    %dma_start3A_21 = arith.constant 0 : i32
    %dma_start3A_22 = arith.constant 0 : i32
    %dma_start3A_23 = tpu.memref_slice %arg2[%dma_start3A_21, %dma_start3A_22] : memref<10240x64xf32, #tpu.memory_space<hbm>> -> memref<10240x64xf32, #tpu.memory_space<hbm>>
    tpu.enqueue_indirect_dma source(%dma_start3A_23 : memref<10240x64xf32, #tpu.memory_space<hbm>>) target(%dma_start3A_17 : memref<128x64xf32, #tpu.memory_space<vmem>>) offsets(%dma_start3A_20 : memref<128xi32, #tpu.memory_space<vmem>>) semaphore(%arg12 : memref<!tpu.dma_semaphore, #tpu.memory_space<semaphore_mem>>)
    %scan3A = arith.constant 0 : i32
    %scan3A_24 = arith.constant 0 : i32
    %scan3A_25 = arith.constant 20 : i32
    %scan3A_26 = arith.addi %scan3A_24, %scan3A_25 : i32
    %scan3A_27 = arith.constant 1 : i32
    scf.for %scan3A_53 = %scan3A_24 to %scan3A_26 step %scan3A_27  : i32 {
      %mul3A_54 = arith.constant 4 : i32
      %mul3A_55 = arith.muli %scan3A_53, %mul3A_54 : i32
      %add3A = arith.constant 0 : i32
      %add3A_56 = arith.addi %mul3A_55, %add3A : i32
      %add3A_57 = arith.constant 2 : i32
      %add3A_58 = arith.addi %add3A_56, %add3A_57 : i32
      %sub3A = arith.constant 4 : i32
      %sub3A_59 = arith.subi %add3A_58, %sub3A : i32
      %ge3A = arith.constant 0 : i32
      %ge3A_60 = arith.cmpi sge, %sub3A_59, %ge3A : i32
      %convert_element_type3A = arith.extui %ge3A_60 : i1 to i32
      %cond3A = arith.constant 0 : i32
      %cond3A_61 = arith.cmpi ne, %convert_element_type3A, %cond3A : i32
      scf.if %cond3A_61 {
        %dma_wait3A_202 = arith.constant 2 : i32
        %dma_wait3A_203 = arith.constant 0 : i32
        %dma_wait3A_204 = arith.constant 0 : i32
        %dma_wait3A_205 = tpu.memref_slice %arg9[%dma_wait3A_202, %dma_wait3A_203, %dma_wait3A_204] : memref<4x128x64xf32, #tpu.memory_space<vmem>> -> memref<1x128x64xf32, #tpu.memory_space<vmem>>
        %dma_wait3A_206 = tpu.memref_squeeze %dma_wait3A_205 : memref<1x128x64xf32, #tpu.memory_space<vmem>> -> memref<128x64xf32, #tpu.memory_space<vmem>>
        %dma_wait3A_207 = arith.constant 0 : i32
        %dma_wait3A_208 = tpu.memref_slice %arg8[%add3A_56, %dma_wait3A_207] : memref<80x128xi32, #tpu.memory_space<vmem>> -> memref<1x128xi32, #tpu.memory_space<vmem>>
        %dma_wait3A_209 = tpu.memref_squeeze %dma_wait3A_208 : memref<1x128xi32, #tpu.memory_space<vmem>> -> memref<128xi32, #tpu.memory_space<vmem>>
        %dma_wait3A_210 = arith.constant 0 : i32
        %dma_wait3A_211 = arith.constant 0 : i32
        %dma_wait3A_212 = tpu.memref_slice %arg10[%dma_wait3A_210, %dma_wait3A_211] : memref<10240x64xf32, #tpu.memory_space<vmem_shared>> -> memref<10240x64xf32, #tpu.memory_space<vmem_shared>>
        tpu.wait_indirect_dma semaphore(%arg17 : memref<!tpu.dma_semaphore, #tpu.memory_space<semaphore_mem>>) src(%dma_wait3A_206 : memref<128x64xf32, #tpu.memory_space<vmem>>) dst(%dma_wait3A_212 : memref<10240x64xf32, #tpu.memory_space<vmem_shared>>)
      } else {
      }
      %lt3A = arith.constant 80 : i32
      %lt3A_62 = arith.cmpi slt, %add3A_58, %lt3A : i32
      %convert_element_type3A_63 = arith.extui %lt3A_62 : i1 to i32
      %cond3A_64 = arith.constant 0 : i32
      %cond3A_65 = arith.cmpi ne, %convert_element_type3A_63, %cond3A_64 : i32
      scf.if %cond3A_65 {
        %dma_start3A_202 = arith.constant 2 : i32
        %dma_start3A_203 = arith.constant 0 : i32
        %dma_start3A_204 = arith.constant 0 : i32
        %dma_start3A_205 = tpu.memref_slice %arg9[%dma_start3A_202, %dma_start3A_203, %dma_start3A_204] : memref<4x128x64xf32, #tpu.memory_space<vmem>> -> memref<1x128x64xf32, #tpu.memory_space<vmem>>
        %dma_start3A_206 = tpu.memref_squeeze %dma_start3A_205 : memref<1x128x64xf32, #tpu.memory_space<vmem>> -> memref<128x64xf32, #tpu.memory_space<vmem>>
        %dma_start3A_207 = arith.constant 0 : i32
        %dma_start3A_208 = tpu.memref_slice %arg7[%add3A_58, %dma_start3A_207] : memref<80x128xi32, #tpu.memory_space<vmem>> -> memref<1x128xi32, #tpu.memory_space<vmem>>
        %dma_start3A_209 = tpu.memref_squeeze %dma_start3A_208 : memref<1x128xi32, #tpu.memory_space<vmem>> -> memref<128xi32, #tpu.memory_space<vmem>>
        %dma_start3A_210 = arith.constant 0 : i32
        %dma_start3A_211 = arith.constant 0 : i32
        %dma_start3A_212 = tpu.memref_slice %arg2[%dma_start3A_210, %dma_start3A_211] : memref<10240x64xf32, #tpu.memory_space<hbm>> -> memref<10240x64xf32, #tpu.memory_space<hbm>>
        tpu.enqueue_indirect_dma source(%dma_start3A_212 : memref<10240x64xf32, #tpu.memory_space<hbm>>) target(%dma_start3A_206 : memref<128x64xf32, #tpu.memory_space<vmem>>) offsets(%dma_start3A_209 : memref<128xi32, #tpu.memory_space<vmem>>) semaphore(%arg13 : memref<!tpu.dma_semaphore, #tpu.memory_space<semaphore_mem>>)
      } else {
      }
      %dma_wait3A_66 = arith.constant 0 : i32
      %dma_wait3A_67 = arith.constant 0 : i32
      %dma_wait3A_68 = arith.constant 0 : i32
      %dma_wait3A_69 = tpu.memref_slice %arg9[%dma_wait3A_66, %dma_wait3A_67, %dma_wait3A_68] : memref<4x128x64xf32, #tpu.memory_space<vmem>> -> memref<1x128x64xf32, #tpu.memory_space<vmem>>
      %dma_wait3A_70 = tpu.memref_squeeze %dma_wait3A_69 : memref<1x128x64xf32, #tpu.memory_space<vmem>> -> memref<128x64xf32, #tpu.memory_space<vmem>>
      %dma_wait3A_71 = arith.constant 0 : i32
      %dma_wait3A_72 = tpu.memref_slice %arg7[%add3A_56, %dma_wait3A_71] : memref<80x128xi32, #tpu.memory_space<vmem>> -> memref<1x128xi32, #tpu.memory_space<vmem>>
      %dma_wait3A_73 = tpu.memref_squeeze %dma_wait3A_72 : memref<1x128xi32, #tpu.memory_space<vmem>> -> memref<128xi32, #tpu.memory_space<vmem>>
      %dma_wait3A_74 = arith.constant 0 : i32
      %dma_wait3A_75 = arith.constant 0 : i32
      %dma_wait3A_76 = tpu.memref_slice %arg2[%dma_wait3A_74, %dma_wait3A_75] : memref<10240x64xf32, #tpu.memory_space<hbm>> -> memref<10240x64xf32, #tpu.memory_space<hbm>>
      tpu.wait_indirect_dma semaphore(%arg11 : memref<!tpu.dma_semaphore, #tpu.memory_space<semaphore_mem>>) src(%dma_wait3A_76 : memref<10240x64xf32, #tpu.memory_space<hbm>>) dst(%dma_wait3A_70 : memref<128x64xf32, #tpu.memory_space<vmem>>)
      %dma_start3A_77 = arith.constant 0 : i32
      %dma_start3A_78 = arith.constant 0 : i32
      %dma_start3A_79 = arith.constant 0 : i32
      %dma_start3A_80 = tpu.memref_slice %arg9[%dma_start3A_77, %dma_start3A_78, %dma_start3A_79] : memref<4x128x64xf32, #tpu.memory_space<vmem>> -> memref<1x128x64xf32, #tpu.memory_space<vmem>>
      %dma_start3A_81 = tpu.memref_squeeze %dma_start3A_80 : memref<1x128x64xf32, #tpu.memory_space<vmem>> -> memref<128x64xf32, #tpu.memory_space<vmem>>
      %dma_start3A_82 = arith.constant 0 : i32
      %dma_start3A_83 = tpu.memref_slice %arg8[%add3A_56, %dma_start3A_82] : memref<80x128xi32, #tpu.memory_space<vmem>> -> memref<1x128xi32, #tpu.memory_space<vmem>>
      %dma_start3A_84 = tpu.memref_squeeze %dma_start3A_83 : memref<1x128xi32, #tpu.memory_space<vmem>> -> memref<128xi32, #tpu.memory_space<vmem>>
      %dma_start3A_85 = arith.constant 0 : i32
      %dma_start3A_86 = arith.constant 0 : i32
      %dma_start3A_87 = tpu.memref_slice %arg10[%dma_start3A_85, %dma_start3A_86] : memref<10240x64xf32, #tpu.memory_space<vmem_shared>> -> memref<10240x64xf32, #tpu.memory_space<vmem_shared>>
      tpu.enqueue_indirect_dma source(%dma_start3A_81 : memref<128x64xf32, #tpu.memory_space<vmem>>) target(%dma_start3A_87 : memref<10240x64xf32, #tpu.memory_space<vmem_shared>>) offsets(%dma_start3A_84 : memref<128xi32, #tpu.memory_space<vmem>>) semaphore(%arg15 : memref<!tpu.dma_semaphore, #tpu.memory_space<semaphore_mem>>) {add = true}
      %add3A_88 = arith.constant 1 : i32
      %add3A_89 = arith.addi %mul3A_55, %add3A_88 : i32
      %add3A_90 = arith.constant 2 : i32
      %add3A_91 = arith.addi %add3A_89, %add3A_90 : i32
      %sub3A_92 = arith.constant 4 : i32
      %sub3A_93 = arith.subi %add3A_91, %sub3A_92 : i32
      %ge3A_94 = arith.constant 0 : i32
      %ge3A_95 = arith.cmpi sge, %sub3A_93, %ge3A_94 : i32
      %convert_element_type3A_96 = arith.extui %ge3A_95 : i1 to i32
      %cond3A_97 = arith.constant 0 : i32
      %cond3A_98 = arith.cmpi ne, %convert_element_type3A_96, %cond3A_97 : i32
      scf.if %cond3A_98 {
        %dma_wait3A_202 = arith.constant 3 : i32
        %dma_wait3A_203 = arith.constant 0 : i32
        %dma_wait3A_204 = arith.constant 0 : i32
        %dma_wait3A_205 = tpu.memref_slice %arg9[%dma_wait3A_202, %dma_wait3A_203, %dma_wait3A_204] : memref<4x128x64xf32, #tpu.memory_space<vmem>> -> memref<1x128x64xf32, #tpu.memory_space<vmem>>
        %dma_wait3A_206 = tpu.memref_squeeze %dma_wait3A_205 : memref<1x128x64xf32, #tpu.memory_space<vmem>> -> memref<128x64xf32, #tpu.memory_space<vmem>>
        %dma_wait3A_207 = arith.constant 0 : i32
        %dma_wait3A_208 = tpu.memref_slice %arg8[%add3A_89, %dma_wait3A_207] : memref<80x128xi32, #tpu.memory_space<vmem>> -> memref<1x128xi32, #tpu.memory_space<vmem>>
        %dma_wait3A_209 = tpu.memref_squeeze %dma_wait3A_208 : memref<1x128xi32, #tpu.memory_space<vmem>> -> memref<128xi32, #tpu.memory_space<vmem>>
        %dma_wait3A_210 = arith.constant 0 : i32
        %dma_wait3A_211 = arith.constant 0 : i32
        %dma_wait3A_212 = tpu.memref_slice %arg10[%dma_wait3A_210, %dma_wait3A_211] : memref<10240x64xf32, #tpu.memory_space<vmem_shared>> -> memref<10240x64xf32, #tpu.memory_space<vmem_shared>>
        tpu.wait_indirect_dma semaphore(%arg18 : memref<!tpu.dma_semaphore, #tpu.memory_space<semaphore_mem>>) src(%dma_wait3A_206 : memref<128x64xf32, #tpu.memory_space<vmem>>) dst(%dma_wait3A_212 : memref<10240x64xf32, #tpu.memory_space<vmem_shared>>)
      } else {
      }
      %lt3A_99 = arith.constant 80 : i32
      %lt3A_100 = arith.cmpi slt, %add3A_91, %lt3A_99 : i32
      %convert_element_type3A_101 = arith.extui %lt3A_100 : i1 to i32
      %cond3A_102 = arith.constant 0 : i32
      %cond3A_103 = arith.cmpi ne, %convert_element_type3A_101, %cond3A_102 : i32
      scf.if %cond3A_103 {
        %dma_start3A_202 = arith.constant 3 : i32
        %dma_start3A_203 = arith.constant 0 : i32
        %dma_start3A_204 = arith.constant 0 : i32
        %dma_start3A_205 = tpu.memref_slice %arg9[%dma_start3A_202, %dma_start3A_203, %dma_start3A_204] : memref<4x128x64xf32, #tpu.memory_space<vmem>> -> memref<1x128x64xf32, #tpu.memory_space<vmem>>
        %dma_start3A_206 = tpu.memref_squeeze %dma_start3A_205 : memref<1x128x64xf32, #tpu.memory_space<vmem>> -> memref<128x64xf32, #tpu.memory_space<vmem>>
        %dma_start3A_207 = arith.constant 0 : i32
        %dma_start3A_208 = tpu.memref_slice %arg7[%add3A_91, %dma_start3A_207] : memref<80x128xi32, #tpu.memory_space<vmem>> -> memref<1x128xi32, #tpu.memory_space<vmem>>
        %dma_start3A_209 = tpu.memref_squeeze %dma_start3A_208 : memref<1x128xi32, #tpu.memory_space<vmem>> -> memref<128xi32, #tpu.memory_space<vmem>>
        %dma_start3A_210 = arith.constant 0 : i32
        %dma_start3A_211 = arith.constant 0 : i32
        %dma_start3A_212 = tpu.memref_slice %arg2[%dma_start3A_210, %dma_start3A_211] : memref<10240x64xf32, #tpu.memory_space<hbm>> -> memref<10240x64xf32, #tpu.memory_space<hbm>>
        tpu.enqueue_indirect_dma source(%dma_start3A_212 : memref<10240x64xf32, #tpu.memory_space<hbm>>) target(%dma_start3A_206 : memref<128x64xf32, #tpu.memory_space<vmem>>) offsets(%dma_start3A_209 : memref<128xi32, #tpu.memory_space<vmem>>) semaphore(%arg14 : memref<!tpu.dma_semaphore, #tpu.memory_space<semaphore_mem>>)
      } else {
      }
      %dma_wait3A_104 = arith.constant 1 : i32
      %dma_wait3A_105 = arith.constant 0 : i32
      %dma_wait3A_106 = arith.constant 0 : i32
      %dma_wait3A_107 = tpu.memref_slice %arg9[%dma_wait3A_104, %dma_wait3A_105, %dma_wait3A_106] : memref<4x128x64xf32, #tpu.memory_space<vmem>> -> memref<1x128x64xf32, #tpu.memory_space<vmem>>
      %dma_wait3A_108 = tpu.memref_squeeze %dma_wait3A_107 : memref<1x128x64xf32, #tpu.memory_space<vmem>> -> memref<128x64xf32, #tpu.memory_space<vmem>>
      %dma_wait3A_109 = arith.constant 0 : i32
      %dma_wait3A_110 = tpu.memref_slice %arg7[%add3A_89, %dma_wait3A_109] : memref<80x128xi32, #tpu.memory_space<vmem>> -> memref<1x128xi32, #tpu.memory_space<vmem>>
      %dma_wait3A_111 = tpu.memref_squeeze %dma_wait3A_110 : memref<1x128xi32, #tpu.memory_space<vmem>> -> memref<128xi32, #tpu.memory_space<vmem>>
      %dma_wait3A_112 = arith.constant 0 : i32
      %dma_wait3A_113 = arith.constant 0 : i32
      %dma_wait3A_114 = tpu.memref_slice %arg2[%dma_wait3A_112, %dma_wait3A_113] : memref<10240x64xf32, #tpu.memory_space<hbm>> -> memref<10240x64xf32, #tpu.memory_space<hbm>>
      tpu.wait_indirect_dma semaphore(%arg12 : memref<!tpu.dma_semaphore, #tpu.memory_space<semaphore_mem>>) src(%dma_wait3A_114 : memref<10240x64xf32, #tpu.memory_space<hbm>>) dst(%dma_wait3A_108 : memref<128x64xf32, #tpu.memory_space<vmem>>)
      %dma_start3A_115 = arith.constant 1 : i32
      %dma_start3A_116 = arith.constant 0 : i32
      %dma_start3A_117 = arith.constant 0 : i32
      %dma_start3A_118 = tpu.memref_slice %arg9[%dma_start3A_115, %dma_start3A_116, %dma_start3A_117] : memref<4x128x64xf32, #tpu.memory_space<vmem>> -> memref<1x128x64xf32, #tpu.memory_space<vmem>>
      %dma_start3A_119 = tpu.memref_squeeze %dma_start3A_118 : memref<1x128x64xf32, #tpu.memory_space<vmem>> -> memref<128x64xf32, #tpu.memory_space<vmem>>
      %dma_start3A_120 = arith.constant 0 : i32
      %dma_start3A_121 = tpu.memref_slice %arg8[%add3A_89, %dma_start3A_120] : memref<80x128xi32, #tpu.memory_space<vmem>> -> memref<1x128xi32, #tpu.memory_space<vmem>>
      %dma_start3A_122 = tpu.memref_squeeze %dma_start3A_121 : memref<1x128xi32, #tpu.memory_space<vmem>> -> memref<128xi32, #tpu.memory_space<vmem>>
      %dma_start3A_123 = arith.constant 0 : i32
      %dma_start3A_124 = arith.constant 0 : i32
      %dma_start3A_125 = tpu.memref_slice %arg10[%dma_start3A_123, %dma_start3A_124] : memref<10240x64xf32, #tpu.memory_space<vmem_shared>> -> memref<10240x64xf32, #tpu.memory_space<vmem_shared>>
      tpu.enqueue_indirect_dma source(%dma_start3A_119 : memref<128x64xf32, #tpu.memory_space<vmem>>) target(%dma_start3A_125 : memref<10240x64xf32, #tpu.memory_space<vmem_shared>>) offsets(%dma_start3A_122 : memref<128xi32, #tpu.memory_space<vmem>>) semaphore(%arg16 : memref<!tpu.dma_semaphore, #tpu.memory_space<semaphore_mem>>) {add = true}
      %add3A_126 = arith.constant 2 : i32
      %add3A_127 = arith.addi %mul3A_55, %add3A_126 : i32
      %add3A_128 = arith.constant 2 : i32
      %add3A_129 = arith.addi %add3A_127, %add3A_128 : i32
      %sub3A_130 = arith.constant 4 : i32
      %sub3A_131 = arith.subi %add3A_129, %sub3A_130 : i32
      %ge3A_132 = arith.constant 0 : i32
      %ge3A_133 = arith.cmpi sge, %sub3A_131, %ge3A_132 : i32
      %convert_element_type3A_134 = arith.extui %ge3A_133 : i1 to i32
      %cond3A_135 = arith.constant 0 : i32
      %cond3A_136 = arith.cmpi ne, %convert_element_type3A_134, %cond3A_135 : i32
      scf.if %cond3A_136 {
        %dma_wait3A_202 = arith.constant 0 : i32
        %dma_wait3A_203 = arith.constant 0 : i32
        %dma_wait3A_204 = arith.constant 0 : i32
        %dma_wait3A_205 = tpu.memref_slice %arg9[%dma_wait3A_202, %dma_wait3A_203, %dma_wait3A_204] : memref<4x128x64xf32, #tpu.memory_space<vmem>> -> memref<1x128x64xf32, #tpu.memory_space<vmem>>
        %dma_wait3A_206 = tpu.memref_squeeze %dma_wait3A_205 : memref<1x128x64xf32, #tpu.memory_space<vmem>> -> memref<128x64xf32, #tpu.memory_space<vmem>>
        %dma_wait3A_207 = arith.constant 0 : i32
        %dma_wait3A_208 = tpu.memref_slice %arg8[%add3A_127, %dma_wait3A_207] : memref<80x128xi32, #tpu.memory_space<vmem>> -> memref<1x128xi32, #tpu.memory_space<vmem>>
        %dma_wait3A_209 = tpu.memref_squeeze %dma_wait3A_208 : memref<1x128xi32, #tpu.memory_space<vmem>> -> memref<128xi32, #tpu.memory_space<vmem>>
        %dma_wait3A_210 = arith.constant 0 : i32
        %dma_wait3A_211 = arith.constant 0 : i32
        %dma_wait3A_212 = tpu.memref_slice %arg10[%dma_wait3A_210, %dma_wait3A_211] : memref<10240x64xf32, #tpu.memory_space<vmem_shared>> -> memref<10240x64xf32, #tpu.memory_space<vmem_shared>>
        tpu.wait_indirect_dma semaphore(%arg15 : memref<!tpu.dma_semaphore, #tpu.memory_space<semaphore_mem>>) src(%dma_wait3A_206 : memref<128x64xf32, #tpu.memory_space<vmem>>) dst(%dma_wait3A_212 : memref<10240x64xf32, #tpu.memory_space<vmem_shared>>)
      } else {
      }
      %lt3A_137 = arith.constant 80 : i32
      %lt3A_138 = arith.cmpi slt, %add3A_129, %lt3A_137 : i32
      %convert_element_type3A_139 = arith.extui %lt3A_138 : i1 to i32
      %cond3A_140 = arith.constant 0 : i32
      %cond3A_141 = arith.cmpi ne, %convert_element_type3A_139, %cond3A_140 : i32
      scf.if %cond3A_141 {
        %dma_start3A_202 = arith.constant 0 : i32
        %dma_start3A_203 = arith.constant 0 : i32
        %dma_start3A_204 = arith.constant 0 : i32
        %dma_start3A_205 = tpu.memref_slice %arg9[%dma_start3A_202, %dma_start3A_203, %dma_start3A_204] : memref<4x128x64xf32, #tpu.memory_space<vmem>> -> memref<1x128x64xf32, #tpu.memory_space<vmem>>
        %dma_start3A_206 = tpu.memref_squeeze %dma_start3A_205 : memref<1x128x64xf32, #tpu.memory_space<vmem>> -> memref<128x64xf32, #tpu.memory_space<vmem>>
        %dma_start3A_207 = arith.constant 0 : i32
        %dma_start3A_208 = tpu.memref_slice %arg7[%add3A_129, %dma_start3A_207] : memref<80x128xi32, #tpu.memory_space<vmem>> -> memref<1x128xi32, #tpu.memory_space<vmem>>
        %dma_start3A_209 = tpu.memref_squeeze %dma_start3A_208 : memref<1x128xi32, #tpu.memory_space<vmem>> -> memref<128xi32, #tpu.memory_space<vmem>>
        %dma_start3A_210 = arith.constant 0 : i32
        %dma_start3A_211 = arith.constant 0 : i32
        %dma_start3A_212 = tpu.memref_slice %arg2[%dma_start3A_210, %dma_start3A_211] : memref<10240x64xf32, #tpu.memory_space<hbm>> -> memref<10240x64xf32, #tpu.memory_space<hbm>>
        tpu.enqueue_indirect_dma source(%dma_start3A_212 : memref<10240x64xf32, #tpu.memory_space<hbm>>) target(%dma_start3A_206 : memref<128x64xf32, #tpu.memory_space<vmem>>) offsets(%dma_start3A_209 : memref<128xi32, #tpu.memory_space<vmem>>) semaphore(%arg11 : memref<!tpu.dma_semaphore, #tpu.memory_space<semaphore_mem>>)
      } else {
      }
      %dma_wait3A_142 = arith.constant 2 : i32
      %dma_wait3A_143 = arith.constant 0 : i32
      %dma_wait3A_144 = arith.constant 0 : i32
      %dma_wait3A_145 = tpu.memref_slice %arg9[%dma_wait3A_142, %dma_wait3A_143, %dma_wait3A_144] : memref<4x128x64xf32, #tpu.memory_space<vmem>> -> memref<1x128x64xf32, #tpu.memory_space<vmem>>
      %dma_wait3A_146 = tpu.memref_squeeze %dma_wait3A_145 : memref<1x128x64xf32, #tpu.memory_space<vmem>> -> memref<128x64xf32, #tpu.memory_space<vmem>>
      %dma_wait3A_147 = arith.constant 0 : i32
      %dma_wait3A_148 = tpu.memref_slice %arg7[%add3A_127, %dma_wait3A_147] : memref<80x128xi32, #tpu.memory_space<vmem>> -> memref<1x128xi32, #tpu.memory_space<vmem>>
      %dma_wait3A_149 = tpu.memref_squeeze %dma_wait3A_148 : memref<1x128xi32, #tpu.memory_space<vmem>> -> memref<128xi32, #tpu.memory_space<vmem>>
      %dma_wait3A_150 = arith.constant 0 : i32
      %dma_wait3A_151 = arith.constant 0 : i32
      %dma_wait3A_152 = tpu.memref_slice %arg2[%dma_wait3A_150, %dma_wait3A_151] : memref<10240x64xf32, #tpu.memory_space<hbm>> -> memref<10240x64xf32, #tpu.memory_space<hbm>>
      tpu.wait_indirect_dma semaphore(%arg13 : memref<!tpu.dma_semaphore, #tpu.memory_space<semaphore_mem>>) src(%dma_wait3A_152 : memref<10240x64xf32, #tpu.memory_space<hbm>>) dst(%dma_wait3A_146 : memref<128x64xf32, #tpu.memory_space<vmem>>)
      %dma_start3A_153 = arith.constant 2 : i32
      %dma_start3A_154 = arith.constant 0 : i32
      %dma_start3A_155 = arith.constant 0 : i32
      %dma_start3A_156 = tpu.memref_slice %arg9[%dma_start3A_153, %dma_start3A_154, %dma_start3A_155] : memref<4x128x64xf32, #tpu.memory_space<vmem>> -> memref<1x128x64xf32, #tpu.memory_space<vmem>>
      %dma_start3A_157 = tpu.memref_squeeze %dma_start3A_156 : memref<1x128x64xf32, #tpu.memory_space<vmem>> -> memref<128x64xf32, #tpu.memory_space<vmem>>
      %dma_start3A_158 = arith.constant 0 : i32
      %dma_start3A_159 = tpu.memref_slice %arg8[%add3A_127, %dma_start3A_158] : memref<80x128xi32, #tpu.memory_space<vmem>> -> memref<1x128xi32, #tpu.memory_space<vmem>>
      %dma_start3A_160 = tpu.memref_squeeze %dma_start3A_159 : memref<1x128xi32, #tpu.memory_space<vmem>> -> memref<128xi32, #tpu.memory_space<vmem>>
      %dma_start3A_161 = arith.constant 0 : i32
      %dma_start3A_162 = arith.constant 0 : i32
      %dma_start3A_163 = tpu.memref_slice %arg10[%dma_start3A_161, %dma_start3A_162] : memref<10240x64xf32, #tpu.memory_space<vmem_shared>> -> memref<10240x64xf32, #tpu.memory_space<vmem_shared>>
      tpu.enqueue_indirect_dma source(%dma_start3A_157 : memref<128x64xf32, #tpu.memory_space<vmem>>) target(%dma_start3A_163 : memref<10240x64xf32, #tpu.memory_space<vmem_shared>>) offsets(%dma_start3A_160 : memref<128xi32, #tpu.memory_space<vmem>>) semaphore(%arg17 : memref<!tpu.dma_semaphore, #tpu.memory_space<semaphore_mem>>) {add = true}
      %add3A_164 = arith.constant 3 : i32
      %add3A_165 = arith.addi %mul3A_55, %add3A_164 : i32
      %add3A_166 = arith.constant 2 : i32
      %add3A_167 = arith.addi %add3A_165, %add3A_166 : i32
      %sub3A_168 = arith.constant 4 : i32
      %sub3A_169 = arith.subi %add3A_167, %sub3A_168 : i32
      %ge3A_170 = arith.constant 0 : i32
      %ge3A_171 = arith.cmpi sge, %sub3A_169, %ge3A_170 : i32
      %convert_element_type3A_172 = arith.extui %ge3A_171 : i1 to i32
      %cond3A_173 = arith.constant 0 : i32
      %cond3A_174 = arith.cmpi ne, %convert_element_type3A_172, %cond3A_173 : i32
      scf.if %cond3A_174 {
        %dma_wait3A_202 = arith.constant 1 : i32
        %dma_wait3A_203 = arith.constant 0 : i32
        %dma_wait3A_204 = arith.constant 0 : i32
        %dma_wait3A_205 = tpu.memref_slice %arg9[%dma_wait3A_202, %dma_wait3A_203, %dma_wait3A_204] : memref<4x128x64xf32, #tpu.memory_space<vmem>> -> memref<1x128x64xf32, #tpu.memory_space<vmem>>
        %dma_wait3A_206 = tpu.memref_squeeze %dma_wait3A_205 : memref<1x128x64xf32, #tpu.memory_space<vmem>> -> memref<128x64xf32, #tpu.memory_space<vmem>>
        %dma_wait3A_207 = arith.constant 0 : i32
        %dma_wait3A_208 = tpu.memref_slice %arg8[%add3A_165, %dma_wait3A_207] : memref<80x128xi32, #tpu.memory_space<vmem>> -> memref<1x128xi32, #tpu.memory_space<vmem>>
        %dma_wait3A_209 = tpu.memref_squeeze %dma_wait3A_208 : memref<1x128xi32, #tpu.memory_space<vmem>> -> memref<128xi32, #tpu.memory_space<vmem>>
        %dma_wait3A_210 = arith.constant 0 : i32
        %dma_wait3A_211 = arith.constant 0 : i32
        %dma_wait3A_212 = tpu.memref_slice %arg10[%dma_wait3A_210, %dma_wait3A_211] : memref<10240x64xf32, #tpu.memory_space<vmem_shared>> -> memref<10240x64xf32, #tpu.memory_space<vmem_shared>>
        tpu.wait_indirect_dma semaphore(%arg16 : memref<!tpu.dma_semaphore, #tpu.memory_space<semaphore_mem>>) src(%dma_wait3A_206 : memref<128x64xf32, #tpu.memory_space<vmem>>) dst(%dma_wait3A_212 : memref<10240x64xf32, #tpu.memory_space<vmem_shared>>)
      } else {
      }
      %lt3A_175 = arith.constant 80 : i32
      %lt3A_176 = arith.cmpi slt, %add3A_167, %lt3A_175 : i32
      %convert_element_type3A_177 = arith.extui %lt3A_176 : i1 to i32
      %cond3A_178 = arith.constant 0 : i32
      %cond3A_179 = arith.cmpi ne, %convert_element_type3A_177, %cond3A_178 : i32
      scf.if %cond3A_179 {
        %dma_start3A_202 = arith.constant 1 : i32
        %dma_start3A_203 = arith.constant 0 : i32
        %dma_start3A_204 = arith.constant 0 : i32
        %dma_start3A_205 = tpu.memref_slice %arg9[%dma_start3A_202, %dma_start3A_203, %dma_start3A_204] : memref<4x128x64xf32, #tpu.memory_space<vmem>> -> memref<1x128x64xf32, #tpu.memory_space<vmem>>
        %dma_start3A_206 = tpu.memref_squeeze %dma_start3A_205 : memref<1x128x64xf32, #tpu.memory_space<vmem>> -> memref<128x64xf32, #tpu.memory_space<vmem>>
        %dma_start3A_207 = arith.constant 0 : i32
        %dma_start3A_208 = tpu.memref_slice %arg7[%add3A_167, %dma_start3A_207] : memref<80x128xi32, #tpu.memory_space<vmem>> -> memref<1x128xi32, #tpu.memory_space<vmem>>
        %dma_start3A_209 = tpu.memref_squeeze %dma_start3A_208 : memref<1x128xi32, #tpu.memory_space<vmem>> -> memref<128xi32, #tpu.memory_space<vmem>>
        %dma_start3A_210 = arith.constant 0 : i32
        %dma_start3A_211 = arith.constant 0 : i32
        %dma_start3A_212 = tpu.memref_slice %arg2[%dma_start3A_210, %dma_start3A_211] : memref<10240x64xf32, #tpu.memory_space<hbm>> -> memref<10240x64xf32, #tpu.memory_space<hbm>>
        tpu.enqueue_indirect_dma source(%dma_start3A_212 : memref<10240x64xf32, #tpu.memory_space<hbm>>) target(%dma_start3A_206 : memref<128x64xf32, #tpu.memory_space<vmem>>) offsets(%dma_start3A_209 : memref<128xi32, #tpu.memory_space<vmem>>) semaphore(%arg12 : memref<!tpu.dma_semaphore, #tpu.memory_space<semaphore_mem>>)
      } else {
      }
      %dma_wait3A_180 = arith.constant 3 : i32
      %dma_wait3A_181 = arith.constant 0 : i32
      %dma_wait3A_182 = arith.constant 0 : i32
      %dma_wait3A_183 = tpu.memref_slice %arg9[%dma_wait3A_180, %dma_wait3A_181, %dma_wait3A_182] : memref<4x128x64xf32, #tpu.memory_space<vmem>> -> memref<1x128x64xf32, #tpu.memory_space<vmem>>
      %dma_wait3A_184 = tpu.memref_squeeze %dma_wait3A_183 : memref<1x128x64xf32, #tpu.memory_space<vmem>> -> memref<128x64xf32, #tpu.memory_space<vmem>>
      %dma_wait3A_185 = arith.constant 0 : i32
      %dma_wait3A_186 = tpu.memref_slice %arg7[%add3A_165, %dma_wait3A_185] : memref<80x128xi32, #tpu.memory_space<vmem>> -> memref<1x128xi32, #tpu.memory_space<vmem>>
      %dma_wait3A_187 = tpu.memref_squeeze %dma_wait3A_186 : memref<1x128xi32, #tpu.memory_space<vmem>> -> memref<128xi32, #tpu.memory_space<vmem>>
      %dma_wait3A_188 = arith.constant 0 : i32
      %dma_wait3A_189 = arith.constant 0 : i32
      %dma_wait3A_190 = tpu.memref_slice %arg2[%dma_wait3A_188, %dma_wait3A_189] : memref<10240x64xf32, #tpu.memory_space<hbm>> -> memref<10240x64xf32, #tpu.memory_space<hbm>>
      tpu.wait_indirect_dma semaphore(%arg14 : memref<!tpu.dma_semaphore, #tpu.memory_space<semaphore_mem>>) src(%dma_wait3A_190 : memref<10240x64xf32, #tpu.memory_space<hbm>>) dst(%dma_wait3A_184 : memref<128x64xf32, #tpu.memory_space<vmem>>)
      %dma_start3A_191 = arith.constant 3 : i32
      %dma_start3A_192 = arith.constant 0 : i32
      %dma_start3A_193 = arith.constant 0 : i32
      %dma_start3A_194 = tpu.memref_slice %arg9[%dma_start3A_191, %dma_start3A_192, %dma_start3A_193] : memref<4x128x64xf32, #tpu.memory_space<vmem>> -> memref<1x128x64xf32, #tpu.memory_space<vmem>>
      %dma_start3A_195 = tpu.memref_squeeze %dma_start3A_194 : memref<1x128x64xf32, #tpu.memory_space<vmem>> -> memref<128x64xf32, #tpu.memory_space<vmem>>
      %dma_start3A_196 = arith.constant 0 : i32
      %dma_start3A_197 = tpu.memref_slice %arg8[%add3A_165, %dma_start3A_196] : memref<80x128xi32, #tpu.memory_space<vmem>> -> memref<1x128xi32, #tpu.memory_space<vmem>>
      %dma_start3A_198 = tpu.memref_squeeze %dma_start3A_197 : memref<1x128xi32, #tpu.memory_space<vmem>> -> memref<128xi32, #tpu.memory_space<vmem>>
      %dma_start3A_199 = arith.constant 0 : i32
      %dma_start3A_200 = arith.constant 0 : i32
      %dma_start3A_201 = tpu.memref_slice %arg10[%dma_start3A_199, %dma_start3A_200] : memref<10240x64xf32, #tpu.memory_space<vmem_shared>> -> memref<10240x64xf32, #tpu.memory_space<vmem_shared>>
      tpu.enqueue_indirect_dma source(%dma_start3A_195 : memref<128x64xf32, #tpu.memory_space<vmem>>) target(%dma_start3A_201 : memref<10240x64xf32, #tpu.memory_space<vmem_shared>>) offsets(%dma_start3A_198 : memref<128xi32, #tpu.memory_space<vmem>>) semaphore(%arg18 : memref<!tpu.dma_semaphore, #tpu.memory_space<semaphore_mem>>) {add = true}
    }
    %scan3A_28 = arith.constant 20 : i32
    %dma_wait3A = arith.constant 2 : i32
    %dma_wait3A_29 = arith.constant 79 : i32
    %dma_wait3A_30 = arith.constant 0 : i32
    %dma_wait3A_31 = arith.constant 0 : i32
    %dma_wait3A_32 = tpu.memref_slice %arg9[%dma_wait3A, %dma_wait3A_30, %dma_wait3A_31] : memref<4x128x64xf32, #tpu.memory_space<vmem>> -> memref<1x128x64xf32, #tpu.memory_space<vmem>>
    %dma_wait3A_33 = tpu.memref_squeeze %dma_wait3A_32 : memref<1x128x64xf32, #tpu.memory_space<vmem>> -> memref<128x64xf32, #tpu.memory_space<vmem>>
    %dma_wait3A_34 = arith.constant 0 : i32
    %dma_wait3A_35 = tpu.memref_slice %arg8[%dma_wait3A_29, %dma_wait3A_34] : memref<80x128xi32, #tpu.memory_space<vmem>> -> memref<1x128xi32, #tpu.memory_space<vmem>>
    %dma_wait3A_36 = tpu.memref_squeeze %dma_wait3A_35 : memref<1x128xi32, #tpu.memory_space<vmem>> -> memref<128xi32, #tpu.memory_space<vmem>>
    %dma_wait3A_37 = arith.constant 0 : i32
    %dma_wait3A_38 = arith.constant 0 : i32
    %dma_wait3A_39 = tpu.memref_slice %arg10[%dma_wait3A_37, %dma_wait3A_38] : memref<10240x64xf32, #tpu.memory_space<vmem_shared>> -> memref<10240x64xf32, #tpu.memory_space<vmem_shared>>
    tpu.wait_indirect_dma semaphore(%arg17 : memref<!tpu.dma_semaphore, #tpu.memory_space<semaphore_mem>>) src(%dma_wait3A_33 : memref<128x64xf32, #tpu.memory_space<vmem>>) dst(%dma_wait3A_39 : memref<10240x64xf32, #tpu.memory_space<vmem_shared>>)
    %dma_wait3A_40 = arith.constant 3 : i32
    %dma_wait3A_41 = arith.constant 79 : i32
    %dma_wait3A_42 = arith.constant 0 : i32
    %dma_wait3A_43 = arith.constant 0 : i32
    %dma_wait3A_44 = tpu.memref_slice %arg9[%dma_wait3A_40, %dma_wait3A_42, %dma_wait3A_43] : memref<4x128x64xf32, #tpu.memory_space<vmem>> -> memref<1x128x64xf32, #tpu.memory_space<vmem>>
    %dma_wait3A_45 = tpu.memref_squeeze %dma_wait3A_44 : memref<1x128x64xf32, #tpu.memory_space<vmem>> -> memref<128x64xf32, #tpu.memory_space<vmem>>
    %dma_wait3A_46 = arith.constant 0 : i32
    %dma_wait3A_47 = tpu.memref_slice %arg8[%dma_wait3A_41, %dma_wait3A_46] : memref<80x128xi32, #tpu.memory_space<vmem>> -> memref<1x128xi32, #tpu.memory_space<vmem>>
    %dma_wait3A_48 = tpu.memref_squeeze %dma_wait3A_47 : memref<1x128xi32, #tpu.memory_space<vmem>> -> memref<128xi32, #tpu.memory_space<vmem>>
    %dma_wait3A_49 = arith.constant 0 : i32
    %dma_wait3A_50 = arith.constant 0 : i32
    %dma_wait3A_51 = tpu.memref_slice %arg10[%dma_wait3A_49, %dma_wait3A_50] : memref<10240x64xf32, #tpu.memory_space<vmem_shared>> -> memref<10240x64xf32, #tpu.memory_space<vmem_shared>>
    tpu.wait_indirect_dma semaphore(%arg18 : memref<!tpu.dma_semaphore, #tpu.memory_space<semaphore_mem>>) src(%dma_wait3A_45 : memref<128x64xf32, #tpu.memory_space<vmem>>) dst(%dma_wait3A_51 : memref<10240x64xf32, #tpu.memory_space<vmem_shared>>)
    %barrier3A_52 = arith.constant 0 : index
    tpu.barrier barrier_id(%barrier3A_52)
    "tpu.region"() ({
      %run_scoped3A = tpu.sem_alloc : memref<!tpu.dma_semaphore, #tpu.memory_space<semaphore_mem>>
      %dma_start3A_53 = arith.constant 0 : i32
      %dma_start3A_54 = tpu.memref_slice %arg6[%arg0, %mul3A_0, %dma_start3A_53] : memref<2x10240x64xf32, #tpu.memory_space<hbm>> -> memref<1x640x64xf32, #tpu.memory_space<hbm>>
      %dma_start3A_55 = tpu.memref_squeeze %dma_start3A_54 : memref<1x640x64xf32, #tpu.memory_space<hbm>> -> memref<640x64xf32, #tpu.memory_space<hbm>>
      %dma_start3A_56 = arith.constant 0 : i32
      %dma_start3A_57 = tpu.memref_slice %arg10[%mul3A_0, %dma_start3A_56] : memref<10240x64xf32, #tpu.memory_space<vmem_shared>> -> memref<640x64xf32, #tpu.memory_space<vmem_shared>>
      tpu.enqueue_dma source(%dma_start3A_57 : memref<640x64xf32, #tpu.memory_space<vmem_shared>>) target(%dma_start3A_55 : memref<640x64xf32, #tpu.memory_space<hbm>>) target_semaphore(%run_scoped3A : memref<!tpu.dma_semaphore, #tpu.memory_space<semaphore_mem>>)
      %dma_wait3A_58 = arith.constant 0 : i32
      %dma_wait3A_59 = tpu.memref_slice %arg6[%arg0, %mul3A_0, %dma_wait3A_58] : memref<2x10240x64xf32, #tpu.memory_space<hbm>> -> memref<1x640x64xf32, #tpu.memory_space<hbm>>
      %dma_wait3A_60 = tpu.memref_squeeze %dma_wait3A_59 : memref<1x640x64xf32, #tpu.memory_space<hbm>> -> memref<640x64xf32, #tpu.memory_space<hbm>>
      %dma_wait3A_61 = arith.constant 0 : i32
      %dma_wait3A_62 = tpu.memref_slice %arg10[%mul3A_0, %dma_wait3A_61] : memref<10240x64xf32, #tpu.memory_space<vmem_shared>> -> memref<640x64xf32, #tpu.memory_space<vmem_shared>>
      tpu.wait_dma2 semaphore(%run_scoped3A : memref<!tpu.dma_semaphore, #tpu.memory_space<semaphore_mem>>) src(%dma_wait3A_62 : memref<640x64xf32, #tpu.memory_space<vmem_shared>>) dst(%dma_wait3A_60 : memref<640x64xf32, #tpu.memory_space<hbm>>)
      tpu.yield
    }) : () -> ()
    return
  }
}

#map = affine_map<(d0, d1) -> (0, 0, 0)>
#map1 = affine_map<(d0, d1) -> (0)>
#map2 = affine_map<(d0, d1) -> (0, 0)>
module attributes {stable_mosaic.version = 14 : i64} {
  func.func @_deg_kernel(%arg0: i32, %arg1: i32, %arg2: memref<2x16x10240xi32, #tpu.memory_space<hbm>>, %arg3: memref<10240xf32, #tpu.memory_space<hbm>>, %arg4: memref<2x10240xf32, #tpu.memory_space<hbm>>, %arg5: memref<10240xi32, #tpu.memory_space<vmem>>, %arg6: memref<10240xf32, #tpu.memory_space<vmem>>, %arg7: memref<16x640xf32, #tpu.memory_space<vmem>>, %arg8: memref<640xf32, #tpu.memory_space<vmem>>, %arg9: memref<16x10240xf32, #tpu.memory_space<vmem_shared>>) attributes {dimension_semantics = [#tpu.dimension_semantics<core_parallel>, #tpu.dimension_semantics<subcore_parallel>], iteration_bounds = array<i64: 2, 16>, scalar_prefetch = 0 : i64, scratch_operands = 5 : i64, tpu.core_type = #tpu.core_type<sc_vector_subcore>, window_params = [{transform_indices = #map}, {transform_indices = #map1}, {transform_indices = #map2}]} {
    "tpu.region"() ({
      %run_scoped3A_44 = tpu.sem_alloc : memref<!tpu.dma_semaphore, #tpu.memory_space<semaphore_mem>>
      tpu.enqueue_dma source(%arg3 : memref<10240xf32, #tpu.memory_space<hbm>>) target(%arg6 : memref<10240xf32, #tpu.memory_space<vmem>>) target_semaphore(%run_scoped3A_44 : memref<!tpu.dma_semaphore, #tpu.memory_space<semaphore_mem>>)
      tpu.wait_dma2 semaphore(%run_scoped3A_44 : memref<!tpu.dma_semaphore, #tpu.memory_space<semaphore_mem>>) src(%arg3 : memref<10240xf32, #tpu.memory_space<hbm>>) dst(%arg6 : memref<10240xf32, #tpu.memory_space<vmem>>)
      tpu.yield
    }) : () -> ()
    "tpu.region"() ({
      %run_scoped3A_44 = tpu.sem_alloc : memref<!tpu.dma_semaphore, #tpu.memory_space<semaphore_mem>>
      %dma_start3A = arith.constant 0 : i32
      %dma_start3A_45 = tpu.memref_slice %arg2[%arg0, %arg1, %dma_start3A] : memref<2x16x10240xi32, #tpu.memory_space<hbm>> -> memref<1x1x10240xi32, #tpu.memory_space<hbm>>
      %dma_start3A_46 = tpu.memref_squeeze %dma_start3A_45 : memref<1x1x10240xi32, #tpu.memory_space<hbm>> -> memref<10240xi32, #tpu.memory_space<hbm>>
      %dma_start3A_47 = arith.constant 0 : i32
      %dma_start3A_48 = tpu.memref_slice %arg2[%arg0, %arg1, %dma_start3A_47] : memref<2x16x10240xi32, #tpu.memory_space<hbm>> -> memref<1x1x10240xi32, #tpu.memory_space<hbm>>
      %dma_start3A_49 = tpu.memref_squeeze %dma_start3A_48 : memref<1x1x10240xi32, #tpu.memory_space<hbm>> -> memref<10240xi32, #tpu.memory_space<hbm>>
      tpu.enqueue_dma source(%dma_start3A_49 : memref<10240xi32, #tpu.memory_space<hbm>>) target(%arg5 : memref<10240xi32, #tpu.memory_space<vmem>>) target_semaphore(%run_scoped3A_44 : memref<!tpu.dma_semaphore, #tpu.memory_space<semaphore_mem>>)
      %dma_wait3A = arith.constant 0 : i32
      %dma_wait3A_50 = tpu.memref_slice %arg2[%arg0, %arg1, %dma_wait3A] : memref<2x16x10240xi32, #tpu.memory_space<hbm>> -> memref<1x1x10240xi32, #tpu.memory_space<hbm>>
      %dma_wait3A_51 = tpu.memref_squeeze %dma_wait3A_50 : memref<1x1x10240xi32, #tpu.memory_space<hbm>> -> memref<10240xi32, #tpu.memory_space<hbm>>
      %dma_wait3A_52 = arith.constant 0 : i32
      %dma_wait3A_53 = tpu.memref_slice %arg2[%arg0, %arg1, %dma_wait3A_52] : memref<2x16x10240xi32, #tpu.memory_space<hbm>> -> memref<1x1x10240xi32, #tpu.memory_space<hbm>>
      %dma_wait3A_54 = tpu.memref_squeeze %dma_wait3A_53 : memref<1x1x10240xi32, #tpu.memory_space<hbm>> -> memref<10240xi32, #tpu.memory_space<hbm>>
      tpu.wait_dma2 semaphore(%run_scoped3A_44 : memref<!tpu.dma_semaphore, #tpu.memory_space<semaphore_mem>>) src(%dma_wait3A_54 : memref<10240xi32, #tpu.memory_space<hbm>>) dst(%arg5 : memref<10240xi32, #tpu.memory_space<vmem>>)
      tpu.yield
    }) : () -> ()
    %broadcast_in_dim3A = arith.constant 1.000000e+00 : f32
    %broadcast_in_dim3A_0 = vector.broadcast %broadcast_in_dim3A : f32 to vector<16xf32>
    %scan3A = arith.constant 0 : i32
    %scan3A_1 = arith.constant 0 : i32
    %scan3A_2 = arith.constant 640 : i32
    %scan3A_3 = arith.addi %scan3A_1, %scan3A_2 : i32
    %scan3A_4 = arith.constant 1 : i32
    scf.for %scan3A_44 = %scan3A_1 to %scan3A_3 step %scan3A_4  : i32 {
      %mul3A_45 = arith.constant 16 : i32
      %mul3A_46 = arith.muli %scan3A_44, %mul3A_45 : i32
      %get3A = arith.index_cast %mul3A_46 : i32 to index
      %get3A_47 = tpu.vector_load %arg5[%get3A] {strides = array<i32>} : memref<10240xi32, #tpu.memory_space<vmem>>, vector<16xi32>,
      tpu.vector_store_idx %arg6[%get3A_47], %broadcast_in_dim3A_0 {add = true} : memref<10240xf32, #tpu.memory_space<vmem>>[vector<16xi32>], vector<16xf32>,
    }
    %scan3A_5 = arith.constant 640 : i32
    "tpu.region"() ({
      %run_scoped3A_44 = tpu.sem_alloc : memref<!tpu.dma_semaphore, #tpu.memory_space<semaphore_mem>>
      %dma_start3A = arith.constant 0 : i32
      %dma_start3A_45 = tpu.memref_slice %arg9[%arg1, %dma_start3A] : memref<16x10240xf32, #tpu.memory_space<vmem_shared>> -> memref<1x10240xf32, #tpu.memory_space<vmem_shared>>
      %dma_start3A_46 = tpu.memref_squeeze %dma_start3A_45 : memref<1x10240xf32, #tpu.memory_space<vmem_shared>> -> memref<10240xf32, #tpu.memory_space<vmem_shared>>
      %dma_start3A_47 = arith.constant 0 : i32
      %dma_start3A_48 = tpu.memref_slice %arg9[%arg1, %dma_start3A_47] : memref<16x10240xf32, #tpu.memory_space<vmem_shared>> -> memref<1x10240xf32, #tpu.memory_space<vmem_shared>>
      %dma_start3A_49 = tpu.memref_squeeze %dma_start3A_48 : memref<1x10240xf32, #tpu.memory_space<vmem_shared>> -> memref<10240xf32, #tpu.memory_space<vmem_shared>>
      tpu.enqueue_dma source(%arg6 : memref<10240xf32, #tpu.memory_space<vmem>>) target(%dma_start3A_49 : memref<10240xf32, #tpu.memory_space<vmem_shared>>) target_semaphore(%run_scoped3A_44 : memref<!tpu.dma_semaphore, #tpu.memory_space<semaphore_mem>>)
      %dma_wait3A = arith.constant 0 : i32
      %dma_wait3A_50 = tpu.memref_slice %arg9[%arg1, %dma_wait3A] : memref<16x10240xf32, #tpu.memory_space<vmem_shared>> -> memref<1x10240xf32, #tpu.memory_space<vmem_shared>>
      %dma_wait3A_51 = tpu.memref_squeeze %dma_wait3A_50 : memref<1x10240xf32, #tpu.memory_space<vmem_shared>> -> memref<10240xf32, #tpu.memory_space<vmem_shared>>
      %dma_wait3A_52 = arith.constant 0 : i32
      %dma_wait3A_53 = tpu.memref_slice %arg9[%arg1, %dma_wait3A_52] : memref<16x10240xf32, #tpu.memory_space<vmem_shared>> -> memref<1x10240xf32, #tpu.memory_space<vmem_shared>>
      %dma_wait3A_54 = tpu.memref_squeeze %dma_wait3A_53 : memref<1x10240xf32, #tpu.memory_space<vmem_shared>> -> memref<10240xf32, #tpu.memory_space<vmem_shared>>
      tpu.wait_dma2 semaphore(%run_scoped3A_44 : memref<!tpu.dma_semaphore, #tpu.memory_space<semaphore_mem>>) src(%arg6 : memref<10240xf32, #tpu.memory_space<vmem>>) dst(%dma_wait3A_54 : memref<10240xf32, #tpu.memory_space<vmem_shared>>)
      tpu.yield
    }) : () -> ()
    %barrier3A = arith.constant 0 : index
    tpu.barrier barrier_id(%barrier3A)
    %mul3A = arith.constant 640 : i32
    %mul3A_6 = arith.muli %arg1, %mul3A : i32
    %run_scoped3A = arith.constant 0 : i32
    %run_scoped3A_7 = arith.constant 0 : i32
    "tpu.region"() ({
      %run_scoped3A_44 = tpu.sem_alloc : memref<!tpu.dma_semaphore, #tpu.memory_space<semaphore_mem>>
      %dma_start3A = arith.constant 0 : i32
      %dma_start3A_45 = tpu.memref_slice %arg7[%run_scoped3A_7, %dma_start3A] : memref<16x640xf32, #tpu.memory_space<vmem>> -> memref<1x640xf32, #tpu.memory_space<vmem>>
      %dma_start3A_46 = tpu.memref_squeeze %dma_start3A_45 : memref<1x640xf32, #tpu.memory_space<vmem>> -> memref<640xf32, #tpu.memory_space<vmem>>
      %dma_start3A_47 = tpu.memref_slice %arg9[%run_scoped3A, %mul3A_6] : memref<16x10240xf32, #tpu.memory_space<vmem_shared>> -> memref<1x640xf32, #tpu.memory_space<vmem_shared>>
      %dma_start3A_48 = tpu.memref_squeeze %dma_start3A_47 : memref<1x640xf32, #tpu.memory_space<vmem_shared>> -> memref<640xf32, #tpu.memory_space<vmem_shared>>
      %dma_start3A_49 = arith.constant 0 : i32
      %dma_start3A_50 = tpu.memref_slice %arg7[%run_scoped3A_7, %dma_start3A_49] : memref<16x640xf32, #tpu.memory_space<vmem>> -> memref<1x640xf32, #tpu.memory_space<vmem>>
      %dma_start3A_51 = tpu.memref_squeeze %dma_start3A_50 : memref<1x640xf32, #tpu.memory_space<vmem>> -> memref<640xf32, #tpu.memory_space<vmem>>
      %dma_start3A_52 = tpu.memref_slice %arg9[%run_scoped3A, %mul3A_6] : memref<16x10240xf32, #tpu.memory_space<vmem_shared>> -> memref<1x640xf32, #tpu.memory_space<vmem_shared>>
      %dma_start3A_53 = tpu.memref_squeeze %dma_start3A_52 : memref<1x640xf32, #tpu.memory_space<vmem_shared>> -> memref<640xf32, #tpu.memory_space<vmem_shared>>
      tpu.enqueue_dma source(%dma_start3A_53 : memref<640xf32, #tpu.memory_space<vmem_shared>>) target(%dma_start3A_51 : memref<640xf32, #tpu.memory_space<vmem>>) target_semaphore(%run_scoped3A_44 : memref<!tpu.dma_semaphore, #tpu.memory_space<semaphore_mem>>)
      %dma_wait3A = arith.constant 0 : i32
      %dma_wait3A_54 = tpu.memref_slice %arg7[%run_scoped3A_7, %dma_wait3A] : memref<16x640xf32, #tpu.memory_space<vmem>> -> memref<1x640xf32, #tpu.memory_space<vmem>>
      %dma_wait3A_55 = tpu.memref_squeeze %dma_wait3A_54 : memref<1x640xf32, #tpu.memory_space<vmem>> -> memref<640xf32, #tpu.memory_space<vmem>>
      %dma_wait3A_56 = tpu.memref_slice %arg9[%run_scoped3A, %mul3A_6] : memref<16x10240xf32, #tpu.memory_space<vmem_shared>> -> memref<1x640xf32, #tpu.memory_space<vmem_shared>>
      %dma_wait3A_57 = tpu.memref_squeeze %dma_wait3A_56 : memref<1x640xf32, #tpu.memory_space<vmem_shared>> -> memref<640xf32, #tpu.memory_space<vmem_shared>>
      %dma_wait3A_58 = arith.constant 0 : i32
      %dma_wait3A_59 = tpu.memref_slice %arg7[%run_scoped3A_7, %dma_wait3A_58] : memref<16x640xf32, #tpu.memory_space<vmem>> -> memref<1x640xf32, #tpu.memory_space<vmem>>
      %dma_wait3A_60 = tpu.memref_squeeze %dma_wait3A_59 : memref<1x640xf32, #tpu.memory_space<vmem>> -> memref<640xf32, #tpu.memory_space<vmem>>
      %dma_wait3A_61 = tpu.memref_slice %arg9[%run_scoped3A, %mul3A_6] : memref<16x10240xf32, #tpu.memory_space<vmem_shared>> -> memref<1x640xf32, #tpu.memory_space<vmem_shared>>
      %dma_wait3A_62 = tpu.memref_squeeze %dma_wait3A_61 : memref<1x640xf32, #tpu.memory_space<vmem_shared>> -> memref<640xf32, #tpu.memory_space<vmem_shared>>
      tpu.wait_dma2 semaphore(%run_scoped3A_44 : memref<!tpu.dma_semaphore, #tpu.memory_space<semaphore_mem>>) src(%dma_wait3A_62 : memref<640xf32, #tpu.memory_space<vmem_shared>>) dst(%dma_wait3A_60 : memref<640xf32, #tpu.memory_space<vmem>>)
      tpu.yield
    }) : () -> ()
    %run_scoped3A_8 = arith.constant 1 : i32
    %run_scoped3A_9 = arith.constant 1 : i32
    "tpu.region"() ({
      %run_scoped3A_44 = tpu.sem_alloc : memref<!tpu.dma_semaphore, #tpu.memory_space<semaphore_mem>>
      %dma_start3A = arith.constant 0 : i32
      %dma_start3A_45 = tpu.memref_slice %arg7[%run_scoped3A_9, %dma_start3A] : memref<16x640xf32, #tpu.memory_space<vmem>> -> memref<1x640xf32, #tpu.memory_space<vmem>>
      %dma_start3A_46 = tpu.memref_squeeze %dma_start3A_45 : memref<1x640xf32, #tpu.memory_space<vmem>> -> memref<640xf32, #tpu.memory_space<vmem>>
      %dma_start3A_47 = tpu.memref_slice %arg9[%run_scoped3A_8, %mul3A_6] : memref<16x10240xf32, #tpu.memory_space<vmem_shared>> -> memref<1x640xf32, #tpu.memory_space<vmem_shared>>
      %dma_start3A_48 = tpu.memref_squeeze %dma_start3A_47 : memref<1x640xf32, #tpu.memory_space<vmem_shared>> -> memref<640xf32, #tpu.memory_space<vmem_shared>>
      %dma_start3A_49 = arith.constant 0 : i32
      %dma_start3A_50 = tpu.memref_slice %arg7[%run_scoped3A_9, %dma_start3A_49] : memref<16x640xf32, #tpu.memory_space<vmem>> -> memref<1x640xf32, #tpu.memory_space<vmem>>
      %dma_start3A_51 = tpu.memref_squeeze %dma_start3A_50 : memref<1x640xf32, #tpu.memory_space<vmem>> -> memref<640xf32, #tpu.memory_space<vmem>>
      %dma_start3A_52 = tpu.memref_slice %arg9[%run_scoped3A_8, %mul3A_6] : memref<16x10240xf32, #tpu.memory_space<vmem_shared>> -> memref<1x640xf32, #tpu.memory_space<vmem_shared>>
      %dma_start3A_53 = tpu.memref_squeeze %dma_start3A_52 : memref<1x640xf32, #tpu.memory_space<vmem_shared>> -> memref<640xf32, #tpu.memory_space<vmem_shared>>
      tpu.enqueue_dma source(%dma_start3A_53 : memref<640xf32, #tpu.memory_space<vmem_shared>>) target(%dma_start3A_51 : memref<640xf32, #tpu.memory_space<vmem>>) target_semaphore(%run_scoped3A_44 : memref<!tpu.dma_semaphore, #tpu.memory_space<semaphore_mem>>)
      %dma_wait3A = arith.constant 0 : i32
      %dma_wait3A_54 = tpu.memref_slice %arg7[%run_scoped3A_9, %dma_wait3A] : memref<16x640xf32, #tpu.memory_space<vmem>> -> memref<1x640xf32, #tpu.memory_space<vmem>>
      %dma_wait3A_55 = tpu.memref_squeeze %dma_wait3A_54 : memref<1x640xf32, #tpu.memory_space<vmem>> -> memref<640xf32, #tpu.memory_space<vmem>>
      %dma_wait3A_56 = tpu.memref_slice %arg9[%run_scoped3A_8, %mul3A_6] : memref<16x10240xf32, #tpu.memory_space<vmem_shared>> -> memref<1x640xf32, #tpu.memory_space<vmem_shared>>
      %dma_wait3A_57 = tpu.memref_squeeze %dma_wait3A_56 : memref<1x640xf32, #tpu.memory_space<vmem_shared>> -> memref<640xf32, #tpu.memory_space<vmem_shared>>
      %dma_wait3A_58 = arith.constant 0 : i32
      %dma_wait3A_59 = tpu.memref_slice %arg7[%run_scoped3A_9, %dma_wait3A_58] : memref<16x640xf32, #tpu.memory_space<vmem>> -> memref<1x640xf32, #tpu.memory_space<vmem>>
      %dma_wait3A_60 = tpu.memref_squeeze %dma_wait3A_59 : memref<1x640xf32, #tpu.memory_space<vmem>> -> memref<640xf32, #tpu.memory_space<vmem>>
      %dma_wait3A_61 = tpu.memref_slice %arg9[%run_scoped3A_8, %mul3A_6] : memref<16x10240xf32, #tpu.memory_space<vmem_shared>> -> memref<1x640xf32, #tpu.memory_space<vmem_shared>>
      %dma_wait3A_62 = tpu.memref_squeeze %dma_wait3A_61 : memref<1x640xf32, #tpu.memory_space<vmem_shared>> -> memref<640xf32, #tpu.memory_space<vmem_shared>>
      tpu.wait_dma2 semaphore(%run_scoped3A_44 : memref<!tpu.dma_semaphore, #tpu.memory_space<semaphore_mem>>) src(%dma_wait3A_62 : memref<640xf32, #tpu.memory_space<vmem_shared>>) dst(%dma_wait3A_60 : memref<640xf32, #tpu.memory_space<vmem>>)
      tpu.yield
    }) : () -> ()
    %run_scoped3A_10 = arith.constant 2 : i32
    %run_scoped3A_11 = arith.constant 2 : i32
    "tpu.region"() ({
      %run_scoped3A_44 = tpu.sem_alloc : memref<!tpu.dma_semaphore, #tpu.memory_space<semaphore_mem>>
      %dma_start3A = arith.constant 0 : i32
      %dma_start3A_45 = tpu.memref_slice %arg7[%run_scoped3A_11, %dma_start3A] : memref<16x640xf32, #tpu.memory_space<vmem>> -> memref<1x640xf32, #tpu.memory_space<vmem>>
      %dma_start3A_46 = tpu.memref_squeeze %dma_start3A_45 : memref<1x640xf32, #tpu.memory_space<vmem>> -> memref<640xf32, #tpu.memory_space<vmem>>
      %dma_start3A_47 = tpu.memref_slice %arg9[%run_scoped3A_10, %mul3A_6] : memref<16x10240xf32, #tpu.memory_space<vmem_shared>> -> memref<1x640xf32, #tpu.memory_space<vmem_shared>>
      %dma_start3A_48 = tpu.memref_squeeze %dma_start3A_47 : memref<1x640xf32, #tpu.memory_space<vmem_shared>> -> memref<640xf32, #tpu.memory_space<vmem_shared>>
      %dma_start3A_49 = arith.constant 0 : i32
      %dma_start3A_50 = tpu.memref_slice %arg7[%run_scoped3A_11, %dma_start3A_49] : memref<16x640xf32, #tpu.memory_space<vmem>> -> memref<1x640xf32, #tpu.memory_space<vmem>>
      %dma_start3A_51 = tpu.memref_squeeze %dma_start3A_50 : memref<1x640xf32, #tpu.memory_space<vmem>> -> memref<640xf32, #tpu.memory_space<vmem>>
      %dma_start3A_52 = tpu.memref_slice %arg9[%run_scoped3A_10, %mul3A_6] : memref<16x10240xf32, #tpu.memory_space<vmem_shared>> -> memref<1x640xf32, #tpu.memory_space<vmem_shared>>
      %dma_start3A_53 = tpu.memref_squeeze %dma_start3A_52 : memref<1x640xf32, #tpu.memory_space<vmem_shared>> -> memref<640xf32, #tpu.memory_space<vmem_shared>>
      tpu.enqueue_dma source(%dma_start3A_53 : memref<640xf32, #tpu.memory_space<vmem_shared>>) target(%dma_start3A_51 : memref<640xf32, #tpu.memory_space<vmem>>) target_semaphore(%run_scoped3A_44 : memref<!tpu.dma_semaphore, #tpu.memory_space<semaphore_mem>>)
      %dma_wait3A = arith.constant 0 : i32
      %dma_wait3A_54 = tpu.memref_slice %arg7[%run_scoped3A_11, %dma_wait3A] : memref<16x640xf32, #tpu.memory_space<vmem>> -> memref<1x640xf32, #tpu.memory_space<vmem>>
      %dma_wait3A_55 = tpu.memref_squeeze %dma_wait3A_54 : memref<1x640xf32, #tpu.memory_space<vmem>> -> memref<640xf32, #tpu.memory_space<vmem>>
      %dma_wait3A_56 = tpu.memref_slice %arg9[%run_scoped3A_10, %mul3A_6] : memref<16x10240xf32, #tpu.memory_space<vmem_shared>> -> memref<1x640xf32, #tpu.memory_space<vmem_shared>>
      %dma_wait3A_57 = tpu.memref_squeeze %dma_wait3A_56 : memref<1x640xf32, #tpu.memory_space<vmem_shared>> -> memref<640xf32, #tpu.memory_space<vmem_shared>>
      %dma_wait3A_58 = arith.constant 0 : i32
      %dma_wait3A_59 = tpu.memref_slice %arg7[%run_scoped3A_11, %dma_wait3A_58] : memref<16x640xf32, #tpu.memory_space<vmem>> -> memref<1x640xf32, #tpu.memory_space<vmem>>
      %dma_wait3A_60 = tpu.memref_squeeze %dma_wait3A_59 : memref<1x640xf32, #tpu.memory_space<vmem>> -> memref<640xf32, #tpu.memory_space<vmem>>
      %dma_wait3A_61 = tpu.memref_slice %arg9[%run_scoped3A_10, %mul3A_6] : memref<16x10240xf32, #tpu.memory_space<vmem_shared>> -> memref<1x640xf32, #tpu.memory_space<vmem_shared>>
      %dma_wait3A_62 = tpu.memref_squeeze %dma_wait3A_61 : memref<1x640xf32, #tpu.memory_space<vmem_shared>> -> memref<640xf32, #tpu.memory_space<vmem_shared>>
      tpu.wait_dma2 semaphore(%run_scoped3A_44 : memref<!tpu.dma_semaphore, #tpu.memory_space<semaphore_mem>>) src(%dma_wait3A_62 : memref<640xf32, #tpu.memory_space<vmem_shared>>) dst(%dma_wait3A_60 : memref<640xf32, #tpu.memory_space<vmem>>)
      tpu.yield
    }) : () -> ()
    %run_scoped3A_12 = arith.constant 3 : i32
    %run_scoped3A_13 = arith.constant 3 : i32
    "tpu.region"() ({
      %run_scoped3A_44 = tpu.sem_alloc : memref<!tpu.dma_semaphore, #tpu.memory_space<semaphore_mem>>
      %dma_start3A = arith.constant 0 : i32
      %dma_start3A_45 = tpu.memref_slice %arg7[%run_scoped3A_13, %dma_start3A] : memref<16x640xf32, #tpu.memory_space<vmem>> -> memref<1x640xf32, #tpu.memory_space<vmem>>
      %dma_start3A_46 = tpu.memref_squeeze %dma_start3A_45 : memref<1x640xf32, #tpu.memory_space<vmem>> -> memref<640xf32, #tpu.memory_space<vmem>>
      %dma_start3A_47 = tpu.memref_slice %arg9[%run_scoped3A_12, %mul3A_6] : memref<16x10240xf32, #tpu.memory_space<vmem_shared>> -> memref<1x640xf32, #tpu.memory_space<vmem_shared>>
      %dma_start3A_48 = tpu.memref_squeeze %dma_start3A_47 : memref<1x640xf32, #tpu.memory_space<vmem_shared>> -> memref<640xf32, #tpu.memory_space<vmem_shared>>
      %dma_start3A_49 = arith.constant 0 : i32
      %dma_start3A_50 = tpu.memref_slice %arg7[%run_scoped3A_13, %dma_start3A_49] : memref<16x640xf32, #tpu.memory_space<vmem>> -> memref<1x640xf32, #tpu.memory_space<vmem>>
      %dma_start3A_51 = tpu.memref_squeeze %dma_start3A_50 : memref<1x640xf32, #tpu.memory_space<vmem>> -> memref<640xf32, #tpu.memory_space<vmem>>
      %dma_start3A_52 = tpu.memref_slice %arg9[%run_scoped3A_12, %mul3A_6] : memref<16x10240xf32, #tpu.memory_space<vmem_shared>> -> memref<1x640xf32, #tpu.memory_space<vmem_shared>>
      %dma_start3A_53 = tpu.memref_squeeze %dma_start3A_52 : memref<1x640xf32, #tpu.memory_space<vmem_shared>> -> memref<640xf32, #tpu.memory_space<vmem_shared>>
      tpu.enqueue_dma source(%dma_start3A_53 : memref<640xf32, #tpu.memory_space<vmem_shared>>) target(%dma_start3A_51 : memref<640xf32, #tpu.memory_space<vmem>>) target_semaphore(%run_scoped3A_44 : memref<!tpu.dma_semaphore, #tpu.memory_space<semaphore_mem>>)
      %dma_wait3A = arith.constant 0 : i32
      %dma_wait3A_54 = tpu.memref_slice %arg7[%run_scoped3A_13, %dma_wait3A] : memref<16x640xf32, #tpu.memory_space<vmem>> -> memref<1x640xf32, #tpu.memory_space<vmem>>
      %dma_wait3A_55 = tpu.memref_squeeze %dma_wait3A_54 : memref<1x640xf32, #tpu.memory_space<vmem>> -> memref<640xf32, #tpu.memory_space<vmem>>
      %dma_wait3A_56 = tpu.memref_slice %arg9[%run_scoped3A_12, %mul3A_6] : memref<16x10240xf32, #tpu.memory_space<vmem_shared>> -> memref<1x640xf32, #tpu.memory_space<vmem_shared>>
      %dma_wait3A_57 = tpu.memref_squeeze %dma_wait3A_56 : memref<1x640xf32, #tpu.memory_space<vmem_shared>> -> memref<640xf32, #tpu.memory_space<vmem_shared>>
      %dma_wait3A_58 = arith.constant 0 : i32
      %dma_wait3A_59 = tpu.memref_slice %arg7[%run_scoped3A_13, %dma_wait3A_58] : memref<16x640xf32, #tpu.memory_space<vmem>> -> memref<1x640xf32, #tpu.memory_space<vmem>>
      %dma_wait3A_60 = tpu.memref_squeeze %dma_wait3A_59 : memref<1x640xf32, #tpu.memory_space<vmem>> -> memref<640xf32, #tpu.memory_space<vmem>>
      %dma_wait3A_61 = tpu.memref_slice %arg9[%run_scoped3A_12, %mul3A_6] : memref<16x10240xf32, #tpu.memory_space<vmem_shared>> -> memref<1x640xf32, #tpu.memory_space<vmem_shared>>
      %dma_wait3A_62 = tpu.memref_squeeze %dma_wait3A_61 : memref<1x640xf32, #tpu.memory_space<vmem_shared>> -> memref<640xf32, #tpu.memory_space<vmem_shared>>
      tpu.wait_dma2 semaphore(%run_scoped3A_44 : memref<!tpu.dma_semaphore, #tpu.memory_space<semaphore_mem>>) src(%dma_wait3A_62 : memref<640xf32, #tpu.memory_space<vmem_shared>>) dst(%dma_wait3A_60 : memref<640xf32, #tpu.memory_space<vmem>>)
      tpu.yield
    }) : () -> ()
    %run_scoped3A_14 = arith.constant 4 : i32
    %run_scoped3A_15 = arith.constant 4 : i32
    "tpu.region"() ({
      %run_scoped3A_44 = tpu.sem_alloc : memref<!tpu.dma_semaphore, #tpu.memory_space<semaphore_mem>>
      %dma_start3A = arith.constant 0 : i32
      %dma_start3A_45 = tpu.memref_slice %arg7[%run_scoped3A_15, %dma_start3A] : memref<16x640xf32, #tpu.memory_space<vmem>> -> memref<1x640xf32, #tpu.memory_space<vmem>>
      %dma_start3A_46 = tpu.memref_squeeze %dma_start3A_45 : memref<1x640xf32, #tpu.memory_space<vmem>> -> memref<640xf32, #tpu.memory_space<vmem>>
      %dma_start3A_47 = tpu.memref_slice %arg9[%run_scoped3A_14, %mul3A_6] : memref<16x10240xf32, #tpu.memory_space<vmem_shared>> -> memref<1x640xf32, #tpu.memory_space<vmem_shared>>
      %dma_start3A_48 = tpu.memref_squeeze %dma_start3A_47 : memref<1x640xf32, #tpu.memory_space<vmem_shared>> -> memref<640xf32, #tpu.memory_space<vmem_shared>>
      %dma_start3A_49 = arith.constant 0 : i32
      %dma_start3A_50 = tpu.memref_slice %arg7[%run_scoped3A_15, %dma_start3A_49] : memref<16x640xf32, #tpu.memory_space<vmem>> -> memref<1x640xf32, #tpu.memory_space<vmem>>
      %dma_start3A_51 = tpu.memref_squeeze %dma_start3A_50 : memref<1x640xf32, #tpu.memory_space<vmem>> -> memref<640xf32, #tpu.memory_space<vmem>>
      %dma_start3A_52 = tpu.memref_slice %arg9[%run_scoped3A_14, %mul3A_6] : memref<16x10240xf32, #tpu.memory_space<vmem_shared>> -> memref<1x640xf32, #tpu.memory_space<vmem_shared>>
      %dma_start3A_53 = tpu.memref_squeeze %dma_start3A_52 : memref<1x640xf32, #tpu.memory_space<vmem_shared>> -> memref<640xf32, #tpu.memory_space<vmem_shared>>
      tpu.enqueue_dma source(%dma_start3A_53 : memref<640xf32, #tpu.memory_space<vmem_shared>>) target(%dma_start3A_51 : memref<640xf32, #tpu.memory_space<vmem>>) target_semaphore(%run_scoped3A_44 : memref<!tpu.dma_semaphore, #tpu.memory_space<semaphore_mem>>)
      %dma_wait3A = arith.constant 0 : i32
      %dma_wait3A_54 = tpu.memref_slice %arg7[%run_scoped3A_15, %dma_wait3A] : memref<16x640xf32, #tpu.memory_space<vmem>> -> memref<1x640xf32, #tpu.memory_space<vmem>>
      %dma_wait3A_55 = tpu.memref_squeeze %dma_wait3A_54 : memref<1x640xf32, #tpu.memory_space<vmem>> -> memref<640xf32, #tpu.memory_space<vmem>>
      %dma_wait3A_56 = tpu.memref_slice %arg9[%run_scoped3A_14, %mul3A_6] : memref<16x10240xf32, #tpu.memory_space<vmem_shared>> -> memref<1x640xf32, #tpu.memory_space<vmem_shared>>
      %dma_wait3A_57 = tpu.memref_squeeze %dma_wait3A_56 : memref<1x640xf32, #tpu.memory_space<vmem_shared>> -> memref<640xf32, #tpu.memory_space<vmem_shared>>
      %dma_wait3A_58 = arith.constant 0 : i32
      %dma_wait3A_59 = tpu.memref_slice %arg7[%run_scoped3A_15, %dma_wait3A_58] : memref<16x640xf32, #tpu.memory_space<vmem>> -> memref<1x640xf32, #tpu.memory_space<vmem>>
      %dma_wait3A_60 = tpu.memref_squeeze %dma_wait3A_59 : memref<1x640xf32, #tpu.memory_space<vmem>> -> memref<640xf32, #tpu.memory_space<vmem>>
      %dma_wait3A_61 = tpu.memref_slice %arg9[%run_scoped3A_14, %mul3A_6] : memref<16x10240xf32, #tpu.memory_space<vmem_shared>> -> memref<1x640xf32, #tpu.memory_space<vmem_shared>>
      %dma_wait3A_62 = tpu.memref_squeeze %dma_wait3A_61 : memref<1x640xf32, #tpu.memory_space<vmem_shared>> -> memref<640xf32, #tpu.memory_space<vmem_shared>>
      tpu.wait_dma2 semaphore(%run_scoped3A_44 : memref<!tpu.dma_semaphore, #tpu.memory_space<semaphore_mem>>) src(%dma_wait3A_62 : memref<640xf32, #tpu.memory_space<vmem_shared>>) dst(%dma_wait3A_60 : memref<640xf32, #tpu.memory_space<vmem>>)
      tpu.yield
    }) : () -> ()
    %run_scoped3A_16 = arith.constant 5 : i32
    %run_scoped3A_17 = arith.constant 5 : i32
    "tpu.region"() ({
      %run_scoped3A_44 = tpu.sem_alloc : memref<!tpu.dma_semaphore, #tpu.memory_space<semaphore_mem>>
      %dma_start3A = arith.constant 0 : i32
      %dma_start3A_45 = tpu.memref_slice %arg7[%run_scoped3A_17, %dma_start3A] : memref<16x640xf32, #tpu.memory_space<vmem>> -> memref<1x640xf32, #tpu.memory_space<vmem>>
      %dma_start3A_46 = tpu.memref_squeeze %dma_start3A_45 : memref<1x640xf32, #tpu.memory_space<vmem>> -> memref<640xf32, #tpu.memory_space<vmem>>
      %dma_start3A_47 = tpu.memref_slice %arg9[%run_scoped3A_16, %mul3A_6] : memref<16x10240xf32, #tpu.memory_space<vmem_shared>> -> memref<1x640xf32, #tpu.memory_space<vmem_shared>>
      %dma_start3A_48 = tpu.memref_squeeze %dma_start3A_47 : memref<1x640xf32, #tpu.memory_space<vmem_shared>> -> memref<640xf32, #tpu.memory_space<vmem_shared>>
      %dma_start3A_49 = arith.constant 0 : i32
      %dma_start3A_50 = tpu.memref_slice %arg7[%run_scoped3A_17, %dma_start3A_49] : memref<16x640xf32, #tpu.memory_space<vmem>> -> memref<1x640xf32, #tpu.memory_space<vmem>>
      %dma_start3A_51 = tpu.memref_squeeze %dma_start3A_50 : memref<1x640xf32, #tpu.memory_space<vmem>> -> memref<640xf32, #tpu.memory_space<vmem>>
      %dma_start3A_52 = tpu.memref_slice %arg9[%run_scoped3A_16, %mul3A_6] : memref<16x10240xf32, #tpu.memory_space<vmem_shared>> -> memref<1x640xf32, #tpu.memory_space<vmem_shared>>
      %dma_start3A_53 = tpu.memref_squeeze %dma_start3A_52 : memref<1x640xf32, #tpu.memory_space<vmem_shared>> -> memref<640xf32, #tpu.memory_space<vmem_shared>>
      tpu.enqueue_dma source(%dma_start3A_53 : memref<640xf32, #tpu.memory_space<vmem_shared>>) target(%dma_start3A_51 : memref<640xf32, #tpu.memory_space<vmem>>) target_semaphore(%run_scoped3A_44 : memref<!tpu.dma_semaphore, #tpu.memory_space<semaphore_mem>>)
      %dma_wait3A = arith.constant 0 : i32
      %dma_wait3A_54 = tpu.memref_slice %arg7[%run_scoped3A_17, %dma_wait3A] : memref<16x640xf32, #tpu.memory_space<vmem>> -> memref<1x640xf32, #tpu.memory_space<vmem>>
      %dma_wait3A_55 = tpu.memref_squeeze %dma_wait3A_54 : memref<1x640xf32, #tpu.memory_space<vmem>> -> memref<640xf32, #tpu.memory_space<vmem>>
      %dma_wait3A_56 = tpu.memref_slice %arg9[%run_scoped3A_16, %mul3A_6] : memref<16x10240xf32, #tpu.memory_space<vmem_shared>> -> memref<1x640xf32, #tpu.memory_space<vmem_shared>>
      %dma_wait3A_57 = tpu.memref_squeeze %dma_wait3A_56 : memref<1x640xf32, #tpu.memory_space<vmem_shared>> -> memref<640xf32, #tpu.memory_space<vmem_shared>>
      %dma_wait3A_58 = arith.constant 0 : i32
      %dma_wait3A_59 = tpu.memref_slice %arg7[%run_scoped3A_17, %dma_wait3A_58] : memref<16x640xf32, #tpu.memory_space<vmem>> -> memref<1x640xf32, #tpu.memory_space<vmem>>
      %dma_wait3A_60 = tpu.memref_squeeze %dma_wait3A_59 : memref<1x640xf32, #tpu.memory_space<vmem>> -> memref<640xf32, #tpu.memory_space<vmem>>
      %dma_wait3A_61 = tpu.memref_slice %arg9[%run_scoped3A_16, %mul3A_6] : memref<16x10240xf32, #tpu.memory_space<vmem_shared>> -> memref<1x640xf32, #tpu.memory_space<vmem_shared>>
      %dma_wait3A_62 = tpu.memref_squeeze %dma_wait3A_61 : memref<1x640xf32, #tpu.memory_space<vmem_shared>> -> memref<640xf32, #tpu.memory_space<vmem_shared>>
      tpu.wait_dma2 semaphore(%run_scoped3A_44 : memref<!tpu.dma_semaphore, #tpu.memory_space<semaphore_mem>>) src(%dma_wait3A_62 : memref<640xf32, #tpu.memory_space<vmem_shared>>) dst(%dma_wait3A_60 : memref<640xf32, #tpu.memory_space<vmem>>)
      tpu.yield
    }) : () -> ()
    %run_scoped3A_18 = arith.constant 6 : i32
    %run_scoped3A_19 = arith.constant 6 : i32
    "tpu.region"() ({
      %run_scoped3A_44 = tpu.sem_alloc : memref<!tpu.dma_semaphore, #tpu.memory_space<semaphore_mem>>
      %dma_start3A = arith.constant 0 : i32
      %dma_start3A_45 = tpu.memref_slice %arg7[%run_scoped3A_19, %dma_start3A] : memref<16x640xf32, #tpu.memory_space<vmem>> -> memref<1x640xf32, #tpu.memory_space<vmem>>
      %dma_start3A_46 = tpu.memref_squeeze %dma_start3A_45 : memref<1x640xf32, #tpu.memory_space<vmem>> -> memref<640xf32, #tpu.memory_space<vmem>>
      %dma_start3A_47 = tpu.memref_slice %arg9[%run_scoped3A_18, %mul3A_6] : memref<16x10240xf32, #tpu.memory_space<vmem_shared>> -> memref<1x640xf32, #tpu.memory_space<vmem_shared>>
      %dma_start3A_48 = tpu.memref_squeeze %dma_start3A_47 : memref<1x640xf32, #tpu.memory_space<vmem_shared>> -> memref<640xf32, #tpu.memory_space<vmem_shared>>
      %dma_start3A_49 = arith.constant 0 : i32
      %dma_start3A_50 = tpu.memref_slice %arg7[%run_scoped3A_19, %dma_start3A_49] : memref<16x640xf32, #tpu.memory_space<vmem>> -> memref<1x640xf32, #tpu.memory_space<vmem>>
      %dma_start3A_51 = tpu.memref_squeeze %dma_start3A_50 : memref<1x640xf32, #tpu.memory_space<vmem>> -> memref<640xf32, #tpu.memory_space<vmem>>
      %dma_start3A_52 = tpu.memref_slice %arg9[%run_scoped3A_18, %mul3A_6] : memref<16x10240xf32, #tpu.memory_space<vmem_shared>> -> memref<1x640xf32, #tpu.memory_space<vmem_shared>>
      %dma_start3A_53 = tpu.memref_squeeze %dma_start3A_52 : memref<1x640xf32, #tpu.memory_space<vmem_shared>> -> memref<640xf32, #tpu.memory_space<vmem_shared>>
      tpu.enqueue_dma source(%dma_start3A_53 : memref<640xf32, #tpu.memory_space<vmem_shared>>) target(%dma_start3A_51 : memref<640xf32, #tpu.memory_space<vmem>>) target_semaphore(%run_scoped3A_44 : memref<!tpu.dma_semaphore, #tpu.memory_space<semaphore_mem>>)
      %dma_wait3A = arith.constant 0 : i32
      %dma_wait3A_54 = tpu.memref_slice %arg7[%run_scoped3A_19, %dma_wait3A] : memref<16x640xf32, #tpu.memory_space<vmem>> -> memref<1x640xf32, #tpu.memory_space<vmem>>
      %dma_wait3A_55 = tpu.memref_squeeze %dma_wait3A_54 : memref<1x640xf32, #tpu.memory_space<vmem>> -> memref<640xf32, #tpu.memory_space<vmem>>
      %dma_wait3A_56 = tpu.memref_slice %arg9[%run_scoped3A_18, %mul3A_6] : memref<16x10240xf32, #tpu.memory_space<vmem_shared>> -> memref<1x640xf32, #tpu.memory_space<vmem_shared>>
      %dma_wait3A_57 = tpu.memref_squeeze %dma_wait3A_56 : memref<1x640xf32, #tpu.memory_space<vmem_shared>> -> memref<640xf32, #tpu.memory_space<vmem_shared>>
      %dma_wait3A_58 = arith.constant 0 : i32
      %dma_wait3A_59 = tpu.memref_slice %arg7[%run_scoped3A_19, %dma_wait3A_58] : memref<16x640xf32, #tpu.memory_space<vmem>> -> memref<1x640xf32, #tpu.memory_space<vmem>>
      %dma_wait3A_60 = tpu.memref_squeeze %dma_wait3A_59 : memref<1x640xf32, #tpu.memory_space<vmem>> -> memref<640xf32, #tpu.memory_space<vmem>>
      %dma_wait3A_61 = tpu.memref_slice %arg9[%run_scoped3A_18, %mul3A_6] : memref<16x10240xf32, #tpu.memory_space<vmem_shared>> -> memref<1x640xf32, #tpu.memory_space<vmem_shared>>
      %dma_wait3A_62 = tpu.memref_squeeze %dma_wait3A_61 : memref<1x640xf32, #tpu.memory_space<vmem_shared>> -> memref<640xf32, #tpu.memory_space<vmem_shared>>
      tpu.wait_dma2 semaphore(%run_scoped3A_44 : memref<!tpu.dma_semaphore, #tpu.memory_space<semaphore_mem>>) src(%dma_wait3A_62 : memref<640xf32, #tpu.memory_space<vmem_shared>>) dst(%dma_wait3A_60 : memref<640xf32, #tpu.memory_space<vmem>>)
      tpu.yield
    }) : () -> ()
    %run_scoped3A_20 = arith.constant 7 : i32
    %run_scoped3A_21 = arith.constant 7 : i32
    "tpu.region"() ({
      %run_scoped3A_44 = tpu.sem_alloc : memref<!tpu.dma_semaphore, #tpu.memory_space<semaphore_mem>>
      %dma_start3A = arith.constant 0 : i32
      %dma_start3A_45 = tpu.memref_slice %arg7[%run_scoped3A_21, %dma_start3A] : memref<16x640xf32, #tpu.memory_space<vmem>> -> memref<1x640xf32, #tpu.memory_space<vmem>>
      %dma_start3A_46 = tpu.memref_squeeze %dma_start3A_45 : memref<1x640xf32, #tpu.memory_space<vmem>> -> memref<640xf32, #tpu.memory_space<vmem>>
      %dma_start3A_47 = tpu.memref_slice %arg9[%run_scoped3A_20, %mul3A_6] : memref<16x10240xf32, #tpu.memory_space<vmem_shared>> -> memref<1x640xf32, #tpu.memory_space<vmem_shared>>
      %dma_start3A_48 = tpu.memref_squeeze %dma_start3A_47 : memref<1x640xf32, #tpu.memory_space<vmem_shared>> -> memref<640xf32, #tpu.memory_space<vmem_shared>>
      %dma_start3A_49 = arith.constant 0 : i32
      %dma_start3A_50 = tpu.memref_slice %arg7[%run_scoped3A_21, %dma_start3A_49] : memref<16x640xf32, #tpu.memory_space<vmem>> -> memref<1x640xf32, #tpu.memory_space<vmem>>
      %dma_start3A_51 = tpu.memref_squeeze %dma_start3A_50 : memref<1x640xf32, #tpu.memory_space<vmem>> -> memref<640xf32, #tpu.memory_space<vmem>>
      %dma_start3A_52 = tpu.memref_slice %arg9[%run_scoped3A_20, %mul3A_6] : memref<16x10240xf32, #tpu.memory_space<vmem_shared>> -> memref<1x640xf32, #tpu.memory_space<vmem_shared>>
      %dma_start3A_53 = tpu.memref_squeeze %dma_start3A_52 : memref<1x640xf32, #tpu.memory_space<vmem_shared>> -> memref<640xf32, #tpu.memory_space<vmem_shared>>
      tpu.enqueue_dma source(%dma_start3A_53 : memref<640xf32, #tpu.memory_space<vmem_shared>>) target(%dma_start3A_51 : memref<640xf32, #tpu.memory_space<vmem>>) target_semaphore(%run_scoped3A_44 : memref<!tpu.dma_semaphore, #tpu.memory_space<semaphore_mem>>)
      %dma_wait3A = arith.constant 0 : i32
      %dma_wait3A_54 = tpu.memref_slice %arg7[%run_scoped3A_21, %dma_wait3A] : memref<16x640xf32, #tpu.memory_space<vmem>> -> memref<1x640xf32, #tpu.memory_space<vmem>>
      %dma_wait3A_55 = tpu.memref_squeeze %dma_wait3A_54 : memref<1x640xf32, #tpu.memory_space<vmem>> -> memref<640xf32, #tpu.memory_space<vmem>>
      %dma_wait3A_56 = tpu.memref_slice %arg9[%run_scoped3A_20, %mul3A_6] : memref<16x10240xf32, #tpu.memory_space<vmem_shared>> -> memref<1x640xf32, #tpu.memory_space<vmem_shared>>
      %dma_wait3A_57 = tpu.memref_squeeze %dma_wait3A_56 : memref<1x640xf32, #tpu.memory_space<vmem_shared>> -> memref<640xf32, #tpu.memory_space<vmem_shared>>
      %dma_wait3A_58 = arith.constant 0 : i32
      %dma_wait3A_59 = tpu.memref_slice %arg7[%run_scoped3A_21, %dma_wait3A_58] : memref<16x640xf32, #tpu.memory_space<vmem>> -> memref<1x640xf32, #tpu.memory_space<vmem>>
      %dma_wait3A_60 = tpu.memref_squeeze %dma_wait3A_59 : memref<1x640xf32, #tpu.memory_space<vmem>> -> memref<640xf32, #tpu.memory_space<vmem>>
      %dma_wait3A_61 = tpu.memref_slice %arg9[%run_scoped3A_20, %mul3A_6] : memref<16x10240xf32, #tpu.memory_space<vmem_shared>> -> memref<1x640xf32, #tpu.memory_space<vmem_shared>>
      %dma_wait3A_62 = tpu.memref_squeeze %dma_wait3A_61 : memref<1x640xf32, #tpu.memory_space<vmem_shared>> -> memref<640xf32, #tpu.memory_space<vmem_shared>>
      tpu.wait_dma2 semaphore(%run_scoped3A_44 : memref<!tpu.dma_semaphore, #tpu.memory_space<semaphore_mem>>) src(%dma_wait3A_62 : memref<640xf32, #tpu.memory_space<vmem_shared>>) dst(%dma_wait3A_60 : memref<640xf32, #tpu.memory_space<vmem>>)
      tpu.yield
    }) : () -> ()
    %run_scoped3A_22 = arith.constant 8 : i32
    %run_scoped3A_23 = arith.constant 8 : i32
    "tpu.region"() ({
      %run_scoped3A_44 = tpu.sem_alloc : memref<!tpu.dma_semaphore, #tpu.memory_space<semaphore_mem>>
      %dma_start3A = arith.constant 0 : i32
      %dma_start3A_45 = tpu.memref_slice %arg7[%run_scoped3A_23, %dma_start3A] : memref<16x640xf32, #tpu.memory_space<vmem>> -> memref<1x640xf32, #tpu.memory_space<vmem>>
      %dma_start3A_46 = tpu.memref_squeeze %dma_start3A_45 : memref<1x640xf32, #tpu.memory_space<vmem>> -> memref<640xf32, #tpu.memory_space<vmem>>
      %dma_start3A_47 = tpu.memref_slice %arg9[%run_scoped3A_22, %mul3A_6] : memref<16x10240xf32, #tpu.memory_space<vmem_shared>> -> memref<1x640xf32, #tpu.memory_space<vmem_shared>>
      %dma_start3A_48 = tpu.memref_squeeze %dma_start3A_47 : memref<1x640xf32, #tpu.memory_space<vmem_shared>> -> memref<640xf32, #tpu.memory_space<vmem_shared>>
      %dma_start3A_49 = arith.constant 0 : i32
      %dma_start3A_50 = tpu.memref_slice %arg7[%run_scoped3A_23, %dma_start3A_49] : memref<16x640xf32, #tpu.memory_space<vmem>> -> memref<1x640xf32, #tpu.memory_space<vmem>>
      %dma_start3A_51 = tpu.memref_squeeze %dma_start3A_50 : memref<1x640xf32, #tpu.memory_space<vmem>> -> memref<640xf32, #tpu.memory_space<vmem>>
      %dma_start3A_52 = tpu.memref_slice %arg9[%run_scoped3A_22, %mul3A_6] : memref<16x10240xf32, #tpu.memory_space<vmem_shared>> -> memref<1x640xf32, #tpu.memory_space<vmem_shared>>
      %dma_start3A_53 = tpu.memref_squeeze %dma_start3A_52 : memref<1x640xf32, #tpu.memory_space<vmem_shared>> -> memref<640xf32, #tpu.memory_space<vmem_shared>>
      tpu.enqueue_dma source(%dma_start3A_53 : memref<640xf32, #tpu.memory_space<vmem_shared>>) target(%dma_start3A_51 : memref<640xf32, #tpu.memory_space<vmem>>) target_semaphore(%run_scoped3A_44 : memref<!tpu.dma_semaphore, #tpu.memory_space<semaphore_mem>>)
      %dma_wait3A = arith.constant 0 : i32
      %dma_wait3A_54 = tpu.memref_slice %arg7[%run_scoped3A_23, %dma_wait3A] : memref<16x640xf32, #tpu.memory_space<vmem>> -> memref<1x640xf32, #tpu.memory_space<vmem>>
      %dma_wait3A_55 = tpu.memref_squeeze %dma_wait3A_54 : memref<1x640xf32, #tpu.memory_space<vmem>> -> memref<640xf32, #tpu.memory_space<vmem>>
      %dma_wait3A_56 = tpu.memref_slice %arg9[%run_scoped3A_22, %mul3A_6] : memref<16x10240xf32, #tpu.memory_space<vmem_shared>> -> memref<1x640xf32, #tpu.memory_space<vmem_shared>>
      %dma_wait3A_57 = tpu.memref_squeeze %dma_wait3A_56 : memref<1x640xf32, #tpu.memory_space<vmem_shared>> -> memref<640xf32, #tpu.memory_space<vmem_shared>>
      %dma_wait3A_58 = arith.constant 0 : i32
      %dma_wait3A_59 = tpu.memref_slice %arg7[%run_scoped3A_23, %dma_wait3A_58] : memref<16x640xf32, #tpu.memory_space<vmem>> -> memref<1x640xf32, #tpu.memory_space<vmem>>
      %dma_wait3A_60 = tpu.memref_squeeze %dma_wait3A_59 : memref<1x640xf32, #tpu.memory_space<vmem>> -> memref<640xf32, #tpu.memory_space<vmem>>
      %dma_wait3A_61 = tpu.memref_slice %arg9[%run_scoped3A_22, %mul3A_6] : memref<16x10240xf32, #tpu.memory_space<vmem_shared>> -> memref<1x640xf32, #tpu.memory_space<vmem_shared>>
      %dma_wait3A_62 = tpu.memref_squeeze %dma_wait3A_61 : memref<1x640xf32, #tpu.memory_space<vmem_shared>> -> memref<640xf32, #tpu.memory_space<vmem_shared>>
      tpu.wait_dma2 semaphore(%run_scoped3A_44 : memref<!tpu.dma_semaphore, #tpu.memory_space<semaphore_mem>>) src(%dma_wait3A_62 : memref<640xf32, #tpu.memory_space<vmem_shared>>) dst(%dma_wait3A_60 : memref<640xf32, #tpu.memory_space<vmem>>)
      tpu.yield
    }) : () -> ()
    %run_scoped3A_24 = arith.constant 9 : i32
    %run_scoped3A_25 = arith.constant 9 : i32
    "tpu.region"() ({
      %run_scoped3A_44 = tpu.sem_alloc : memref<!tpu.dma_semaphore, #tpu.memory_space<semaphore_mem>>
      %dma_start3A = arith.constant 0 : i32
      %dma_start3A_45 = tpu.memref_slice %arg7[%run_scoped3A_25, %dma_start3A] : memref<16x640xf32, #tpu.memory_space<vmem>> -> memref<1x640xf32, #tpu.memory_space<vmem>>
      %dma_start3A_46 = tpu.memref_squeeze %dma_start3A_45 : memref<1x640xf32, #tpu.memory_space<vmem>> -> memref<640xf32, #tpu.memory_space<vmem>>
      %dma_start3A_47 = tpu.memref_slice %arg9[%run_scoped3A_24, %mul3A_6] : memref<16x10240xf32, #tpu.memory_space<vmem_shared>> -> memref<1x640xf32, #tpu.memory_space<vmem_shared>>
      %dma_start3A_48 = tpu.memref_squeeze %dma_start3A_47 : memref<1x640xf32, #tpu.memory_space<vmem_shared>> -> memref<640xf32, #tpu.memory_space<vmem_shared>>
      %dma_start3A_49 = arith.constant 0 : i32
      %dma_start3A_50 = tpu.memref_slice %arg7[%run_scoped3A_25, %dma_start3A_49] : memref<16x640xf32, #tpu.memory_space<vmem>> -> memref<1x640xf32, #tpu.memory_space<vmem>>
      %dma_start3A_51 = tpu.memref_squeeze %dma_start3A_50 : memref<1x640xf32, #tpu.memory_space<vmem>> -> memref<640xf32, #tpu.memory_space<vmem>>
      %dma_start3A_52 = tpu.memref_slice %arg9[%run_scoped3A_24, %mul3A_6] : memref<16x10240xf32, #tpu.memory_space<vmem_shared>> -> memref<1x640xf32, #tpu.memory_space<vmem_shared>>
      %dma_start3A_53 = tpu.memref_squeeze %dma_start3A_52 : memref<1x640xf32, #tpu.memory_space<vmem_shared>> -> memref<640xf32, #tpu.memory_space<vmem_shared>>
      tpu.enqueue_dma source(%dma_start3A_53 : memref<640xf32, #tpu.memory_space<vmem_shared>>) target(%dma_start3A_51 : memref<640xf32, #tpu.memory_space<vmem>>) target_semaphore(%run_scoped3A_44 : memref<!tpu.dma_semaphore, #tpu.memory_space<semaphore_mem>>)
      %dma_wait3A = arith.constant 0 : i32
      %dma_wait3A_54 = tpu.memref_slice %arg7[%run_scoped3A_25, %dma_wait3A] : memref<16x640xf32, #tpu.memory_space<vmem>> -> memref<1x640xf32, #tpu.memory_space<vmem>>
      %dma_wait3A_55 = tpu.memref_squeeze %dma_wait3A_54 : memref<1x640xf32, #tpu.memory_space<vmem>> -> memref<640xf32, #tpu.memory_space<vmem>>
      %dma_wait3A_56 = tpu.memref_slice %arg9[%run_scoped3A_24, %mul3A_6] : memref<16x10240xf32, #tpu.memory_space<vmem_shared>> -> memref<1x640xf32, #tpu.memory_space<vmem_shared>>
      %dma_wait3A_57 = tpu.memref_squeeze %dma_wait3A_56 : memref<1x640xf32, #tpu.memory_space<vmem_shared>> -> memref<640xf32, #tpu.memory_space<vmem_shared>>
      %dma_wait3A_58 = arith.constant 0 : i32
      %dma_wait3A_59 = tpu.memref_slice %arg7[%run_scoped3A_25, %dma_wait3A_58] : memref<16x640xf32, #tpu.memory_space<vmem>> -> memref<1x640xf32, #tpu.memory_space<vmem>>
      %dma_wait3A_60 = tpu.memref_squeeze %dma_wait3A_59 : memref<1x640xf32, #tpu.memory_space<vmem>> -> memref<640xf32, #tpu.memory_space<vmem>>
      %dma_wait3A_61 = tpu.memref_slice %arg9[%run_scoped3A_24, %mul3A_6] : memref<16x10240xf32, #tpu.memory_space<vmem_shared>> -> memref<1x640xf32, #tpu.memory_space<vmem_shared>>
      %dma_wait3A_62 = tpu.memref_squeeze %dma_wait3A_61 : memref<1x640xf32, #tpu.memory_space<vmem_shared>> -> memref<640xf32, #tpu.memory_space<vmem_shared>>
      tpu.wait_dma2 semaphore(%run_scoped3A_44 : memref<!tpu.dma_semaphore, #tpu.memory_space<semaphore_mem>>) src(%dma_wait3A_62 : memref<640xf32, #tpu.memory_space<vmem_shared>>) dst(%dma_wait3A_60 : memref<640xf32, #tpu.memory_space<vmem>>)
      tpu.yield
    }) : () -> ()
    %run_scoped3A_26 = arith.constant 10 : i32
    %run_scoped3A_27 = arith.constant 10 : i32
    "tpu.region"() ({
      %run_scoped3A_44 = tpu.sem_alloc : memref<!tpu.dma_semaphore, #tpu.memory_space<semaphore_mem>>
      %dma_start3A = arith.constant 0 : i32
      %dma_start3A_45 = tpu.memref_slice %arg7[%run_scoped3A_27, %dma_start3A] : memref<16x640xf32, #tpu.memory_space<vmem>> -> memref<1x640xf32, #tpu.memory_space<vmem>>
      %dma_start3A_46 = tpu.memref_squeeze %dma_start3A_45 : memref<1x640xf32, #tpu.memory_space<vmem>> -> memref<640xf32, #tpu.memory_space<vmem>>
      %dma_start3A_47 = tpu.memref_slice %arg9[%run_scoped3A_26, %mul3A_6] : memref<16x10240xf32, #tpu.memory_space<vmem_shared>> -> memref<1x640xf32, #tpu.memory_space<vmem_shared>>
      %dma_start3A_48 = tpu.memref_squeeze %dma_start3A_47 : memref<1x640xf32, #tpu.memory_space<vmem_shared>> -> memref<640xf32, #tpu.memory_space<vmem_shared>>
      %dma_start3A_49 = arith.constant 0 : i32
      %dma_start3A_50 = tpu.memref_slice %arg7[%run_scoped3A_27, %dma_start3A_49] : memref<16x640xf32, #tpu.memory_space<vmem>> -> memref<1x640xf32, #tpu.memory_space<vmem>>
      %dma_start3A_51 = tpu.memref_squeeze %dma_start3A_50 : memref<1x640xf32, #tpu.memory_space<vmem>> -> memref<640xf32, #tpu.memory_space<vmem>>
      %dma_start3A_52 = tpu.memref_slice %arg9[%run_scoped3A_26, %mul3A_6] : memref<16x10240xf32, #tpu.memory_space<vmem_shared>> -> memref<1x640xf32, #tpu.memory_space<vmem_shared>>
      %dma_start3A_53 = tpu.memref_squeeze %dma_start3A_52 : memref<1x640xf32, #tpu.memory_space<vmem_shared>> -> memref<640xf32, #tpu.memory_space<vmem_shared>>
      tpu.enqueue_dma source(%dma_start3A_53 : memref<640xf32, #tpu.memory_space<vmem_shared>>) target(%dma_start3A_51 : memref<640xf32, #tpu.memory_space<vmem>>) target_semaphore(%run_scoped3A_44 : memref<!tpu.dma_semaphore, #tpu.memory_space<semaphore_mem>>)
      %dma_wait3A = arith.constant 0 : i32
      %dma_wait3A_54 = tpu.memref_slice %arg7[%run_scoped3A_27, %dma_wait3A] : memref<16x640xf32, #tpu.memory_space<vmem>> -> memref<1x640xf32, #tpu.memory_space<vmem>>
      %dma_wait3A_55 = tpu.memref_squeeze %dma_wait3A_54 : memref<1x640xf32, #tpu.memory_space<vmem>> -> memref<640xf32, #tpu.memory_space<vmem>>
      %dma_wait3A_56 = tpu.memref_slice %arg9[%run_scoped3A_26, %mul3A_6] : memref<16x10240xf32, #tpu.memory_space<vmem_shared>> -> memref<1x640xf32, #tpu.memory_space<vmem_shared>>
      %dma_wait3A_57 = tpu.memref_squeeze %dma_wait3A_56 : memref<1x640xf32, #tpu.memory_space<vmem_shared>> -> memref<640xf32, #tpu.memory_space<vmem_shared>>
      %dma_wait3A_58 = arith.constant 0 : i32
      %dma_wait3A_59 = tpu.memref_slice %arg7[%run_scoped3A_27, %dma_wait3A_58] : memref<16x640xf32, #tpu.memory_space<vmem>> -> memref<1x640xf32, #tpu.memory_space<vmem>>
      %dma_wait3A_60 = tpu.memref_squeeze %dma_wait3A_59 : memref<1x640xf32, #tpu.memory_space<vmem>> -> memref<640xf32, #tpu.memory_space<vmem>>
      %dma_wait3A_61 = tpu.memref_slice %arg9[%run_scoped3A_26, %mul3A_6] : memref<16x10240xf32, #tpu.memory_space<vmem_shared>> -> memref<1x640xf32, #tpu.memory_space<vmem_shared>>
      %dma_wait3A_62 = tpu.memref_squeeze %dma_wait3A_61 : memref<1x640xf32, #tpu.memory_space<vmem_shared>> -> memref<640xf32, #tpu.memory_space<vmem_shared>>
      tpu.wait_dma2 semaphore(%run_scoped3A_44 : memref<!tpu.dma_semaphore, #tpu.memory_space<semaphore_mem>>) src(%dma_wait3A_62 : memref<640xf32, #tpu.memory_space<vmem_shared>>) dst(%dma_wait3A_60 : memref<640xf32, #tpu.memory_space<vmem>>)
      tpu.yield
    }) : () -> ()
    %run_scoped3A_28 = arith.constant 11 : i32
    %run_scoped3A_29 = arith.constant 11 : i32
    "tpu.region"() ({
      %run_scoped3A_44 = tpu.sem_alloc : memref<!tpu.dma_semaphore, #tpu.memory_space<semaphore_mem>>
      %dma_start3A = arith.constant 0 : i32
      %dma_start3A_45 = tpu.memref_slice %arg7[%run_scoped3A_29, %dma_start3A] : memref<16x640xf32, #tpu.memory_space<vmem>> -> memref<1x640xf32, #tpu.memory_space<vmem>>
      %dma_start3A_46 = tpu.memref_squeeze %dma_start3A_45 : memref<1x640xf32, #tpu.memory_space<vmem>> -> memref<640xf32, #tpu.memory_space<vmem>>
      %dma_start3A_47 = tpu.memref_slice %arg9[%run_scoped3A_28, %mul3A_6] : memref<16x10240xf32, #tpu.memory_space<vmem_shared>> -> memref<1x640xf32, #tpu.memory_space<vmem_shared>>
      %dma_start3A_48 = tpu.memref_squeeze %dma_start3A_47 : memref<1x640xf32, #tpu.memory_space<vmem_shared>> -> memref<640xf32, #tpu.memory_space<vmem_shared>>
      %dma_start3A_49 = arith.constant 0 : i32
      %dma_start3A_50 = tpu.memref_slice %arg7[%run_scoped3A_29, %dma_start3A_49] : memref<16x640xf32, #tpu.memory_space<vmem>> -> memref<1x640xf32, #tpu.memory_space<vmem>>
      %dma_start3A_51 = tpu.memref_squeeze %dma_start3A_50 : memref<1x640xf32, #tpu.memory_space<vmem>> -> memref<640xf32, #tpu.memory_space<vmem>>
      %dma_start3A_52 = tpu.memref_slice %arg9[%run_scoped3A_28, %mul3A_6] : memref<16x10240xf32, #tpu.memory_space<vmem_shared>> -> memref<1x640xf32, #tpu.memory_space<vmem_shared>>
      %dma_start3A_53 = tpu.memref_squeeze %dma_start3A_52 : memref<1x640xf32, #tpu.memory_space<vmem_shared>> -> memref<640xf32, #tpu.memory_space<vmem_shared>>
      tpu.enqueue_dma source(%dma_start3A_53 : memref<640xf32, #tpu.memory_space<vmem_shared>>) target(%dma_start3A_51 : memref<640xf32, #tpu.memory_space<vmem>>) target_semaphore(%run_scoped3A_44 : memref<!tpu.dma_semaphore, #tpu.memory_space<semaphore_mem>>)
      %dma_wait3A = arith.constant 0 : i32
      %dma_wait3A_54 = tpu.memref_slice %arg7[%run_scoped3A_29, %dma_wait3A] : memref<16x640xf32, #tpu.memory_space<vmem>> -> memref<1x640xf32, #tpu.memory_space<vmem>>
      %dma_wait3A_55 = tpu.memref_squeeze %dma_wait3A_54 : memref<1x640xf32, #tpu.memory_space<vmem>> -> memref<640xf32, #tpu.memory_space<vmem>>
      %dma_wait3A_56 = tpu.memref_slice %arg9[%run_scoped3A_28, %mul3A_6] : memref<16x10240xf32, #tpu.memory_space<vmem_shared>> -> memref<1x640xf32, #tpu.memory_space<vmem_shared>>
      %dma_wait3A_57 = tpu.memref_squeeze %dma_wait3A_56 : memref<1x640xf32, #tpu.memory_space<vmem_shared>> -> memref<640xf32, #tpu.memory_space<vmem_shared>>
      %dma_wait3A_58 = arith.constant 0 : i32
      %dma_wait3A_59 = tpu.memref_slice %arg7[%run_scoped3A_29, %dma_wait3A_58] : memref<16x640xf32, #tpu.memory_space<vmem>> -> memref<1x640xf32, #tpu.memory_space<vmem>>
      %dma_wait3A_60 = tpu.memref_squeeze %dma_wait3A_59 : memref<1x640xf32, #tpu.memory_space<vmem>> -> memref<640xf32, #tpu.memory_space<vmem>>
      %dma_wait3A_61 = tpu.memref_slice %arg9[%run_scoped3A_28, %mul3A_6] : memref<16x10240xf32, #tpu.memory_space<vmem_shared>> -> memref<1x640xf32, #tpu.memory_space<vmem_shared>>
      %dma_wait3A_62 = tpu.memref_squeeze %dma_wait3A_61 : memref<1x640xf32, #tpu.memory_space<vmem_shared>> -> memref<640xf32, #tpu.memory_space<vmem_shared>>
      tpu.wait_dma2 semaphore(%run_scoped3A_44 : memref<!tpu.dma_semaphore, #tpu.memory_space<semaphore_mem>>) src(%dma_wait3A_62 : memref<640xf32, #tpu.memory_space<vmem_shared>>) dst(%dma_wait3A_60 : memref<640xf32, #tpu.memory_space<vmem>>)
      tpu.yield
    }) : () -> ()
    %run_scoped3A_30 = arith.constant 12 : i32
    %run_scoped3A_31 = arith.constant 12 : i32
    "tpu.region"() ({
      %run_scoped3A_44 = tpu.sem_alloc : memref<!tpu.dma_semaphore, #tpu.memory_space<semaphore_mem>>
      %dma_start3A = arith.constant 0 : i32
      %dma_start3A_45 = tpu.memref_slice %arg7[%run_scoped3A_31, %dma_start3A] : memref<16x640xf32, #tpu.memory_space<vmem>> -> memref<1x640xf32, #tpu.memory_space<vmem>>
      %dma_start3A_46 = tpu.memref_squeeze %dma_start3A_45 : memref<1x640xf32, #tpu.memory_space<vmem>> -> memref<640xf32, #tpu.memory_space<vmem>>
      %dma_start3A_47 = tpu.memref_slice %arg9[%run_scoped3A_30, %mul3A_6] : memref<16x10240xf32, #tpu.memory_space<vmem_shared>> -> memref<1x640xf32, #tpu.memory_space<vmem_shared>>
      %dma_start3A_48 = tpu.memref_squeeze %dma_start3A_47 : memref<1x640xf32, #tpu.memory_space<vmem_shared>> -> memref<640xf32, #tpu.memory_space<vmem_shared>>
      %dma_start3A_49 = arith.constant 0 : i32
      %dma_start3A_50 = tpu.memref_slice %arg7[%run_scoped3A_31, %dma_start3A_49] : memref<16x640xf32, #tpu.memory_space<vmem>> -> memref<1x640xf32, #tpu.memory_space<vmem>>
      %dma_start3A_51 = tpu.memref_squeeze %dma_start3A_50 : memref<1x640xf32, #tpu.memory_space<vmem>> -> memref<640xf32, #tpu.memory_space<vmem>>
      %dma_start3A_52 = tpu.memref_slice %arg9[%run_scoped3A_30, %mul3A_6] : memref<16x10240xf32, #tpu.memory_space<vmem_shared>> -> memref<1x640xf32, #tpu.memory_space<vmem_shared>>
      %dma_start3A_53 = tpu.memref_squeeze %dma_start3A_52 : memref<1x640xf32, #tpu.memory_space<vmem_shared>> -> memref<640xf32, #tpu.memory_space<vmem_shared>>
      tpu.enqueue_dma source(%dma_start3A_53 : memref<640xf32, #tpu.memory_space<vmem_shared>>) target(%dma_start3A_51 : memref<640xf32, #tpu.memory_space<vmem>>) target_semaphore(%run_scoped3A_44 : memref<!tpu.dma_semaphore, #tpu.memory_space<semaphore_mem>>)
      %dma_wait3A = arith.constant 0 : i32
      %dma_wait3A_54 = tpu.memref_slice %arg7[%run_scoped3A_31, %dma_wait3A] : memref<16x640xf32, #tpu.memory_space<vmem>> -> memref<1x640xf32, #tpu.memory_space<vmem>>
      %dma_wait3A_55 = tpu.memref_squeeze %dma_wait3A_54 : memref<1x640xf32, #tpu.memory_space<vmem>> -> memref<640xf32, #tpu.memory_space<vmem>>
      %dma_wait3A_56 = tpu.memref_slice %arg9[%run_scoped3A_30, %mul3A_6] : memref<16x10240xf32, #tpu.memory_space<vmem_shared>> -> memref<1x640xf32, #tpu.memory_space<vmem_shared>>
      %dma_wait3A_57 = tpu.memref_squeeze %dma_wait3A_56 : memref<1x640xf32, #tpu.memory_space<vmem_shared>> -> memref<640xf32, #tpu.memory_space<vmem_shared>>
      %dma_wait3A_58 = arith.constant 0 : i32
      %dma_wait3A_59 = tpu.memref_slice %arg7[%run_scoped3A_31, %dma_wait3A_58] : memref<16x640xf32, #tpu.memory_space<vmem>> -> memref<1x640xf32, #tpu.memory_space<vmem>>
      %dma_wait3A_60 = tpu.memref_squeeze %dma_wait3A_59 : memref<1x640xf32, #tpu.memory_space<vmem>> -> memref<640xf32, #tpu.memory_space<vmem>>
      %dma_wait3A_61 = tpu.memref_slice %arg9[%run_scoped3A_30, %mul3A_6] : memref<16x10240xf32, #tpu.memory_space<vmem_shared>> -> memref<1x640xf32, #tpu.memory_space<vmem_shared>>
      %dma_wait3A_62 = tpu.memref_squeeze %dma_wait3A_61 : memref<1x640xf32, #tpu.memory_space<vmem_shared>> -> memref<640xf32, #tpu.memory_space<vmem_shared>>
      tpu.wait_dma2 semaphore(%run_scoped3A_44 : memref<!tpu.dma_semaphore, #tpu.memory_space<semaphore_mem>>) src(%dma_wait3A_62 : memref<640xf32, #tpu.memory_space<vmem_shared>>) dst(%dma_wait3A_60 : memref<640xf32, #tpu.memory_space<vmem>>)
      tpu.yield
    }) : () -> ()
    %run_scoped3A_32 = arith.constant 13 : i32
    %run_scoped3A_33 = arith.constant 13 : i32
    "tpu.region"() ({
      %run_scoped3A_44 = tpu.sem_alloc : memref<!tpu.dma_semaphore, #tpu.memory_space<semaphore_mem>>
      %dma_start3A = arith.constant 0 : i32
      %dma_start3A_45 = tpu.memref_slice %arg7[%run_scoped3A_33, %dma_start3A] : memref<16x640xf32, #tpu.memory_space<vmem>> -> memref<1x640xf32, #tpu.memory_space<vmem>>
      %dma_start3A_46 = tpu.memref_squeeze %dma_start3A_45 : memref<1x640xf32, #tpu.memory_space<vmem>> -> memref<640xf32, #tpu.memory_space<vmem>>
      %dma_start3A_47 = tpu.memref_slice %arg9[%run_scoped3A_32, %mul3A_6] : memref<16x10240xf32, #tpu.memory_space<vmem_shared>> -> memref<1x640xf32, #tpu.memory_space<vmem_shared>>
      %dma_start3A_48 = tpu.memref_squeeze %dma_start3A_47 : memref<1x640xf32, #tpu.memory_space<vmem_shared>> -> memref<640xf32, #tpu.memory_space<vmem_shared>>
      %dma_start3A_49 = arith.constant 0 : i32
      %dma_start3A_50 = tpu.memref_slice %arg7[%run_scoped3A_33, %dma_start3A_49] : memref<16x640xf32, #tpu.memory_space<vmem>> -> memref<1x640xf32, #tpu.memory_space<vmem>>
      %dma_start3A_51 = tpu.memref_squeeze %dma_start3A_50 : memref<1x640xf32, #tpu.memory_space<vmem>> -> memref<640xf32, #tpu.memory_space<vmem>>
      %dma_start3A_52 = tpu.memref_slice %arg9[%run_scoped3A_32, %mul3A_6] : memref<16x10240xf32, #tpu.memory_space<vmem_shared>> -> memref<1x640xf32, #tpu.memory_space<vmem_shared>>
      %dma_start3A_53 = tpu.memref_squeeze %dma_start3A_52 : memref<1x640xf32, #tpu.memory_space<vmem_shared>> -> memref<640xf32, #tpu.memory_space<vmem_shared>>
      tpu.enqueue_dma source(%dma_start3A_53 : memref<640xf32, #tpu.memory_space<vmem_shared>>) target(%dma_start3A_51 : memref<640xf32, #tpu.memory_space<vmem>>) target_semaphore(%run_scoped3A_44 : memref<!tpu.dma_semaphore, #tpu.memory_space<semaphore_mem>>)
      %dma_wait3A = arith.constant 0 : i32
      %dma_wait3A_54 = tpu.memref_slice %arg7[%run_scoped3A_33, %dma_wait3A] : memref<16x640xf32, #tpu.memory_space<vmem>> -> memref<1x640xf32, #tpu.memory_space<vmem>>
      %dma_wait3A_55 = tpu.memref_squeeze %dma_wait3A_54 : memref<1x640xf32, #tpu.memory_space<vmem>> -> memref<640xf32, #tpu.memory_space<vmem>>
      %dma_wait3A_56 = tpu.memref_slice %arg9[%run_scoped3A_32, %mul3A_6] : memref<16x10240xf32, #tpu.memory_space<vmem_shared>> -> memref<1x640xf32, #tpu.memory_space<vmem_shared>>
      %dma_wait3A_57 = tpu.memref_squeeze %dma_wait3A_56 : memref<1x640xf32, #tpu.memory_space<vmem_shared>> -> memref<640xf32, #tpu.memory_space<vmem_shared>>
      %dma_wait3A_58 = arith.constant 0 : i32
      %dma_wait3A_59 = tpu.memref_slice %arg7[%run_scoped3A_33, %dma_wait3A_58] : memref<16x640xf32, #tpu.memory_space<vmem>> -> memref<1x640xf32, #tpu.memory_space<vmem>>
      %dma_wait3A_60 = tpu.memref_squeeze %dma_wait3A_59 : memref<1x640xf32, #tpu.memory_space<vmem>> -> memref<640xf32, #tpu.memory_space<vmem>>
      %dma_wait3A_61 = tpu.memref_slice %arg9[%run_scoped3A_32, %mul3A_6] : memref<16x10240xf32, #tpu.memory_space<vmem_shared>> -> memref<1x640xf32, #tpu.memory_space<vmem_shared>>
      %dma_wait3A_62 = tpu.memref_squeeze %dma_wait3A_61 : memref<1x640xf32, #tpu.memory_space<vmem_shared>> -> memref<640xf32, #tpu.memory_space<vmem_shared>>
      tpu.wait_dma2 semaphore(%run_scoped3A_44 : memref<!tpu.dma_semaphore, #tpu.memory_space<semaphore_mem>>) src(%dma_wait3A_62 : memref<640xf32, #tpu.memory_space<vmem_shared>>) dst(%dma_wait3A_60 : memref<640xf32, #tpu.memory_space<vmem>>)
      tpu.yield
    }) : () -> ()
    %run_scoped3A_34 = arith.constant 14 : i32
    %run_scoped3A_35 = arith.constant 14 : i32
    "tpu.region"() ({
      %run_scoped3A_44 = tpu.sem_alloc : memref<!tpu.dma_semaphore, #tpu.memory_space<semaphore_mem>>
      %dma_start3A = arith.constant 0 : i32
      %dma_start3A_45 = tpu.memref_slice %arg7[%run_scoped3A_35, %dma_start3A] : memref<16x640xf32, #tpu.memory_space<vmem>> -> memref<1x640xf32, #tpu.memory_space<vmem>>
      %dma_start3A_46 = tpu.memref_squeeze %dma_start3A_45 : memref<1x640xf32, #tpu.memory_space<vmem>> -> memref<640xf32, #tpu.memory_space<vmem>>
      %dma_start3A_47 = tpu.memref_slice %arg9[%run_scoped3A_34, %mul3A_6] : memref<16x10240xf32, #tpu.memory_space<vmem_shared>> -> memref<1x640xf32, #tpu.memory_space<vmem_shared>>
      %dma_start3A_48 = tpu.memref_squeeze %dma_start3A_47 : memref<1x640xf32, #tpu.memory_space<vmem_shared>> -> memref<640xf32, #tpu.memory_space<vmem_shared>>
      %dma_start3A_49 = arith.constant 0 : i32
      %dma_start3A_50 = tpu.memref_slice %arg7[%run_scoped3A_35, %dma_start3A_49] : memref<16x640xf32, #tpu.memory_space<vmem>> -> memref<1x640xf32, #tpu.memory_space<vmem>>
      %dma_start3A_51 = tpu.memref_squeeze %dma_start3A_50 : memref<1x640xf32, #tpu.memory_space<vmem>> -> memref<640xf32, #tpu.memory_space<vmem>>
      %dma_start3A_52 = tpu.memref_slice %arg9[%run_scoped3A_34, %mul3A_6] : memref<16x10240xf32, #tpu.memory_space<vmem_shared>> -> memref<1x640xf32, #tpu.memory_space<vmem_shared>>
      %dma_start3A_53 = tpu.memref_squeeze %dma_start3A_52 : memref<1x640xf32, #tpu.memory_space<vmem_shared>> -> memref<640xf32, #tpu.memory_space<vmem_shared>>
      tpu.enqueue_dma source(%dma_start3A_53 : memref<640xf32, #tpu.memory_space<vmem_shared>>) target(%dma_start3A_51 : memref<640xf32, #tpu.memory_space<vmem>>) target_semaphore(%run_scoped3A_44 : memref<!tpu.dma_semaphore, #tpu.memory_space<semaphore_mem>>)
      %dma_wait3A = arith.constant 0 : i32
      %dma_wait3A_54 = tpu.memref_slice %arg7[%run_scoped3A_35, %dma_wait3A] : memref<16x640xf32, #tpu.memory_space<vmem>> -> memref<1x640xf32, #tpu.memory_space<vmem>>
      %dma_wait3A_55 = tpu.memref_squeeze %dma_wait3A_54 : memref<1x640xf32, #tpu.memory_space<vmem>> -> memref<640xf32, #tpu.memory_space<vmem>>
      %dma_wait3A_56 = tpu.memref_slice %arg9[%run_scoped3A_34, %mul3A_6] : memref<16x10240xf32, #tpu.memory_space<vmem_shared>> -> memref<1x640xf32, #tpu.memory_space<vmem_shared>>
      %dma_wait3A_57 = tpu.memref_squeeze %dma_wait3A_56 : memref<1x640xf32, #tpu.memory_space<vmem_shared>> -> memref<640xf32, #tpu.memory_space<vmem_shared>>
      %dma_wait3A_58 = arith.constant 0 : i32
      %dma_wait3A_59 = tpu.memref_slice %arg7[%run_scoped3A_35, %dma_wait3A_58] : memref<16x640xf32, #tpu.memory_space<vmem>> -> memref<1x640xf32, #tpu.memory_space<vmem>>
      %dma_wait3A_60 = tpu.memref_squeeze %dma_wait3A_59 : memref<1x640xf32, #tpu.memory_space<vmem>> -> memref<640xf32, #tpu.memory_space<vmem>>
      %dma_wait3A_61 = tpu.memref_slice %arg9[%run_scoped3A_34, %mul3A_6] : memref<16x10240xf32, #tpu.memory_space<vmem_shared>> -> memref<1x640xf32, #tpu.memory_space<vmem_shared>>
      %dma_wait3A_62 = tpu.memref_squeeze %dma_wait3A_61 : memref<1x640xf32, #tpu.memory_space<vmem_shared>> -> memref<640xf32, #tpu.memory_space<vmem_shared>>
      tpu.wait_dma2 semaphore(%run_scoped3A_44 : memref<!tpu.dma_semaphore, #tpu.memory_space<semaphore_mem>>) src(%dma_wait3A_62 : memref<640xf32, #tpu.memory_space<vmem_shared>>) dst(%dma_wait3A_60 : memref<640xf32, #tpu.memory_space<vmem>>)
      tpu.yield
    }) : () -> ()
    %run_scoped3A_36 = arith.constant 15 : i32
    %run_scoped3A_37 = arith.constant 15 : i32
    "tpu.region"() ({
      %run_scoped3A_44 = tpu.sem_alloc : memref<!tpu.dma_semaphore, #tpu.memory_space<semaphore_mem>>
      %dma_start3A = arith.constant 0 : i32
      %dma_start3A_45 = tpu.memref_slice %arg7[%run_scoped3A_37, %dma_start3A] : memref<16x640xf32, #tpu.memory_space<vmem>> -> memref<1x640xf32, #tpu.memory_space<vmem>>
      %dma_start3A_46 = tpu.memref_squeeze %dma_start3A_45 : memref<1x640xf32, #tpu.memory_space<vmem>> -> memref<640xf32, #tpu.memory_space<vmem>>
      %dma_start3A_47 = tpu.memref_slice %arg9[%run_scoped3A_36, %mul3A_6] : memref<16x10240xf32, #tpu.memory_space<vmem_shared>> -> memref<1x640xf32, #tpu.memory_space<vmem_shared>>
      %dma_start3A_48 = tpu.memref_squeeze %dma_start3A_47 : memref<1x640xf32, #tpu.memory_space<vmem_shared>> -> memref<640xf32, #tpu.memory_space<vmem_shared>>
      %dma_start3A_49 = arith.constant 0 : i32
      %dma_start3A_50 = tpu.memref_slice %arg7[%run_scoped3A_37, %dma_start3A_49] : memref<16x640xf32, #tpu.memory_space<vmem>> -> memref<1x640xf32, #tpu.memory_space<vmem>>
      %dma_start3A_51 = tpu.memref_squeeze %dma_start3A_50 : memref<1x640xf32, #tpu.memory_space<vmem>> -> memref<640xf32, #tpu.memory_space<vmem>>
      %dma_start3A_52 = tpu.memref_slice %arg9[%run_scoped3A_36, %mul3A_6] : memref<16x10240xf32, #tpu.memory_space<vmem_shared>> -> memref<1x640xf32, #tpu.memory_space<vmem_shared>>
      %dma_start3A_53 = tpu.memref_squeeze %dma_start3A_52 : memref<1x640xf32, #tpu.memory_space<vmem_shared>> -> memref<640xf32, #tpu.memory_space<vmem_shared>>
      tpu.enqueue_dma source(%dma_start3A_53 : memref<640xf32, #tpu.memory_space<vmem_shared>>) target(%dma_start3A_51 : memref<640xf32, #tpu.memory_space<vmem>>) target_semaphore(%run_scoped3A_44 : memref<!tpu.dma_semaphore, #tpu.memory_space<semaphore_mem>>)
      %dma_wait3A = arith.constant 0 : i32
      %dma_wait3A_54 = tpu.memref_slice %arg7[%run_scoped3A_37, %dma_wait3A] : memref<16x640xf32, #tpu.memory_space<vmem>> -> memref<1x640xf32, #tpu.memory_space<vmem>>
      %dma_wait3A_55 = tpu.memref_squeeze %dma_wait3A_54 : memref<1x640xf32, #tpu.memory_space<vmem>> -> memref<640xf32, #tpu.memory_space<vmem>>
      %dma_wait3A_56 = tpu.memref_slice %arg9[%run_scoped3A_36, %mul3A_6] : memref<16x10240xf32, #tpu.memory_space<vmem_shared>> -> memref<1x640xf32, #tpu.memory_space<vmem_shared>>
      %dma_wait3A_57 = tpu.memref_squeeze %dma_wait3A_56 : memref<1x640xf32, #tpu.memory_space<vmem_shared>> -> memref<640xf32, #tpu.memory_space<vmem_shared>>
      %dma_wait3A_58 = arith.constant 0 : i32
      %dma_wait3A_59 = tpu.memref_slice %arg7[%run_scoped3A_37, %dma_wait3A_58] : memref<16x640xf32, #tpu.memory_space<vmem>> -> memref<1x640xf32, #tpu.memory_space<vmem>>
      %dma_wait3A_60 = tpu.memref_squeeze %dma_wait3A_59 : memref<1x640xf32, #tpu.memory_space<vmem>> -> memref<640xf32, #tpu.memory_space<vmem>>
      %dma_wait3A_61 = tpu.memref_slice %arg9[%run_scoped3A_36, %mul3A_6] : memref<16x10240xf32, #tpu.memory_space<vmem_shared>> -> memref<1x640xf32, #tpu.memory_space<vmem_shared>>
      %dma_wait3A_62 = tpu.memref_squeeze %dma_wait3A_61 : memref<1x640xf32, #tpu.memory_space<vmem_shared>> -> memref<640xf32, #tpu.memory_space<vmem_shared>>
      tpu.wait_dma2 semaphore(%run_scoped3A_44 : memref<!tpu.dma_semaphore, #tpu.memory_space<semaphore_mem>>) src(%dma_wait3A_62 : memref<640xf32, #tpu.memory_space<vmem_shared>>) dst(%dma_wait3A_60 : memref<640xf32, #tpu.memory_space<vmem>>)
      tpu.yield
    }) : () -> ()
    %scan3A_38 = arith.constant 0 : i32
    %scan3A_39 = arith.constant 0 : i32
    %scan3A_40 = arith.constant 40 : i32
    %scan3A_41 = arith.addi %scan3A_39, %scan3A_40 : i32
    %scan3A_42 = arith.constant 1 : i32
    scf.for %scan3A_44 = %scan3A_39 to %scan3A_41 step %scan3A_42  : i32 {
      %mul3A_45 = arith.constant 16 : i32
      %mul3A_46 = arith.muli %scan3A_44, %mul3A_45 : i32
      %get3A = arith.constant 0 : i32
      %get3A_47 = arith.index_cast %get3A : i32 to index
      %get3A_48 = arith.index_cast %mul3A_46 : i32 to index
      %get3A_49 = tpu.vector_load %arg7[%get3A_47, %get3A_48] {strides = array<i32>} : memref<16x640xf32, #tpu.memory_space<vmem>>, vector<16xf32>,
      %get3A_50 = arith.constant 1 : i32
      %get3A_51 = arith.index_cast %get3A_50 : i32 to index
      %get3A_52 = arith.index_cast %mul3A_46 : i32 to index
      %get3A_53 = tpu.vector_load %arg7[%get3A_51, %get3A_52] {strides = array<i32>} : memref<16x640xf32, #tpu.memory_space<vmem>>, vector<16xf32>,
      %add3A = arith.addf %get3A_49, %get3A_53 : vector<16xf32>
      %get3A_54 = arith.constant 2 : i32
      %get3A_55 = arith.index_cast %get3A_54 : i32 to index
      %get3A_56 = arith.index_cast %mul3A_46 : i32 to index
      %get3A_57 = tpu.vector_load %arg7[%get3A_55, %get3A_56] {strides = array<i32>} : memref<16x640xf32, #tpu.memory_space<vmem>>, vector<16xf32>,
      %add3A_58 = arith.addf %add3A, %get3A_57 : vector<16xf32>
      %get3A_59 = arith.constant 3 : i32
      %get3A_60 = arith.index_cast %get3A_59 : i32 to index
      %get3A_61 = arith.index_cast %mul3A_46 : i32 to index
      %get3A_62 = tpu.vector_load %arg7[%get3A_60, %get3A_61] {strides = array<i32>} : memref<16x640xf32, #tpu.memory_space<vmem>>, vector<16xf32>,
      %add3A_63 = arith.addf %add3A_58, %get3A_62 : vector<16xf32>
      %get3A_64 = arith.constant 4 : i32
      %get3A_65 = arith.index_cast %get3A_64 : i32 to index
      %get3A_66 = arith.index_cast %mul3A_46 : i32 to index
      %get3A_67 = tpu.vector_load %arg7[%get3A_65, %get3A_66] {strides = array<i32>} : memref<16x640xf32, #tpu.memory_space<vmem>>, vector<16xf32>,
      %add3A_68 = arith.addf %add3A_63, %get3A_67 : vector<16xf32>
      %get3A_69 = arith.constant 5 : i32
      %get3A_70 = arith.index_cast %get3A_69 : i32 to index
      %get3A_71 = arith.index_cast %mul3A_46 : i32 to index
      %get3A_72 = tpu.vector_load %arg7[%get3A_70, %get3A_71] {strides = array<i32>} : memref<16x640xf32, #tpu.memory_space<vmem>>, vector<16xf32>,
      %add3A_73 = arith.addf %add3A_68, %get3A_72 : vector<16xf32>
      %get3A_74 = arith.constant 6 : i32
      %get3A_75 = arith.index_cast %get3A_74 : i32 to index
      %get3A_76 = arith.index_cast %mul3A_46 : i32 to index
      %get3A_77 = tpu.vector_load %arg7[%get3A_75, %get3A_76] {strides = array<i32>} : memref<16x640xf32, #tpu.memory_space<vmem>>, vector<16xf32>,
      %add3A_78 = arith.addf %add3A_73, %get3A_77 : vector<16xf32>
      %get3A_79 = arith.constant 7 : i32
      %get3A_80 = arith.index_cast %get3A_79 : i32 to index
      %get3A_81 = arith.index_cast %mul3A_46 : i32 to index
      %get3A_82 = tpu.vector_load %arg7[%get3A_80, %get3A_81] {strides = array<i32>} : memref<16x640xf32, #tpu.memory_space<vmem>>, vector<16xf32>,
      %add3A_83 = arith.addf %add3A_78, %get3A_82 : vector<16xf32>
      %get3A_84 = arith.constant 8 : i32
      %get3A_85 = arith.index_cast %get3A_84 : i32 to index
      %get3A_86 = arith.index_cast %mul3A_46 : i32 to index
      %get3A_87 = tpu.vector_load %arg7[%get3A_85, %get3A_86] {strides = array<i32>} : memref<16x640xf32, #tpu.memory_space<vmem>>, vector<16xf32>,
      %add3A_88 = arith.addf %add3A_83, %get3A_87 : vector<16xf32>
      %get3A_89 = arith.constant 9 : i32
      %get3A_90 = arith.index_cast %get3A_89 : i32 to index
      %get3A_91 = arith.index_cast %mul3A_46 : i32 to index
      %get3A_92 = tpu.vector_load %arg7[%get3A_90, %get3A_91] {strides = array<i32>} : memref<16x640xf32, #tpu.memory_space<vmem>>, vector<16xf32>,
      %add3A_93 = arith.addf %add3A_88, %get3A_92 : vector<16xf32>
      %get3A_94 = arith.constant 10 : i32
      %get3A_95 = arith.index_cast %get3A_94 : i32 to index
      %get3A_96 = arith.index_cast %mul3A_46 : i32 to index
      %get3A_97 = tpu.vector_load %arg7[%get3A_95, %get3A_96] {strides = array<i32>} : memref<16x640xf32, #tpu.memory_space<vmem>>, vector<16xf32>,
      %add3A_98 = arith.addf %add3A_93, %get3A_97 : vector<16xf32>
      %get3A_99 = arith.constant 11 : i32
      %get3A_100 = arith.index_cast %get3A_99 : i32 to index
      %get3A_101 = arith.index_cast %mul3A_46 : i32 to index
      %get3A_102 = tpu.vector_load %arg7[%get3A_100, %get3A_101] {strides = array<i32>} : memref<16x640xf32, #tpu.memory_space<vmem>>, vector<16xf32>,
      %add3A_103 = arith.addf %add3A_98, %get3A_102 : vector<16xf32>
      %get3A_104 = arith.constant 12 : i32
      %get3A_105 = arith.index_cast %get3A_104 : i32 to index
      %get3A_106 = arith.index_cast %mul3A_46 : i32 to index
      %get3A_107 = tpu.vector_load %arg7[%get3A_105, %get3A_106] {strides = array<i32>} : memref<16x640xf32, #tpu.memory_space<vmem>>, vector<16xf32>,
      %add3A_108 = arith.addf %add3A_103, %get3A_107 : vector<16xf32>
      %get3A_109 = arith.constant 13 : i32
      %get3A_110 = arith.index_cast %get3A_109 : i32 to index
      %get3A_111 = arith.index_cast %mul3A_46 : i32 to index
      %get3A_112 = tpu.vector_load %arg7[%get3A_110, %get3A_111] {strides = array<i32>} : memref<16x640xf32, #tpu.memory_space<vmem>>, vector<16xf32>,
      %add3A_113 = arith.addf %add3A_108, %get3A_112 : vector<16xf32>
      %get3A_114 = arith.constant 14 : i32
      %get3A_115 = arith.index_cast %get3A_114 : i32 to index
      %get3A_116 = arith.index_cast %mul3A_46 : i32 to index
      %get3A_117 = tpu.vector_load %arg7[%get3A_115, %get3A_116] {strides = array<i32>} : memref<16x640xf32, #tpu.memory_space<vmem>>, vector<16xf32>,
      %add3A_118 = arith.addf %add3A_113, %get3A_117 : vector<16xf32>
      %get3A_119 = arith.constant 15 : i32
      %get3A_120 = arith.index_cast %get3A_119 : i32 to index
      %get3A_121 = arith.index_cast %mul3A_46 : i32 to index
      %get3A_122 = tpu.vector_load %arg7[%get3A_120, %get3A_121] {strides = array<i32>} : memref<16x640xf32, #tpu.memory_space<vmem>>, vector<16xf32>,
      %add3A_123 = arith.addf %add3A_118, %get3A_122 : vector<16xf32>
      %swap3A = arith.index_cast %mul3A_46 : i32 to index
      %swap3A_124 = tpu.vector_load %arg8[%swap3A] {strides = array<i32>} : memref<640xf32, #tpu.memory_space<vmem>>, vector<16xf32>,
      tpu.vector_store %arg8[%swap3A], %add3A_123 {strides = array<i32>} : memref<640xf32, #tpu.memory_space<vmem>>, vector<16xf32>,
    }
    %scan3A_43 = arith.constant 40 : i32
    "tpu.region"() ({
      %run_scoped3A_44 = tpu.sem_alloc : memref<!tpu.dma_semaphore, #tpu.memory_space<semaphore_mem>>
      %dma_start3A = tpu.memref_slice %arg4[%arg0, %mul3A_6] : memref<2x10240xf32, #tpu.memory_space<hbm>> -> memref<1x640xf32, #tpu.memory_space<hbm>>
      %dma_start3A_45 = tpu.memref_squeeze %dma_start3A : memref<1x640xf32, #tpu.memory_space<hbm>> -> memref<640xf32, #tpu.memory_space<hbm>>
      %dma_start3A_46 = tpu.memref_slice %arg4[%arg0, %mul3A_6] : memref<2x10240xf32, #tpu.memory_space<hbm>> -> memref<1x640xf32, #tpu.memory_space<hbm>>
      %dma_start3A_47 = tpu.memref_squeeze %dma_start3A_46 : memref<1x640xf32, #tpu.memory_space<hbm>> -> memref<640xf32, #tpu.memory_space<hbm>>
      tpu.enqueue_dma source(%arg8 : memref<640xf32, #tpu.memory_space<vmem>>) target(%dma_start3A_47 : memref<640xf32, #tpu.memory_space<hbm>>) target_semaphore(%run_scoped3A_44 : memref<!tpu.dma_semaphore, #tpu.memory_space<semaphore_mem>>)
      %dma_wait3A = tpu.memref_slice %arg4[%arg0, %mul3A_6] : memref<2x10240xf32, #tpu.memory_space<hbm>> -> memref<1x640xf32, #tpu.memory_space<hbm>>
      %dma_wait3A_48 = tpu.memref_squeeze %dma_wait3A : memref<1x640xf32, #tpu.memory_space<hbm>> -> memref<640xf32, #tpu.memory_space<hbm>>
      %dma_wait3A_49 = tpu.memref_slice %arg4[%arg0, %mul3A_6] : memref<2x10240xf32, #tpu.memory_space<hbm>> -> memref<1x640xf32, #tpu.memory_space<hbm>>
      %dma_wait3A_50 = tpu.memref_squeeze %dma_wait3A_49 : memref<1x640xf32, #tpu.memory_space<hbm>> -> memref<640xf32, #tpu.memory_space<hbm>>
      tpu.wait_dma2 semaphore(%run_scoped3A_44 : memref<!tpu.dma_semaphore, #tpu.memory_space<semaphore_mem>>) src(%arg8 : memref<640xf32, #tpu.memory_space<vmem>>) dst(%dma_wait3A_50 : memref<640xf32, #tpu.memory_space<hbm>>)
      tpu.yield
    }) : () -> ()
    return
  }
}

#map = affine_map<(d0, d1) -> (0, 0, 0)>
#map1 = affine_map<(d0, d1) -> (0, 0)>
module attributes {stable_mosaic.version = 14 : i64} {
  func.func @mp(%arg0: i32, %arg1: i32, %arg2: memref<2x10240x64xf32, #tpu.memory_space<hbm>>, %arg3: memref<16x160x128xi32, #tpu.memory_space<hbm>>, %arg4: memref<16x160x128xi32, #tpu.memory_space<hbm>>, %arg5: memref<640x64xf32, #tpu.memory_space<hbm>>, %arg6: memref<2x10240x64xf32, #tpu.memory_space<hbm>>, %arg7: memref<160x128xi32, #tpu.memory_space<vmem>>, %arg8: memref<160x128xi32, #tpu.memory_space<vmem>>, %arg9: memref<4x128x64xf32, #tpu.memory_space<vmem>>, %arg10: memref<10240x64xf32, #tpu.memory_space<vmem_shared>>, %arg11: memref<!tpu.dma_semaphore, #tpu.memory_space<semaphore_mem>>, %arg12: memref<!tpu.dma_semaphore, #tpu.memory_space<semaphore_mem>>, %arg13: memref<!tpu.dma_semaphore, #tpu.memory_space<semaphore_mem>>, %arg14: memref<!tpu.dma_semaphore, #tpu.memory_space<semaphore_mem>>, %arg15: memref<!tpu.dma_semaphore, #tpu.memory_space<semaphore_mem>>, %arg16: memref<!tpu.dma_semaphore, #tpu.memory_space<semaphore_mem>>, %arg17: memref<!tpu.dma_semaphore, #tpu.memory_space<semaphore_mem>>, %arg18: memref<!tpu.dma_semaphore, #tpu.memory_space<semaphore_mem>>) attributes {dimension_semantics = [#tpu.dimension_semantics<core_parallel>, #tpu.dimension_semantics<subcore_parallel>], iteration_bounds = array<i64: 2, 16>, scalar_prefetch = 0 : i64, scratch_operands = 12 : i64, tpu.core_type = #tpu.core_type<sc_vector_subcore>, window_params = [{transform_indices = #map}, {transform_indices = #map}, {transform_indices = #map}, {transform_indices = #map1}, {transform_indices = #map}]} {
    %mul3A = arith.constant 640 : i32
    %mul3A_0 = arith.muli %arg1, %mul3A : i32
    "tpu.region"() ({
      %run_scoped3A = tpu.sem_alloc : memref<!tpu.dma_semaphore, #tpu.memory_space<semaphore_mem>>
      %dma_start3A_61 = arith.constant 0 : i32
      %dma_start3A_62 = arith.constant 0 : i32
      %dma_start3A_63 = tpu.memref_slice %arg3[%arg1, %dma_start3A_61, %dma_start3A_62] : memref<16x160x128xi32, #tpu.memory_space<hbm>> -> memref<1x160x128xi32, #tpu.memory_space<hbm>>
      %dma_start3A_64 = tpu.memref_squeeze %dma_start3A_63 : memref<1x160x128xi32, #tpu.memory_space<hbm>> -> memref<160x128xi32, #tpu.memory_space<hbm>>
      %dma_start3A_65 = arith.constant 0 : i32
      %dma_start3A_66 = arith.constant 0 : i32
      %dma_start3A_67 = tpu.memref_slice %arg3[%arg1, %dma_start3A_65, %dma_start3A_66] : memref<16x160x128xi32, #tpu.memory_space<hbm>> -> memref<1x160x128xi32, #tpu.memory_space<hbm>>
      %dma_start3A_68 = tpu.memref_squeeze %dma_start3A_67 : memref<1x160x128xi32, #tpu.memory_space<hbm>> -> memref<160x128xi32, #tpu.memory_space<hbm>>
      tpu.enqueue_dma source(%dma_start3A_68 : memref<160x128xi32, #tpu.memory_space<hbm>>) target(%arg7 : memref<160x128xi32, #tpu.memory_space<vmem>>) target_semaphore(%run_scoped3A : memref<!tpu.dma_semaphore, #tpu.memory_space<semaphore_mem>>)
      %dma_wait3A_69 = arith.constant 0 : i32
      %dma_wait3A_70 = arith.constant 0 : i32
      %dma_wait3A_71 = tpu.memref_slice %arg3[%arg1, %dma_wait3A_69, %dma_wait3A_70] : memref<16x160x128xi32, #tpu.memory_space<hbm>> -> memref<1x160x128xi32, #tpu.memory_space<hbm>>
      %dma_wait3A_72 = tpu.memref_squeeze %dma_wait3A_71 : memref<1x160x128xi32, #tpu.memory_space<hbm>> -> memref<160x128xi32, #tpu.memory_space<hbm>>
      %dma_wait3A_73 = arith.constant 0 : i32
      %dma_wait3A_74 = arith.constant 0 : i32
      %dma_wait3A_75 = tpu.memref_slice %arg3[%arg1, %dma_wait3A_73, %dma_wait3A_74] : memref<16x160x128xi32, #tpu.memory_space<hbm>> -> memref<1x160x128xi32, #tpu.memory_space<hbm>>
      %dma_wait3A_76 = tpu.memref_squeeze %dma_wait3A_75 : memref<1x160x128xi32, #tpu.memory_space<hbm>> -> memref<160x128xi32, #tpu.memory_space<hbm>>
      tpu.wait_dma2 semaphore(%run_scoped3A : memref<!tpu.dma_semaphore, #tpu.memory_space<semaphore_mem>>) src(%dma_wait3A_76 : memref<160x128xi32, #tpu.memory_space<hbm>>) dst(%arg7 : memref<160x128xi32, #tpu.memory_space<vmem>>)
      tpu.yield
    }) : () -> ()
    "tpu.region"() ({
      %run_scoped3A = tpu.sem_alloc : memref<!tpu.dma_semaphore, #tpu.memory_space<semaphore_mem>>
      %dma_start3A_61 = arith.constant 0 : i32
      %dma_start3A_62 = arith.constant 0 : i32
      %dma_start3A_63 = tpu.memref_slice %arg4[%arg1, %dma_start3A_61, %dma_start3A_62] : memref<16x160x128xi32, #tpu.memory_space<hbm>> -> memref<1x160x128xi32, #tpu.memory_space<hbm>>
      %dma_start3A_64 = tpu.memref_squeeze %dma_start3A_63 : memref<1x160x128xi32, #tpu.memory_space<hbm>> -> memref<160x128xi32, #tpu.memory_space<hbm>>
      %dma_start3A_65 = arith.constant 0 : i32
      %dma_start3A_66 = arith.constant 0 : i32
      %dma_start3A_67 = tpu.memref_slice %arg4[%arg1, %dma_start3A_65, %dma_start3A_66] : memref<16x160x128xi32, #tpu.memory_space<hbm>> -> memref<1x160x128xi32, #tpu.memory_space<hbm>>
      %dma_start3A_68 = tpu.memref_squeeze %dma_start3A_67 : memref<1x160x128xi32, #tpu.memory_space<hbm>> -> memref<160x128xi32, #tpu.memory_space<hbm>>
      tpu.enqueue_dma source(%dma_start3A_68 : memref<160x128xi32, #tpu.memory_space<hbm>>) target(%arg8 : memref<160x128xi32, #tpu.memory_space<vmem>>) target_semaphore(%run_scoped3A : memref<!tpu.dma_semaphore, #tpu.memory_space<semaphore_mem>>)
      %dma_wait3A_69 = arith.constant 0 : i32
      %dma_wait3A_70 = arith.constant 0 : i32
      %dma_wait3A_71 = tpu.memref_slice %arg4[%arg1, %dma_wait3A_69, %dma_wait3A_70] : memref<16x160x128xi32, #tpu.memory_space<hbm>> -> memref<1x160x128xi32, #tpu.memory_space<hbm>>
      %dma_wait3A_72 = tpu.memref_squeeze %dma_wait3A_71 : memref<1x160x128xi32, #tpu.memory_space<hbm>> -> memref<160x128xi32, #tpu.memory_space<hbm>>
      %dma_wait3A_73 = arith.constant 0 : i32
      %dma_wait3A_74 = arith.constant 0 : i32
      %dma_wait3A_75 = tpu.memref_slice %arg4[%arg1, %dma_wait3A_73, %dma_wait3A_74] : memref<16x160x128xi32, #tpu.memory_space<hbm>> -> memref<1x160x128xi32, #tpu.memory_space<hbm>>
      %dma_wait3A_76 = tpu.memref_squeeze %dma_wait3A_75 : memref<1x160x128xi32, #tpu.memory_space<hbm>> -> memref<160x128xi32, #tpu.memory_space<hbm>>
      tpu.wait_dma2 semaphore(%run_scoped3A : memref<!tpu.dma_semaphore, #tpu.memory_space<semaphore_mem>>) src(%dma_wait3A_76 : memref<160x128xi32, #tpu.memory_space<hbm>>) dst(%arg8 : memref<160x128xi32, #tpu.memory_space<vmem>>)
      tpu.yield
    }) : () -> ()
    "tpu.region"() ({
      %run_scoped3A = tpu.sem_alloc : memref<!tpu.dma_semaphore, #tpu.memory_space<semaphore_mem>>
      %dma_start3A_61 = arith.constant 0 : i32
      %dma_start3A_62 = tpu.memref_slice %arg10[%mul3A_0, %dma_start3A_61] : memref<10240x64xf32, #tpu.memory_space<vmem_shared>> -> memref<640x64xf32, #tpu.memory_space<vmem_shared>>
      tpu.enqueue_dma source(%arg5 : memref<640x64xf32, #tpu.memory_space<hbm>>) target(%dma_start3A_62 : memref<640x64xf32, #tpu.memory_space<vmem_shared>>) target_semaphore(%run_scoped3A : memref<!tpu.dma_semaphore, #tpu.memory_space<semaphore_mem>>)
      %dma_wait3A_63 = arith.constant 0 : i32
      %dma_wait3A_64 = tpu.memref_slice %arg10[%mul3A_0, %dma_wait3A_63] : memref<10240x64xf32, #tpu.memory_space<vmem_shared>> -> memref<640x64xf32, #tpu.memory_space<vmem_shared>>
      tpu.wait_dma2 semaphore(%run_scoped3A : memref<!tpu.dma_semaphore, #tpu.memory_space<semaphore_mem>>) src(%arg5 : memref<640x64xf32, #tpu.memory_space<hbm>>) dst(%dma_wait3A_64 : memref<640x64xf32, #tpu.memory_space<vmem_shared>>)
      tpu.yield
    }) : () -> ()
    %barrier3A = arith.constant 0 : index
    tpu.barrier barrier_id(%barrier3A)
    %dma_start3A = arith.constant 0 : i32
    %dma_start3A_1 = arith.constant 0 : i32
    %dma_start3A_2 = arith.constant 0 : i32
    %dma_start3A_3 = arith.constant 0 : i32
    %dma_start3A_4 = tpu.memref_slice %arg9[%dma_start3A_1, %dma_start3A_2, %dma_start3A_3] : memref<4x128x64xf32, #tpu.memory_space<vmem>> -> memref<1x128x64xf32, #tpu.memory_space<vmem>>
    %dma_start3A_5 = tpu.memref_squeeze %dma_start3A_4 : memref<1x128x64xf32, #tpu.memory_space<vmem>> -> memref<128x64xf32, #tpu.memory_space<vmem>>
    %dma_start3A_6 = arith.constant 0 : i32
    %dma_start3A_7 = tpu.memref_slice %arg7[%dma_start3A, %dma_start3A_6] : memref<160x128xi32, #tpu.memory_space<vmem>> -> memref<1x128xi32, #tpu.memory_space<vmem>>
    %dma_start3A_8 = tpu.memref_squeeze %dma_start3A_7 : memref<1x128xi32, #tpu.memory_space<vmem>> -> memref<128xi32, #tpu.memory_space<vmem>>
    %dma_start3A_9 = arith.constant 0 : i32
    %dma_start3A_10 = arith.constant 0 : i32
    %dma_start3A_11 = tpu.memref_slice %arg2[%arg0, %dma_start3A_9, %dma_start3A_10] : memref<2x10240x64xf32, #tpu.memory_space<hbm>> -> memref<1x10240x64xf32, #tpu.memory_space<hbm>>
    %dma_start3A_12 = tpu.memref_squeeze %dma_start3A_11 : memref<1x10240x64xf32, #tpu.memory_space<hbm>> -> memref<10240x64xf32, #tpu.memory_space<hbm>>
    %dma_start3A_13 = arith.constant 0 : i32
    %dma_start3A_14 = arith.constant 0 : i32
    %dma_start3A_15 = tpu.memref_slice %dma_start3A_12[%dma_start3A_13, %dma_start3A_14] : memref<10240x64xf32, #tpu.memory_space<hbm>> -> memref<10240x64xf32, #tpu.memory_space<hbm>>
    tpu.enqueue_indirect_dma source(%dma_start3A_15 : memref<10240x64xf32, #tpu.memory_space<hbm>>) target(%dma_start3A_5 : memref<128x64xf32, #tpu.memory_space<vmem>>) offsets(%dma_start3A_8 : memref<128xi32, #tpu.memory_space<vmem>>) semaphore(%arg11 : memref<!tpu.dma_semaphore, #tpu.memory_space<semaphore_mem>>)
    %dma_start3A_16 = arith.constant 1 : i32
    %dma_start3A_17 = arith.constant 1 : i32
    %dma_start3A_18 = arith.constant 0 : i32
    %dma_start3A_19 = arith.constant 0 : i32
    %dma_start3A_20 = tpu.memref_slice %arg9[%dma_start3A_17, %dma_start3A_18, %dma_start3A_19] : memref<4x128x64xf32, #tpu.memory_space<vmem>> -> memref<1x128x64xf32, #tpu.memory_space<vmem>>
    %dma_start3A_21 = tpu.memref_squeeze %dma_start3A_20 : memref<1x128x64xf32, #tpu.memory_space<vmem>> -> memref<128x64xf32, #tpu.memory_space<vmem>>
    %dma_start3A_22 = arith.constant 0 : i32
    %dma_start3A_23 = tpu.memref_slice %arg7[%dma_start3A_16, %dma_start3A_22] : memref<160x128xi32, #tpu.memory_space<vmem>> -> memref<1x128xi32, #tpu.memory_space<vmem>>
    %dma_start3A_24 = tpu.memref_squeeze %dma_start3A_23 : memref<1x128xi32, #tpu.memory_space<vmem>> -> memref<128xi32, #tpu.memory_space<vmem>>
    %dma_start3A_25 = arith.constant 0 : i32
    %dma_start3A_26 = arith.constant 0 : i32
    %dma_start3A_27 = tpu.memref_slice %arg2[%arg0, %dma_start3A_25, %dma_start3A_26] : memref<2x10240x64xf32, #tpu.memory_space<hbm>> -> memref<1x10240x64xf32, #tpu.memory_space<hbm>>
    %dma_start3A_28 = tpu.memref_squeeze %dma_start3A_27 : memref<1x10240x64xf32, #tpu.memory_space<hbm>> -> memref<10240x64xf32, #tpu.memory_space<hbm>>
    %dma_start3A_29 = arith.constant 0 : i32
    %dma_start3A_30 = arith.constant 0 : i32
    %dma_start3A_31 = tpu.memref_slice %dma_start3A_28[%dma_start3A_29, %dma_start3A_30] : memref<10240x64xf32, #tpu.memory_space<hbm>> -> memref<10240x64xf32, #tpu.memory_space<hbm>>
    tpu.enqueue_indirect_dma source(%dma_start3A_31 : memref<10240x64xf32, #tpu.memory_space<hbm>>) target(%dma_start3A_21 : memref<128x64xf32, #tpu.memory_space<vmem>>) offsets(%dma_start3A_24 : memref<128xi32, #tpu.memory_space<vmem>>) semaphore(%arg12 : memref<!tpu.dma_semaphore, #tpu.memory_space<semaphore_mem>>)
    %scan3A = arith.constant 0 : i32
    %scan3A_32 = arith.constant 0 : i32
    %scan3A_33 = arith.constant 40 : i32
    %scan3A_34 = arith.addi %scan3A_32, %scan3A_33 : i32
    %scan3A_35 = arith.constant 1 : i32
    scf.for %scan3A_61 = %scan3A_32 to %scan3A_34 step %scan3A_35  : i32 {
      %mul3A_62 = arith.constant 4 : i32
      %mul3A_63 = arith.muli %scan3A_61, %mul3A_62 : i32
      %add3A = arith.constant 0 : i32
      %add3A_64 = arith.addi %mul3A_63, %add3A : i32
      %add3A_65 = arith.constant 2 : i32
      %add3A_66 = arith.addi %add3A_64, %add3A_65 : i32
      %sub3A = arith.constant 4 : i32
      %sub3A_67 = arith.subi %add3A_66, %sub3A : i32
      %ge3A = arith.constant 0 : i32
      %ge3A_68 = arith.cmpi sge, %sub3A_67, %ge3A : i32
      %convert_element_type3A = arith.extui %ge3A_68 : i1 to i32
      %cond3A = arith.constant 0 : i32
      %cond3A_69 = arith.cmpi ne, %convert_element_type3A, %cond3A : i32
      scf.if %cond3A_69 {
        %dma_wait3A_226 = arith.constant 2 : i32
        %dma_wait3A_227 = arith.constant 0 : i32
        %dma_wait3A_228 = arith.constant 0 : i32
        %dma_wait3A_229 = tpu.memref_slice %arg9[%dma_wait3A_226, %dma_wait3A_227, %dma_wait3A_228] : memref<4x128x64xf32, #tpu.memory_space<vmem>> -> memref<1x128x64xf32, #tpu.memory_space<vmem>>
        %dma_wait3A_230 = tpu.memref_squeeze %dma_wait3A_229 : memref<1x128x64xf32, #tpu.memory_space<vmem>> -> memref<128x64xf32, #tpu.memory_space<vmem>>
        %dma_wait3A_231 = arith.constant 0 : i32
        %dma_wait3A_232 = tpu.memref_slice %arg8[%add3A_64, %dma_wait3A_231] : memref<160x128xi32, #tpu.memory_space<vmem>> -> memref<1x128xi32, #tpu.memory_space<vmem>>
        %dma_wait3A_233 = tpu.memref_squeeze %dma_wait3A_232 : memref<1x128xi32, #tpu.memory_space<vmem>> -> memref<128xi32, #tpu.memory_space<vmem>>
        %dma_wait3A_234 = arith.constant 0 : i32
        %dma_wait3A_235 = arith.constant 0 : i32
        %dma_wait3A_236 = tpu.memref_slice %arg10[%dma_wait3A_234, %dma_wait3A_235] : memref<10240x64xf32, #tpu.memory_space<vmem_shared>> -> memref<10240x64xf32, #tpu.memory_space<vmem_shared>>
        tpu.wait_indirect_dma semaphore(%arg17 : memref<!tpu.dma_semaphore, #tpu.memory_space<semaphore_mem>>) src(%dma_wait3A_230 : memref<128x64xf32, #tpu.memory_space<vmem>>) dst(%dma_wait3A_236 : memref<10240x64xf32, #tpu.memory_space<vmem_shared>>)
      } else {
      }
      %lt3A = arith.constant 160 : i32
      %lt3A_70 = arith.cmpi slt, %add3A_66, %lt3A : i32
      %convert_element_type3A_71 = arith.extui %lt3A_70 : i1 to i32
      %cond3A_72 = arith.constant 0 : i32
      %cond3A_73 = arith.cmpi ne, %convert_element_type3A_71, %cond3A_72 : i32
      scf.if %cond3A_73 {
        %dma_start3A_226 = arith.constant 2 : i32
        %dma_start3A_227 = arith.constant 0 : i32
        %dma_start3A_228 = arith.constant 0 : i32
        %dma_start3A_229 = tpu.memref_slice %arg9[%dma_start3A_226, %dma_start3A_227, %dma_start3A_228] : memref<4x128x64xf32, #tpu.memory_space<vmem>> -> memref<1x128x64xf32, #tpu.memory_space<vmem>>
        %dma_start3A_230 = tpu.memref_squeeze %dma_start3A_229 : memref<1x128x64xf32, #tpu.memory_space<vmem>> -> memref<128x64xf32, #tpu.memory_space<vmem>>
        %dma_start3A_231 = arith.constant 0 : i32
        %dma_start3A_232 = tpu.memref_slice %arg7[%add3A_66, %dma_start3A_231] : memref<160x128xi32, #tpu.memory_space<vmem>> -> memref<1x128xi32, #tpu.memory_space<vmem>>
        %dma_start3A_233 = tpu.memref_squeeze %dma_start3A_232 : memref<1x128xi32, #tpu.memory_space<vmem>> -> memref<128xi32, #tpu.memory_space<vmem>>
        %dma_start3A_234 = arith.constant 0 : i32
        %dma_start3A_235 = arith.constant 0 : i32
        %dma_start3A_236 = tpu.memref_slice %arg2[%arg0, %dma_start3A_234, %dma_start3A_235] : memref<2x10240x64xf32, #tpu.memory_space<hbm>> -> memref<1x10240x64xf32, #tpu.memory_space<hbm>>
        %dma_start3A_237 = tpu.memref_squeeze %dma_start3A_236 : memref<1x10240x64xf32, #tpu.memory_space<hbm>> -> memref<10240x64xf32, #tpu.memory_space<hbm>>
        %dma_start3A_238 = arith.constant 0 : i32
        %dma_start3A_239 = arith.constant 0 : i32
        %dma_start3A_240 = tpu.memref_slice %dma_start3A_237[%dma_start3A_238, %dma_start3A_239] : memref<10240x64xf32, #tpu.memory_space<hbm>> -> memref<10240x64xf32, #tpu.memory_space<hbm>>
        tpu.enqueue_indirect_dma source(%dma_start3A_240 : memref<10240x64xf32, #tpu.memory_space<hbm>>) target(%dma_start3A_230 : memref<128x64xf32, #tpu.memory_space<vmem>>) offsets(%dma_start3A_233 : memref<128xi32, #tpu.memory_space<vmem>>) semaphore(%arg13 : memref<!tpu.dma_semaphore, #tpu.memory_space<semaphore_mem>>)
      } else {
      }
      %dma_wait3A_74 = arith.constant 0 : i32
      %dma_wait3A_75 = arith.constant 0 : i32
      %dma_wait3A_76 = arith.constant 0 : i32
      %dma_wait3A_77 = tpu.memref_slice %arg9[%dma_wait3A_74, %dma_wait3A_75, %dma_wait3A_76] : memref<4x128x64xf32, #tpu.memory_space<vmem>> -> memref<1x128x64xf32, #tpu.memory_space<vmem>>
      %dma_wait3A_78 = tpu.memref_squeeze %dma_wait3A_77 : memref<1x128x64xf32, #tpu.memory_space<vmem>> -> memref<128x64xf32, #tpu.memory_space<vmem>>
      %dma_wait3A_79 = arith.constant 0 : i32
      %dma_wait3A_80 = tpu.memref_slice %arg7[%add3A_64, %dma_wait3A_79] : memref<160x128xi32, #tpu.memory_space<vmem>> -> memref<1x128xi32, #tpu.memory_space<vmem>>
      %dma_wait3A_81 = tpu.memref_squeeze %dma_wait3A_80 : memref<1x128xi32, #tpu.memory_space<vmem>> -> memref<128xi32, #tpu.memory_space<vmem>>
      %dma_wait3A_82 = arith.constant 0 : i32
      %dma_wait3A_83 = arith.constant 0 : i32
      %dma_wait3A_84 = tpu.memref_slice %arg2[%arg0, %dma_wait3A_82, %dma_wait3A_83] : memref<2x10240x64xf32, #tpu.memory_space<hbm>> -> memref<1x10240x64xf32, #tpu.memory_space<hbm>>
      %dma_wait3A_85 = tpu.memref_squeeze %dma_wait3A_84 : memref<1x10240x64xf32, #tpu.memory_space<hbm>> -> memref<10240x64xf32, #tpu.memory_space<hbm>>
      %dma_wait3A_86 = arith.constant 0 : i32
      %dma_wait3A_87 = arith.constant 0 : i32
      %dma_wait3A_88 = tpu.memref_slice %dma_wait3A_85[%dma_wait3A_86, %dma_wait3A_87] : memref<10240x64xf32, #tpu.memory_space<hbm>> -> memref<10240x64xf32, #tpu.memory_space<hbm>>
      tpu.wait_indirect_dma semaphore(%arg11 : memref<!tpu.dma_semaphore, #tpu.memory_space<semaphore_mem>>) src(%dma_wait3A_88 : memref<10240x64xf32, #tpu.memory_space<hbm>>) dst(%dma_wait3A_78 : memref<128x64xf32, #tpu.memory_space<vmem>>)
      %dma_start3A_89 = arith.constant 0 : i32
      %dma_start3A_90 = arith.constant 0 : i32
      %dma_start3A_91 = arith.constant 0 : i32
      %dma_start3A_92 = tpu.memref_slice %arg9[%dma_start3A_89, %dma_start3A_90, %dma_start3A_91] : memref<4x128x64xf32, #tpu.memory_space<vmem>> -> memref<1x128x64xf32, #tpu.memory_space<vmem>>
      %dma_start3A_93 = tpu.memref_squeeze %dma_start3A_92 : memref<1x128x64xf32, #tpu.memory_space<vmem>> -> memref<128x64xf32, #tpu.memory_space<vmem>>
      %dma_start3A_94 = arith.constant 0 : i32
      %dma_start3A_95 = tpu.memref_slice %arg8[%add3A_64, %dma_start3A_94] : memref<160x128xi32, #tpu.memory_space<vmem>> -> memref<1x128xi32, #tpu.memory_space<vmem>>
      %dma_start3A_96 = tpu.memref_squeeze %dma_start3A_95 : memref<1x128xi32, #tpu.memory_space<vmem>> -> memref<128xi32, #tpu.memory_space<vmem>>
      %dma_start3A_97 = arith.constant 0 : i32
      %dma_start3A_98 = arith.constant 0 : i32
      %dma_start3A_99 = tpu.memref_slice %arg10[%dma_start3A_97, %dma_start3A_98] : memref<10240x64xf32, #tpu.memory_space<vmem_shared>> -> memref<10240x64xf32, #tpu.memory_space<vmem_shared>>
      tpu.enqueue_indirect_dma source(%dma_start3A_93 : memref<128x64xf32, #tpu.memory_space<vmem>>) target(%dma_start3A_99 : memref<10240x64xf32, #tpu.memory_space<vmem_shared>>) offsets(%dma_start3A_96 : memref<128xi32, #tpu.memory_space<vmem>>) semaphore(%arg15 : memref<!tpu.dma_semaphore, #tpu.memory_space<semaphore_mem>>) {add = true}
      %add3A_100 = arith.constant 1 : i32
      %add3A_101 = arith.addi %mul3A_63, %add3A_100 : i32
      %add3A_102 = arith.constant 2 : i32
      %add3A_103 = arith.addi %add3A_101, %add3A_102 : i32
      %sub3A_104 = arith.constant 4 : i32
      %sub3A_105 = arith.subi %add3A_103, %sub3A_104 : i32
      %ge3A_106 = arith.constant 0 : i32
      %ge3A_107 = arith.cmpi sge, %sub3A_105, %ge3A_106 : i32
      %convert_element_type3A_108 = arith.extui %ge3A_107 : i1 to i32
      %cond3A_109 = arith.constant 0 : i32
      %cond3A_110 = arith.cmpi ne, %convert_element_type3A_108, %cond3A_109 : i32
      scf.if %cond3A_110 {
        %dma_wait3A_226 = arith.constant 3 : i32
        %dma_wait3A_227 = arith.constant 0 : i32
        %dma_wait3A_228 = arith.constant 0 : i32
        %dma_wait3A_229 = tpu.memref_slice %arg9[%dma_wait3A_226, %dma_wait3A_227, %dma_wait3A_228] : memref<4x128x64xf32, #tpu.memory_space<vmem>> -> memref<1x128x64xf32, #tpu.memory_space<vmem>>
        %dma_wait3A_230 = tpu.memref_squeeze %dma_wait3A_229 : memref<1x128x64xf32, #tpu.memory_space<vmem>> -> memref<128x64xf32, #tpu.memory_space<vmem>>
        %dma_wait3A_231 = arith.constant 0 : i32
        %dma_wait3A_232 = tpu.memref_slice %arg8[%add3A_101, %dma_wait3A_231] : memref<160x128xi32, #tpu.memory_space<vmem>> -> memref<1x128xi32, #tpu.memory_space<vmem>>
        %dma_wait3A_233 = tpu.memref_squeeze %dma_wait3A_232 : memref<1x128xi32, #tpu.memory_space<vmem>> -> memref<128xi32, #tpu.memory_space<vmem>>
        %dma_wait3A_234 = arith.constant 0 : i32
        %dma_wait3A_235 = arith.constant 0 : i32
        %dma_wait3A_236 = tpu.memref_slice %arg10[%dma_wait3A_234, %dma_wait3A_235] : memref<10240x64xf32, #tpu.memory_space<vmem_shared>> -> memref<10240x64xf32, #tpu.memory_space<vmem_shared>>
        tpu.wait_indirect_dma semaphore(%arg18 : memref<!tpu.dma_semaphore, #tpu.memory_space<semaphore_mem>>) src(%dma_wait3A_230 : memref<128x64xf32, #tpu.memory_space<vmem>>) dst(%dma_wait3A_236 : memref<10240x64xf32, #tpu.memory_space<vmem_shared>>)
      } else {
      }
      %lt3A_111 = arith.constant 160 : i32
      %lt3A_112 = arith.cmpi slt, %add3A_103, %lt3A_111 : i32
      %convert_element_type3A_113 = arith.extui %lt3A_112 : i1 to i32
      %cond3A_114 = arith.constant 0 : i32
      %cond3A_115 = arith.cmpi ne, %convert_element_type3A_113, %cond3A_114 : i32
      scf.if %cond3A_115 {
        %dma_start3A_226 = arith.constant 3 : i32
        %dma_start3A_227 = arith.constant 0 : i32
        %dma_start3A_228 = arith.constant 0 : i32
        %dma_start3A_229 = tpu.memref_slice %arg9[%dma_start3A_226, %dma_start3A_227, %dma_start3A_228] : memref<4x128x64xf32, #tpu.memory_space<vmem>> -> memref<1x128x64xf32, #tpu.memory_space<vmem>>
        %dma_start3A_230 = tpu.memref_squeeze %dma_start3A_229 : memref<1x128x64xf32, #tpu.memory_space<vmem>> -> memref<128x64xf32, #tpu.memory_space<vmem>>
        %dma_start3A_231 = arith.constant 0 : i32
        %dma_start3A_232 = tpu.memref_slice %arg7[%add3A_103, %dma_start3A_231] : memref<160x128xi32, #tpu.memory_space<vmem>> -> memref<1x128xi32, #tpu.memory_space<vmem>>
        %dma_start3A_233 = tpu.memref_squeeze %dma_start3A_232 : memref<1x128xi32, #tpu.memory_space<vmem>> -> memref<128xi32, #tpu.memory_space<vmem>>
        %dma_start3A_234 = arith.constant 0 : i32
        %dma_start3A_235 = arith.constant 0 : i32
        %dma_start3A_236 = tpu.memref_slice %arg2[%arg0, %dma_start3A_234, %dma_start3A_235] : memref<2x10240x64xf32, #tpu.memory_space<hbm>> -> memref<1x10240x64xf32, #tpu.memory_space<hbm>>
        %dma_start3A_237 = tpu.memref_squeeze %dma_start3A_236 : memref<1x10240x64xf32, #tpu.memory_space<hbm>> -> memref<10240x64xf32, #tpu.memory_space<hbm>>
        %dma_start3A_238 = arith.constant 0 : i32
        %dma_start3A_239 = arith.constant 0 : i32
        %dma_start3A_240 = tpu.memref_slice %dma_start3A_237[%dma_start3A_238, %dma_start3A_239] : memref<10240x64xf32, #tpu.memory_space<hbm>> -> memref<10240x64xf32, #tpu.memory_space<hbm>>
        tpu.enqueue_indirect_dma source(%dma_start3A_240 : memref<10240x64xf32, #tpu.memory_space<hbm>>) target(%dma_start3A_230 : memref<128x64xf32, #tpu.memory_space<vmem>>) offsets(%dma_start3A_233 : memref<128xi32, #tpu.memory_space<vmem>>) semaphore(%arg14 : memref<!tpu.dma_semaphore, #tpu.memory_space<semaphore_mem>>)
      } else {
      }
      %dma_wait3A_116 = arith.constant 1 : i32
      %dma_wait3A_117 = arith.constant 0 : i32
      %dma_wait3A_118 = arith.constant 0 : i32
      %dma_wait3A_119 = tpu.memref_slice %arg9[%dma_wait3A_116, %dma_wait3A_117, %dma_wait3A_118] : memref<4x128x64xf32, #tpu.memory_space<vmem>> -> memref<1x128x64xf32, #tpu.memory_space<vmem>>
      %dma_wait3A_120 = tpu.memref_squeeze %dma_wait3A_119 : memref<1x128x64xf32, #tpu.memory_space<vmem>> -> memref<128x64xf32, #tpu.memory_space<vmem>>
      %dma_wait3A_121 = arith.constant 0 : i32
      %dma_wait3A_122 = tpu.memref_slice %arg7[%add3A_101, %dma_wait3A_121] : memref<160x128xi32, #tpu.memory_space<vmem>> -> memref<1x128xi32, #tpu.memory_space<vmem>>
      %dma_wait3A_123 = tpu.memref_squeeze %dma_wait3A_122 : memref<1x128xi32, #tpu.memory_space<vmem>> -> memref<128xi32, #tpu.memory_space<vmem>>
      %dma_wait3A_124 = arith.constant 0 : i32
      %dma_wait3A_125 = arith.constant 0 : i32
      %dma_wait3A_126 = tpu.memref_slice %arg2[%arg0, %dma_wait3A_124, %dma_wait3A_125] : memref<2x10240x64xf32, #tpu.memory_space<hbm>> -> memref<1x10240x64xf32, #tpu.memory_space<hbm>>
      %dma_wait3A_127 = tpu.memref_squeeze %dma_wait3A_126 : memref<1x10240x64xf32, #tpu.memory_space<hbm>> -> memref<10240x64xf32, #tpu.memory_space<hbm>>
      %dma_wait3A_128 = arith.constant 0 : i32
      %dma_wait3A_129 = arith.constant 0 : i32
      %dma_wait3A_130 = tpu.memref_slice %dma_wait3A_127[%dma_wait3A_128, %dma_wait3A_129] : memref<10240x64xf32, #tpu.memory_space<hbm>> -> memref<10240x64xf32, #tpu.memory_space<hbm>>
      tpu.wait_indirect_dma semaphore(%arg12 : memref<!tpu.dma_semaphore, #tpu.memory_space<semaphore_mem>>) src(%dma_wait3A_130 : memref<10240x64xf32, #tpu.memory_space<hbm>>) dst(%dma_wait3A_120 : memref<128x64xf32, #tpu.memory_space<vmem>>)
      %dma_start3A_131 = arith.constant 1 : i32
      %dma_start3A_132 = arith.constant 0 : i32
      %dma_start3A_133 = arith.constant 0 : i32
      %dma_start3A_134 = tpu.memref_slice %arg9[%dma_start3A_131, %dma_start3A_132, %dma_start3A_133] : memref<4x128x64xf32, #tpu.memory_space<vmem>> -> memref<1x128x64xf32, #tpu.memory_space<vmem>>
      %dma_start3A_135 = tpu.memref_squeeze %dma_start3A_134 : memref<1x128x64xf32, #tpu.memory_space<vmem>> -> memref<128x64xf32, #tpu.memory_space<vmem>>
      %dma_start3A_136 = arith.constant 0 : i32
      %dma_start3A_137 = tpu.memref_slice %arg8[%add3A_101, %dma_start3A_136] : memref<160x128xi32, #tpu.memory_space<vmem>> -> memref<1x128xi32, #tpu.memory_space<vmem>>
      %dma_start3A_138 = tpu.memref_squeeze %dma_start3A_137 : memref<1x128xi32, #tpu.memory_space<vmem>> -> memref<128xi32, #tpu.memory_space<vmem>>
      %dma_start3A_139 = arith.constant 0 : i32
      %dma_start3A_140 = arith.constant 0 : i32
      %dma_start3A_141 = tpu.memref_slice %arg10[%dma_start3A_139, %dma_start3A_140] : memref<10240x64xf32, #tpu.memory_space<vmem_shared>> -> memref<10240x64xf32, #tpu.memory_space<vmem_shared>>
      tpu.enqueue_indirect_dma source(%dma_start3A_135 : memref<128x64xf32, #tpu.memory_space<vmem>>) target(%dma_start3A_141 : memref<10240x64xf32, #tpu.memory_space<vmem_shared>>) offsets(%dma_start3A_138 : memref<128xi32, #tpu.memory_space<vmem>>) semaphore(%arg16 : memref<!tpu.dma_semaphore, #tpu.memory_space<semaphore_mem>>) {add = true}
      %add3A_142 = arith.constant 2 : i32
      %add3A_143 = arith.addi %mul3A_63, %add3A_142 : i32
      %add3A_144 = arith.constant 2 : i32
      %add3A_145 = arith.addi %add3A_143, %add3A_144 : i32
      %sub3A_146 = arith.constant 4 : i32
      %sub3A_147 = arith.subi %add3A_145, %sub3A_146 : i32
      %ge3A_148 = arith.constant 0 : i32
      %ge3A_149 = arith.cmpi sge, %sub3A_147, %ge3A_148 : i32
      %convert_element_type3A_150 = arith.extui %ge3A_149 : i1 to i32
      %cond3A_151 = arith.constant 0 : i32
      %cond3A_152 = arith.cmpi ne, %convert_element_type3A_150, %cond3A_151 : i32
      scf.if %cond3A_152 {
        %dma_wait3A_226 = arith.constant 0 : i32
        %dma_wait3A_227 = arith.constant 0 : i32
        %dma_wait3A_228 = arith.constant 0 : i32
        %dma_wait3A_229 = tpu.memref_slice %arg9[%dma_wait3A_226, %dma_wait3A_227, %dma_wait3A_228] : memref<4x128x64xf32, #tpu.memory_space<vmem>> -> memref<1x128x64xf32, #tpu.memory_space<vmem>>
        %dma_wait3A_230 = tpu.memref_squeeze %dma_wait3A_229 : memref<1x128x64xf32, #tpu.memory_space<vmem>> -> memref<128x64xf32, #tpu.memory_space<vmem>>
        %dma_wait3A_231 = arith.constant 0 : i32
        %dma_wait3A_232 = tpu.memref_slice %arg8[%add3A_143, %dma_wait3A_231] : memref<160x128xi32, #tpu.memory_space<vmem>> -> memref<1x128xi32, #tpu.memory_space<vmem>>
        %dma_wait3A_233 = tpu.memref_squeeze %dma_wait3A_232 : memref<1x128xi32, #tpu.memory_space<vmem>> -> memref<128xi32, #tpu.memory_space<vmem>>
        %dma_wait3A_234 = arith.constant 0 : i32
        %dma_wait3A_235 = arith.constant 0 : i32
        %dma_wait3A_236 = tpu.memref_slice %arg10[%dma_wait3A_234, %dma_wait3A_235] : memref<10240x64xf32, #tpu.memory_space<vmem_shared>> -> memref<10240x64xf32, #tpu.memory_space<vmem_shared>>
        tpu.wait_indirect_dma semaphore(%arg15 : memref<!tpu.dma_semaphore, #tpu.memory_space<semaphore_mem>>) src(%dma_wait3A_230 : memref<128x64xf32, #tpu.memory_space<vmem>>) dst(%dma_wait3A_236 : memref<10240x64xf32, #tpu.memory_space<vmem_shared>>)
      } else {
      }
      %lt3A_153 = arith.constant 160 : i32
      %lt3A_154 = arith.cmpi slt, %add3A_145, %lt3A_153 : i32
      %convert_element_type3A_155 = arith.extui %lt3A_154 : i1 to i32
      %cond3A_156 = arith.constant 0 : i32
      %cond3A_157 = arith.cmpi ne, %convert_element_type3A_155, %cond3A_156 : i32
      scf.if %cond3A_157 {
        %dma_start3A_226 = arith.constant 0 : i32
        %dma_start3A_227 = arith.constant 0 : i32
        %dma_start3A_228 = arith.constant 0 : i32
        %dma_start3A_229 = tpu.memref_slice %arg9[%dma_start3A_226, %dma_start3A_227, %dma_start3A_228] : memref<4x128x64xf32, #tpu.memory_space<vmem>> -> memref<1x128x64xf32, #tpu.memory_space<vmem>>
        %dma_start3A_230 = tpu.memref_squeeze %dma_start3A_229 : memref<1x128x64xf32, #tpu.memory_space<vmem>> -> memref<128x64xf32, #tpu.memory_space<vmem>>
        %dma_start3A_231 = arith.constant 0 : i32
        %dma_start3A_232 = tpu.memref_slice %arg7[%add3A_145, %dma_start3A_231] : memref<160x128xi32, #tpu.memory_space<vmem>> -> memref<1x128xi32, #tpu.memory_space<vmem>>
        %dma_start3A_233 = tpu.memref_squeeze %dma_start3A_232 : memref<1x128xi32, #tpu.memory_space<vmem>> -> memref<128xi32, #tpu.memory_space<vmem>>
        %dma_start3A_234 = arith.constant 0 : i32
        %dma_start3A_235 = arith.constant 0 : i32
        %dma_start3A_236 = tpu.memref_slice %arg2[%arg0, %dma_start3A_234, %dma_start3A_235] : memref<2x10240x64xf32, #tpu.memory_space<hbm>> -> memref<1x10240x64xf32, #tpu.memory_space<hbm>>
        %dma_start3A_237 = tpu.memref_squeeze %dma_start3A_236 : memref<1x10240x64xf32, #tpu.memory_space<hbm>> -> memref<10240x64xf32, #tpu.memory_space<hbm>>
        %dma_start3A_238 = arith.constant 0 : i32
        %dma_start3A_239 = arith.constant 0 : i32
        %dma_start3A_240 = tpu.memref_slice %dma_start3A_237[%dma_start3A_238, %dma_start3A_239] : memref<10240x64xf32, #tpu.memory_space<hbm>> -> memref<10240x64xf32, #tpu.memory_space<hbm>>
        tpu.enqueue_indirect_dma source(%dma_start3A_240 : memref<10240x64xf32, #tpu.memory_space<hbm>>) target(%dma_start3A_230 : memref<128x64xf32, #tpu.memory_space<vmem>>) offsets(%dma_start3A_233 : memref<128xi32, #tpu.memory_space<vmem>>) semaphore(%arg11 : memref<!tpu.dma_semaphore, #tpu.memory_space<semaphore_mem>>)
      } else {
      }
      %dma_wait3A_158 = arith.constant 2 : i32
      %dma_wait3A_159 = arith.constant 0 : i32
      %dma_wait3A_160 = arith.constant 0 : i32
      %dma_wait3A_161 = tpu.memref_slice %arg9[%dma_wait3A_158, %dma_wait3A_159, %dma_wait3A_160] : memref<4x128x64xf32, #tpu.memory_space<vmem>> -> memref<1x128x64xf32, #tpu.memory_space<vmem>>
      %dma_wait3A_162 = tpu.memref_squeeze %dma_wait3A_161 : memref<1x128x64xf32, #tpu.memory_space<vmem>> -> memref<128x64xf32, #tpu.memory_space<vmem>>
      %dma_wait3A_163 = arith.constant 0 : i32
      %dma_wait3A_164 = tpu.memref_slice %arg7[%add3A_143, %dma_wait3A_163] : memref<160x128xi32, #tpu.memory_space<vmem>> -> memref<1x128xi32, #tpu.memory_space<vmem>>
      %dma_wait3A_165 = tpu.memref_squeeze %dma_wait3A_164 : memref<1x128xi32, #tpu.memory_space<vmem>> -> memref<128xi32, #tpu.memory_space<vmem>>
      %dma_wait3A_166 = arith.constant 0 : i32
      %dma_wait3A_167 = arith.constant 0 : i32
      %dma_wait3A_168 = tpu.memref_slice %arg2[%arg0, %dma_wait3A_166, %dma_wait3A_167] : memref<2x10240x64xf32, #tpu.memory_space<hbm>> -> memref<1x10240x64xf32, #tpu.memory_space<hbm>>
      %dma_wait3A_169 = tpu.memref_squeeze %dma_wait3A_168 : memref<1x10240x64xf32, #tpu.memory_space<hbm>> -> memref<10240x64xf32, #tpu.memory_space<hbm>>
      %dma_wait3A_170 = arith.constant 0 : i32
      %dma_wait3A_171 = arith.constant 0 : i32
      %dma_wait3A_172 = tpu.memref_slice %dma_wait3A_169[%dma_wait3A_170, %dma_wait3A_171] : memref<10240x64xf32, #tpu.memory_space<hbm>> -> memref<10240x64xf32, #tpu.memory_space<hbm>>
      tpu.wait_indirect_dma semaphore(%arg13 : memref<!tpu.dma_semaphore, #tpu.memory_space<semaphore_mem>>) src(%dma_wait3A_172 : memref<10240x64xf32, #tpu.memory_space<hbm>>) dst(%dma_wait3A_162 : memref<128x64xf32, #tpu.memory_space<vmem>>)
      %dma_start3A_173 = arith.constant 2 : i32
      %dma_start3A_174 = arith.constant 0 : i32
      %dma_start3A_175 = arith.constant 0 : i32
      %dma_start3A_176 = tpu.memref_slice %arg9[%dma_start3A_173, %dma_start3A_174, %dma_start3A_175] : memref<4x128x64xf32, #tpu.memory_space<vmem>> -> memref<1x128x64xf32, #tpu.memory_space<vmem>>
      %dma_start3A_177 = tpu.memref_squeeze %dma_start3A_176 : memref<1x128x64xf32, #tpu.memory_space<vmem>> -> memref<128x64xf32, #tpu.memory_space<vmem>>
      %dma_start3A_178 = arith.constant 0 : i32
      %dma_start3A_179 = tpu.memref_slice %arg8[%add3A_143, %dma_start3A_178] : memref<160x128xi32, #tpu.memory_space<vmem>> -> memref<1x128xi32, #tpu.memory_space<vmem>>
      %dma_start3A_180 = tpu.memref_squeeze %dma_start3A_179 : memref<1x128xi32, #tpu.memory_space<vmem>> -> memref<128xi32, #tpu.memory_space<vmem>>
      %dma_start3A_181 = arith.constant 0 : i32
      %dma_start3A_182 = arith.constant 0 : i32
      %dma_start3A_183 = tpu.memref_slice %arg10[%dma_start3A_181, %dma_start3A_182] : memref<10240x64xf32, #tpu.memory_space<vmem_shared>> -> memref<10240x64xf32, #tpu.memory_space<vmem_shared>>
      tpu.enqueue_indirect_dma source(%dma_start3A_177 : memref<128x64xf32, #tpu.memory_space<vmem>>) target(%dma_start3A_183 : memref<10240x64xf32, #tpu.memory_space<vmem_shared>>) offsets(%dma_start3A_180 : memref<128xi32, #tpu.memory_space<vmem>>) semaphore(%arg17 : memref<!tpu.dma_semaphore, #tpu.memory_space<semaphore_mem>>) {add = true}
      %add3A_184 = arith.constant 3 : i32
      %add3A_185 = arith.addi %mul3A_63, %add3A_184 : i32
      %add3A_186 = arith.constant 2 : i32
      %add3A_187 = arith.addi %add3A_185, %add3A_186 : i32
      %sub3A_188 = arith.constant 4 : i32
      %sub3A_189 = arith.subi %add3A_187, %sub3A_188 : i32
      %ge3A_190 = arith.constant 0 : i32
      %ge3A_191 = arith.cmpi sge, %sub3A_189, %ge3A_190 : i32
      %convert_element_type3A_192 = arith.extui %ge3A_191 : i1 to i32
      %cond3A_193 = arith.constant 0 : i32
      %cond3A_194 = arith.cmpi ne, %convert_element_type3A_192, %cond3A_193 : i32
      scf.if %cond3A_194 {
        %dma_wait3A_226 = arith.constant 1 : i32
        %dma_wait3A_227 = arith.constant 0 : i32
        %dma_wait3A_228 = arith.constant 0 : i32
        %dma_wait3A_229 = tpu.memref_slice %arg9[%dma_wait3A_226, %dma_wait3A_227, %dma_wait3A_228] : memref<4x128x64xf32, #tpu.memory_space<vmem>> -> memref<1x128x64xf32, #tpu.memory_space<vmem>>
        %dma_wait3A_230 = tpu.memref_squeeze %dma_wait3A_229 : memref<1x128x64xf32, #tpu.memory_space<vmem>> -> memref<128x64xf32, #tpu.memory_space<vmem>>
        %dma_wait3A_231 = arith.constant 0 : i32
        %dma_wait3A_232 = tpu.memref_slice %arg8[%add3A_185, %dma_wait3A_231] : memref<160x128xi32, #tpu.memory_space<vmem>> -> memref<1x128xi32, #tpu.memory_space<vmem>>
        %dma_wait3A_233 = tpu.memref_squeeze %dma_wait3A_232 : memref<1x128xi32, #tpu.memory_space<vmem>> -> memref<128xi32, #tpu.memory_space<vmem>>
        %dma_wait3A_234 = arith.constant 0 : i32
        %dma_wait3A_235 = arith.constant 0 : i32
        %dma_wait3A_236 = tpu.memref_slice %arg10[%dma_wait3A_234, %dma_wait3A_235] : memref<10240x64xf32, #tpu.memory_space<vmem_shared>> -> memref<10240x64xf32, #tpu.memory_space<vmem_shared>>
        tpu.wait_indirect_dma semaphore(%arg16 : memref<!tpu.dma_semaphore, #tpu.memory_space<semaphore_mem>>) src(%dma_wait3A_230 : memref<128x64xf32, #tpu.memory_space<vmem>>) dst(%dma_wait3A_236 : memref<10240x64xf32, #tpu.memory_space<vmem_shared>>)
      } else {
      }
      %lt3A_195 = arith.constant 160 : i32
      %lt3A_196 = arith.cmpi slt, %add3A_187, %lt3A_195 : i32
      %convert_element_type3A_197 = arith.extui %lt3A_196 : i1 to i32
      %cond3A_198 = arith.constant 0 : i32
      %cond3A_199 = arith.cmpi ne, %convert_element_type3A_197, %cond3A_198 : i32
      scf.if %cond3A_199 {
        %dma_start3A_226 = arith.constant 1 : i32
        %dma_start3A_227 = arith.constant 0 : i32
        %dma_start3A_228 = arith.constant 0 : i32
        %dma_start3A_229 = tpu.memref_slice %arg9[%dma_start3A_226, %dma_start3A_227, %dma_start3A_228] : memref<4x128x64xf32, #tpu.memory_space<vmem>> -> memref<1x128x64xf32, #tpu.memory_space<vmem>>
        %dma_start3A_230 = tpu.memref_squeeze %dma_start3A_229 : memref<1x128x64xf32, #tpu.memory_space<vmem>> -> memref<128x64xf32, #tpu.memory_space<vmem>>
        %dma_start3A_231 = arith.constant 0 : i32
        %dma_start3A_232 = tpu.memref_slice %arg7[%add3A_187, %dma_start3A_231] : memref<160x128xi32, #tpu.memory_space<vmem>> -> memref<1x128xi32, #tpu.memory_space<vmem>>
        %dma_start3A_233 = tpu.memref_squeeze %dma_start3A_232 : memref<1x128xi32, #tpu.memory_space<vmem>> -> memref<128xi32, #tpu.memory_space<vmem>>
        %dma_start3A_234 = arith.constant 0 : i32
        %dma_start3A_235 = arith.constant 0 : i32
        %dma_start3A_236 = tpu.memref_slice %arg2[%arg0, %dma_start3A_234, %dma_start3A_235] : memref<2x10240x64xf32, #tpu.memory_space<hbm>> -> memref<1x10240x64xf32, #tpu.memory_space<hbm>>
        %dma_start3A_237 = tpu.memref_squeeze %dma_start3A_236 : memref<1x10240x64xf32, #tpu.memory_space<hbm>> -> memref<10240x64xf32, #tpu.memory_space<hbm>>
        %dma_start3A_238 = arith.constant 0 : i32
        %dma_start3A_239 = arith.constant 0 : i32
        %dma_start3A_240 = tpu.memref_slice %dma_start3A_237[%dma_start3A_238, %dma_start3A_239] : memref<10240x64xf32, #tpu.memory_space<hbm>> -> memref<10240x64xf32, #tpu.memory_space<hbm>>
        tpu.enqueue_indirect_dma source(%dma_start3A_240 : memref<10240x64xf32, #tpu.memory_space<hbm>>) target(%dma_start3A_230 : memref<128x64xf32, #tpu.memory_space<vmem>>) offsets(%dma_start3A_233 : memref<128xi32, #tpu.memory_space<vmem>>) semaphore(%arg12 : memref<!tpu.dma_semaphore, #tpu.memory_space<semaphore_mem>>)
      } else {
      }
      %dma_wait3A_200 = arith.constant 3 : i32
      %dma_wait3A_201 = arith.constant 0 : i32
      %dma_wait3A_202 = arith.constant 0 : i32
      %dma_wait3A_203 = tpu.memref_slice %arg9[%dma_wait3A_200, %dma_wait3A_201, %dma_wait3A_202] : memref<4x128x64xf32, #tpu.memory_space<vmem>> -> memref<1x128x64xf32, #tpu.memory_space<vmem>>
      %dma_wait3A_204 = tpu.memref_squeeze %dma_wait3A_203 : memref<1x128x64xf32, #tpu.memory_space<vmem>> -> memref<128x64xf32, #tpu.memory_space<vmem>>
      %dma_wait3A_205 = arith.constant 0 : i32
      %dma_wait3A_206 = tpu.memref_slice %arg7[%add3A_185, %dma_wait3A_205] : memref<160x128xi32, #tpu.memory_space<vmem>> -> memref<1x128xi32, #tpu.memory_space<vmem>>
      %dma_wait3A_207 = tpu.memref_squeeze %dma_wait3A_206 : memref<1x128xi32, #tpu.memory_space<vmem>> -> memref<128xi32, #tpu.memory_space<vmem>>
      %dma_wait3A_208 = arith.constant 0 : i32
      %dma_wait3A_209 = arith.constant 0 : i32
      %dma_wait3A_210 = tpu.memref_slice %arg2[%arg0, %dma_wait3A_208, %dma_wait3A_209] : memref<2x10240x64xf32, #tpu.memory_space<hbm>> -> memref<1x10240x64xf32, #tpu.memory_space<hbm>>
      %dma_wait3A_211 = tpu.memref_squeeze %dma_wait3A_210 : memref<1x10240x64xf32, #tpu.memory_space<hbm>> -> memref<10240x64xf32, #tpu.memory_space<hbm>>
      %dma_wait3A_212 = arith.constant 0 : i32
      %dma_wait3A_213 = arith.constant 0 : i32
      %dma_wait3A_214 = tpu.memref_slice %dma_wait3A_211[%dma_wait3A_212, %dma_wait3A_213] : memref<10240x64xf32, #tpu.memory_space<hbm>> -> memref<10240x64xf32, #tpu.memory_space<hbm>>
      tpu.wait_indirect_dma semaphore(%arg14 : memref<!tpu.dma_semaphore, #tpu.memory_space<semaphore_mem>>) src(%dma_wait3A_214 : memref<10240x64xf32, #tpu.memory_space<hbm>>) dst(%dma_wait3A_204 : memref<128x64xf32, #tpu.memory_space<vmem>>)
      %dma_start3A_215 = arith.constant 3 : i32
      %dma_start3A_216 = arith.constant 0 : i32
      %dma_start3A_217 = arith.constant 0 : i32
      %dma_start3A_218 = tpu.memref_slice %arg9[%dma_start3A_215, %dma_start3A_216, %dma_start3A_217] : memref<4x128x64xf32, #tpu.memory_space<vmem>> -> memref<1x128x64xf32, #tpu.memory_space<vmem>>
      %dma_start3A_219 = tpu.memref_squeeze %dma_start3A_218 : memref<1x128x64xf32, #tpu.memory_space<vmem>> -> memref<128x64xf32, #tpu.memory_space<vmem>>
      %dma_start3A_220 = arith.constant 0 : i32
      %dma_start3A_221 = tpu.memref_slice %arg8[%add3A_185, %dma_start3A_220] : memref<160x128xi32, #tpu.memory_space<vmem>> -> memref<1x128xi32, #tpu.memory_space<vmem>>
      %dma_start3A_222 = tpu.memref_squeeze %dma_start3A_221 : memref<1x128xi32, #tpu.memory_space<vmem>> -> memref<128xi32, #tpu.memory_space<vmem>>
      %dma_start3A_223 = arith.constant 0 : i32
      %dma_start3A_224 = arith.constant 0 : i32
      %dma_start3A_225 = tpu.memref_slice %arg10[%dma_start3A_223, %dma_start3A_224] : memref<10240x64xf32, #tpu.memory_space<vmem_shared>> -> memref<10240x64xf32, #tpu.memory_space<vmem_shared>>
      tpu.enqueue_indirect_dma source(%dma_start3A_219 : memref<128x64xf32, #tpu.memory_space<vmem>>) target(%dma_start3A_225 : memref<10240x64xf32, #tpu.memory_space<vmem_shared>>) offsets(%dma_start3A_222 : memref<128xi32, #tpu.memory_space<vmem>>) semaphore(%arg18 : memref<!tpu.dma_semaphore, #tpu.memory_space<semaphore_mem>>) {add = true}
    }
    %scan3A_36 = arith.constant 40 : i32
    %dma_wait3A = arith.constant 2 : i32
    %dma_wait3A_37 = arith.constant 159 : i32
    %dma_wait3A_38 = arith.constant 0 : i32
    %dma_wait3A_39 = arith.constant 0 : i32
    %dma_wait3A_40 = tpu.memref_slice %arg9[%dma_wait3A, %dma_wait3A_38, %dma_wait3A_39] : memref<4x128x64xf32, #tpu.memory_space<vmem>> -> memref<1x128x64xf32, #tpu.memory_space<vmem>>
    %dma_wait3A_41 = tpu.memref_squeeze %dma_wait3A_40 : memref<1x128x64xf32, #tpu.memory_space<vmem>> -> memref<128x64xf32, #tpu.memory_space<vmem>>
    %dma_wait3A_42 = arith.constant 0 : i32
    %dma_wait3A_43 = tpu.memref_slice %arg8[%dma_wait3A_37, %dma_wait3A_42] : memref<160x128xi32, #tpu.memory_space<vmem>> -> memref<1x128xi32, #tpu.memory_space<vmem>>
    %dma_wait3A_44 = tpu.memref_squeeze %dma_wait3A_43 : memref<1x128xi32, #tpu.memory_space<vmem>> -> memref<128xi32, #tpu.memory_space<vmem>>
    %dma_wait3A_45 = arith.constant 0 : i32
    %dma_wait3A_46 = arith.constant 0 : i32
    %dma_wait3A_47 = tpu.memref_slice %arg10[%dma_wait3A_45, %dma_wait3A_46] : memref<10240x64xf32, #tpu.memory_space<vmem_shared>> -> memref<10240x64xf32, #tpu.memory_space<vmem_shared>>
    tpu.wait_indirect_dma semaphore(%arg17 : memref<!tpu.dma_semaphore, #tpu.memory_space<semaphore_mem>>) src(%dma_wait3A_41 : memref<128x64xf32, #tpu.memory_space<vmem>>) dst(%dma_wait3A_47 : memref<10240x64xf32, #tpu.memory_space<vmem_shared>>)
    %dma_wait3A_48 = arith.constant 3 : i32
    %dma_wait3A_49 = arith.constant 159 : i32
    %dma_wait3A_50 = arith.constant 0 : i32
    %dma_wait3A_51 = arith.constant 0 : i32
    %dma_wait3A_52 = tpu.memref_slice %arg9[%dma_wait3A_48, %dma_wait3A_50, %dma_wait3A_51] : memref<4x128x64xf32, #tpu.memory_space<vmem>> -> memref<1x128x64xf32, #tpu.memory_space<vmem>>
    %dma_wait3A_53 = tpu.memref_squeeze %dma_wait3A_52 : memref<1x128x64xf32, #tpu.memory_space<vmem>> -> memref<128x64xf32, #tpu.memory_space<vmem>>
    %dma_wait3A_54 = arith.constant 0 : i32
    %dma_wait3A_55 = tpu.memref_slice %arg8[%dma_wait3A_49, %dma_wait3A_54] : memref<160x128xi32, #tpu.memory_space<vmem>> -> memref<1x128xi32, #tpu.memory_space<vmem>>
    %dma_wait3A_56 = tpu.memref_squeeze %dma_wait3A_55 : memref<1x128xi32, #tpu.memory_space<vmem>> -> memref<128xi32, #tpu.memory_space<vmem>>
    %dma_wait3A_57 = arith.constant 0 : i32
    %dma_wait3A_58 = arith.constant 0 : i32
    %dma_wait3A_59 = tpu.memref_slice %arg10[%dma_wait3A_57, %dma_wait3A_58] : memref<10240x64xf32, #tpu.memory_space<vmem_shared>> -> memref<10240x64xf32, #tpu.memory_space<vmem_shared>>
    tpu.wait_indirect_dma semaphore(%arg18 : memref<!tpu.dma_semaphore, #tpu.memory_space<semaphore_mem>>) src(%dma_wait3A_53 : memref<128x64xf32, #tpu.memory_space<vmem>>) dst(%dma_wait3A_59 : memref<10240x64xf32, #tpu.memory_space<vmem_shared>>)
    %barrier3A_60 = arith.constant 0 : index
    tpu.barrier barrier_id(%barrier3A_60)
    "tpu.region"() ({
      %run_scoped3A = tpu.sem_alloc : memref<!tpu.dma_semaphore, #tpu.memory_space<semaphore_mem>>
      %dma_start3A_61 = arith.constant 0 : i32
      %dma_start3A_62 = tpu.memref_slice %arg6[%arg0, %mul3A_0, %dma_start3A_61] : memref<2x10240x64xf32, #tpu.memory_space<hbm>> -> memref<1x640x64xf32, #tpu.memory_space<hbm>>
      %dma_start3A_63 = tpu.memref_squeeze %dma_start3A_62 : memref<1x640x64xf32, #tpu.memory_space<hbm>> -> memref<640x64xf32, #tpu.memory_space<hbm>>
      %dma_start3A_64 = arith.constant 0 : i32
      %dma_start3A_65 = tpu.memref_slice %arg10[%mul3A_0, %dma_start3A_64] : memref<10240x64xf32, #tpu.memory_space<vmem_shared>> -> memref<640x64xf32, #tpu.memory_space<vmem_shared>>
      tpu.enqueue_dma source(%dma_start3A_65 : memref<640x64xf32, #tpu.memory_space<vmem_shared>>) target(%dma_start3A_63 : memref<640x64xf32, #tpu.memory_space<hbm>>) target_semaphore(%run_scoped3A : memref<!tpu.dma_semaphore, #tpu.memory_space<semaphore_mem>>)
      %dma_wait3A_66 = arith.constant 0 : i32
      %dma_wait3A_67 = tpu.memref_slice %arg6[%arg0, %mul3A_0, %dma_wait3A_66] : memref<2x10240x64xf32, #tpu.memory_space<hbm>> -> memref<1x640x64xf32, #tpu.memory_space<hbm>>
      %dma_wait3A_68 = tpu.memref_squeeze %dma_wait3A_67 : memref<1x640x64xf32, #tpu.memory_space<hbm>> -> memref<640x64xf32, #tpu.memory_space<hbm>>
      %dma_wait3A_69 = arith.constant 0 : i32
      %dma_wait3A_70 = tpu.memref_slice %arg10[%mul3A_0, %dma_wait3A_69] : memref<10240x64xf32, #tpu.memory_space<vmem_shared>> -> memref<640x64xf32, #tpu.memory_space<vmem_shared>>
      tpu.wait_dma2 semaphore(%run_scoped3A : memref<!tpu.dma_semaphore, #tpu.memory_space<semaphore_mem>>) src(%dma_wait3A_70 : memref<640x64xf32, #tpu.memory_space<vmem_shared>>) dst(%dma_wait3A_68 : memref<640x64xf32, #tpu.memory_space<hbm>>)
      tpu.yield
    }) : () -> ()
    return
  }
}

module attributes {stable_mosaic.version = 14 : i64} {
  func.func @_tc_b_body(%arg0: i32, %arg1: memref<512x128xf32, #tpu.memory_space<vmem>>, %arg2: memref<128x64xf32, #tpu.memory_space<vmem>>, %arg3: memref<512x1xf32, #tpu.memory_space<vmem>>, %arg4: memref<512x1xf32, #tpu.memory_space<vmem>>, %arg5: memref<512x64xf32, #tpu.memory_space<vmem>>, %arg6: memref<512x1xf32, #tpu.memory_space<vmem>>) attributes {dimension_semantics = [#tpu.dimension_semantics<arbitrary>], iteration_bounds = array<i64: 20>, scalar_prefetch = 0 : i64, scratch_operands = 0 : i64, tpu.core_type = #tpu.core_type<tc>, window_params = [{transform_indices = @transform_0, window_bounds = array<i64: 512, 128>}, {pipeline_mode = #tpu.pipeline_mode<synchronous>, transform_indices = @transform_1, window_bounds = array<i64: 128, 64>}, {transform_indices = @transform_2, window_bounds = array<i64: 512, 1>}, {transform_indices = @transform_3, window_bounds = array<i64: 512, 1>}, {transform_indices = @transform_4, window_bounds = array<i64: 512, 64>}, {transform_indices = @transform_5, window_bounds = array<i64: 512, 1>}]} {
    %get3A = arith.constant 0 : index
    %get3A_0 = arith.constant 0 : index
    %get3A_1 = vector.load %arg3[%get3A, %get3A_0] : memref<512x1xf32, #tpu.memory_space<vmem>>, vector<512x1xf32>
    %get3A_2 = arith.constant 0 : index
    %get3A_3 = arith.constant 0 : index
    %get3A_4 = vector.load %arg4[%get3A_2, %get3A_3] : memref<512x1xf32, #tpu.memory_space<vmem>>, vector<512x1xf32>
    %add3A = arith.addf %get3A_1, %get3A_4 : vector<512x1xf32>
    %add3A_5 = arith.constant 1.000000e+00 : f32
    %add3A_6 = vector.broadcast %add3A_5 : f32 to vector<512x1xf32>
    %add3A_7 = arith.addf %add3A, %add3A_6 : vector<512x1xf32>
    %rsqrt3A = math.rsqrt %add3A_7 : vector<512x1xf32>
    %get3A_8 = arith.constant 0 : index
    %get3A_9 = arith.constant 0 : index
    %get3A_10 = vector.load %arg1[%get3A_8, %get3A_9] : memref<512x128xf32, #tpu.memory_space<vmem>>, vector<512x128xf32>
    %get3A_11 = arith.constant 0 : index
    %get3A_12 = arith.constant 0 : index
    %get3A_13 = vector.load %arg2[%get3A_11, %get3A_12] : memref<128x64xf32, #tpu.memory_space<vmem>>, vector<128x64xf32>
    %dot_general3A = arith.constant dense<0.000000e+00> : vector<512x64xf32>
    %dot_general3A_14 = tpu.matmul %get3A_10, %get3A_13, %dot_general3A {dimension_numbers = #tpu.dot_dimension_numbers<[1], [0], [0], [1], [0, 0, 1, 1], [], []>, transpose_lhs_hint = false} : vector<512x128xf32>, vector<128x64xf32>, vector<512x64xf32> -> vector<512x64xf32>
    %mul3A = vector.broadcast %rsqrt3A : vector<512x1xf32> to vector<512x64xf32>
    %mul3A_15 = arith.mulf %mul3A, %dot_general3A_14 : vector<512x64xf32>
    %swap3A = arith.constant 0 : index
    %swap3A_16 = arith.constant 0 : index
    %swap3A_17 = vector.load %arg5[%swap3A, %swap3A_16] : memref<512x64xf32, #tpu.memory_space<vmem>>, vector<512x64xf32>
    tpu.vector_store %arg5[%swap3A, %swap3A_16], %mul3A_15 {strides = array<i32>} : memref<512x64xf32, #tpu.memory_space<vmem>>, vector<512x64xf32>,
    %swap3A_18 = arith.constant 0 : index
    %swap3A_19 = arith.constant 0 : index
    %swap3A_20 = vector.load %arg6[%swap3A_18, %swap3A_19] : memref<512x1xf32, #tpu.memory_space<vmem>>, vector<512x1xf32>
    tpu.vector_store %arg6[%swap3A_18, %swap3A_19], %rsqrt3A {strides = array<i32>} : memref<512x1xf32, #tpu.memory_space<vmem>>, vector<512x1xf32>,
    return
  }
  func.func @transform_0(%arg0: i32) -> (i32, i32) {
    %c0_i32 = arith.constant 0 : i32
    %c0_i32_0 = arith.constant 0 : i32
    return %arg0, %c0_i32 : i32, i32
  }
  func.func @transform_1(%arg0: i32) -> (i32, i32) {
    %c0_i32 = arith.constant 0 : i32
    %c0_i32_0 = arith.constant 0 : i32
    %c0_i32_1 = arith.constant 0 : i32
    return %c0_i32, %c0_i32_0 : i32, i32
  }
  func.func @transform_2(%arg0: i32) -> (i32, i32) {
    %c0_i32 = arith.constant 0 : i32
    %c0_i32_0 = arith.constant 0 : i32
    return %arg0, %c0_i32 : i32, i32
  }
  func.func @transform_3(%arg0: i32) -> (i32, i32) {
    %c0_i32 = arith.constant 0 : i32
    %c0_i32_0 = arith.constant 0 : i32
    return %arg0, %c0_i32 : i32, i32
  }
  func.func @transform_4(%arg0: i32) -> (i32, i32) {
    %c0_i32 = arith.constant 0 : i32
    %c0_i32_0 = arith.constant 0 : i32
    return %arg0, %c0_i32 : i32, i32
  }
  func.func @transform_5(%arg0: i32) -> (i32, i32) {
    %c0_i32 = arith.constant 0 : i32
    %c0_i32_0 = arith.constant 0 : i32
    return %arg0, %c0_i32 : i32, i32
  }
}

module attributes {stable_mosaic.version = 14 : i64} {
  func.func @_tc_d_body(%arg0: i32, %arg1: memref<2x512x64xf32, #tpu.memory_space<vmem>>, %arg2: memref<512x64xf32, #tpu.memory_space<vmem>>, %arg3: memref<512x1xf32, #tpu.memory_space<vmem>>, %arg4: memref<1x64xf32, #tpu.memory_space<vmem>>, %arg5: memref<64x128xf32, #tpu.memory_space<vmem>>, %arg6: memref<1x128xf32, #tpu.memory_space<vmem>>, %arg7: memref<2x512x64xf32, #tpu.memory_space<vmem>>, %arg8: memref<512x128xf32, #tpu.memory_space<vmem>>) attributes {dimension_semantics = [#tpu.dimension_semantics<arbitrary>], iteration_bounds = array<i64: 20>, scalar_prefetch = 0 : i64, scratch_operands = 0 : i64, tpu.core_type = #tpu.core_type<tc>, window_params = [{transform_indices = @transform_0, window_bounds = array<i64: 2, 512, 64>}, {transform_indices = @transform_1, window_bounds = array<i64: 512, 64>}, {transform_indices = @transform_2, window_bounds = array<i64: 512, 1>}, {pipeline_mode = #tpu.pipeline_mode<synchronous>, transform_indices = @transform_3, window_bounds = array<i64: 1, 64>}, {pipeline_mode = #tpu.pipeline_mode<synchronous>, transform_indices = @transform_4, window_bounds = array<i64: 64, 128>}, {pipeline_mode = #tpu.pipeline_mode<synchronous>, transform_indices = @transform_5, window_bounds = array<i64: 1, 128>}, {transform_indices = @transform_6, window_bounds = array<i64: 2, 512, 64>}, {transform_indices = @transform_7, window_bounds = array<i64: 512, 128>}]} {
    %get3A = arith.constant 0 : index
    %get3A_0 = arith.constant 0 : index
    %get3A_1 = vector.load %arg3[%get3A, %get3A_0] : memref<512x1xf32, #tpu.memory_space<vmem>>, vector<512x1xf32>
    %get3A_2 = arith.constant 0 : index
    %get3A_3 = arith.constant 0 : index
    %get3A_4 = arith.constant 0 : index
    %get3A_5 = vector.load %arg1[%get3A_2, %get3A_3, %get3A_4] : memref<2x512x64xf32, #tpu.memory_space<vmem>>, vector<1x512x64xf32>
    %get3A_6 = vector.shape_cast %get3A_5 : vector<1x512x64xf32> to vector<512x64xf32>
    %get3A_7 = arith.constant 1 : index
    %get3A_8 = arith.constant 0 : index
    %get3A_9 = arith.constant 0 : index
    %get3A_10 = vector.load %arg1[%get3A_7, %get3A_8, %get3A_9] : memref<2x512x64xf32, #tpu.memory_space<vmem>>, vector<1x512x64xf32>
    %get3A_11 = vector.shape_cast %get3A_10 : vector<1x512x64xf32> to vector<512x64xf32>
    %add3A = arith.addf %get3A_6, %get3A_11 : vector<512x64xf32>
    %get3A_12 = arith.constant 0 : index
    %get3A_13 = arith.constant 0 : index
    %get3A_14 = vector.load %arg2[%get3A_12, %get3A_13] : memref<512x64xf32, #tpu.memory_space<vmem>>, vector<512x64xf32>
    %add3A_15 = arith.addf %add3A, %get3A_14 : vector<512x64xf32>
    %mul3A = vector.broadcast %get3A_1 : vector<512x1xf32> to vector<512x64xf32>
    %mul3A_16 = arith.mulf %mul3A, %add3A_15 : vector<512x64xf32>
    %get3A_17 = arith.constant 0 : index
    %get3A_18 = arith.constant 0 : index
    %get3A_19 = vector.load %arg4[%get3A_17, %get3A_18] : memref<1x64xf32, #tpu.memory_space<vmem>>, vector<1x64xf32>
    %add3A_20 = vector.broadcast %get3A_19 : vector<1x64xf32> to vector<512x64xf32>
    %add3A_21 = arith.addf %mul3A_16, %add3A_20 : vector<512x64xf32>
    %max3A = arith.constant 0.000000e+00 : f32
    %max3A_22 = vector.broadcast %max3A : f32 to vector<512x64xf32>
    %max3A_23 = arith.maximumf %add3A_21, %max3A_22 : vector<512x64xf32>
    %get3A_24 = arith.constant 0 : index
    %get3A_25 = arith.constant 0 : index
    %get3A_26 = vector.load %arg5[%get3A_24, %get3A_25] : memref<64x128xf32, #tpu.memory_space<vmem>>, vector<64x128xf32>
    %dot_general3A = arith.constant dense<0.000000e+00> : vector<512x128xf32>
    %dot_general3A_27 = tpu.matmul %max3A_23, %get3A_26, %dot_general3A {dimension_numbers = #tpu.dot_dimension_numbers<[1], [0], [0], [1], [0, 0, 1, 1], [], []>, transpose_lhs_hint = false} : vector<512x64xf32>, vector<64x128xf32>, vector<512x128xf32> -> vector<512x128xf32>
    %get3A_28 = arith.constant 0 : index
    %get3A_29 = arith.constant 0 : index
    %get3A_30 = vector.load %arg6[%get3A_28, %get3A_29] : memref<1x128xf32, #tpu.memory_space<vmem>>, vector<1x128xf32>
    %add3A_31 = vector.broadcast %get3A_30 : vector<1x128xf32> to vector<512x128xf32>
    %add3A_32 = arith.addf %dot_general3A_27, %add3A_31 : vector<512x128xf32>
    %swap3A = arith.constant 0 : index
    %swap3A_33 = arith.constant 0 : index
    %swap3A_34 = vector.load %arg8[%swap3A, %swap3A_33] : memref<512x128xf32, #tpu.memory_space<vmem>>, vector<512x128xf32>
    tpu.vector_store %arg8[%swap3A, %swap3A_33], %add3A_32 {strides = array<i32>} : memref<512x128xf32, #tpu.memory_space<vmem>>, vector<512x128xf32>,
    %mul3A_35 = vector.broadcast %get3A_1 : vector<512x1xf32> to vector<512x128xf32>
    %mul3A_36 = arith.mulf %mul3A_35, %dot_general3A_27 : vector<512x128xf32>
    %slice3A = vector.extract_strided_slice %mul3A_36 {offsets = [0, 0], sizes = [512, 64], strides = [1, 1]} : vector<512x128xf32> to vector<512x64xf32>
    %swap3A_37 = arith.constant 0 : index
    %swap3A_38 = arith.constant 0 : index
    %swap3A_39 = arith.constant 0 : index
    %swap3A_40 = vector.load %arg7[%swap3A_37, %swap3A_38, %swap3A_39] : memref<2x512x64xf32, #tpu.memory_space<vmem>>, vector<1x512x64xf32>
    %swap3A_41 = vector.shape_cast %swap3A_40 : vector<1x512x64xf32> to vector<512x64xf32>
    %swap3A_42 = vector.shape_cast %slice3A : vector<512x64xf32> to vector<1x512x64xf32>
    tpu.vector_store %arg7[%swap3A_37, %swap3A_38, %swap3A_39], %swap3A_42 {strides = array<i32>} : memref<2x512x64xf32, #tpu.memory_space<vmem>>, vector<1x512x64xf32>,
    %slice3A_43 = vector.extract_strided_slice %mul3A_36 {offsets = [0, 64], sizes = [512, 64], strides = [1, 1]} : vector<512x128xf32> to vector<512x64xf32>
    %swap3A_44 = arith.constant 1 : index
    %swap3A_45 = arith.constant 0 : index
    %swap3A_46 = arith.constant 0 : index
    %swap3A_47 = vector.load %arg7[%swap3A_44, %swap3A_45, %swap3A_46] : memref<2x512x64xf32, #tpu.memory_space<vmem>>, vector<1x512x64xf32>
    %swap3A_48 = vector.shape_cast %swap3A_47 : vector<1x512x64xf32> to vector<512x64xf32>
    %swap3A_49 = vector.shape_cast %slice3A_43 : vector<512x64xf32> to vector<1x512x64xf32>
    tpu.vector_store %arg7[%swap3A_44, %swap3A_45, %swap3A_46], %swap3A_49 {strides = array<i32>} : memref<2x512x64xf32, #tpu.memory_space<vmem>>, vector<1x512x64xf32>,
    return
  }
  func.func @transform_0(%arg0: i32) -> (i32, i32, i32) {
    %c0_i32 = arith.constant 0 : i32
    %c0_i32_0 = arith.constant 0 : i32
    %c0_i32_1 = arith.constant 0 : i32
    return %c0_i32, %arg0, %c0_i32_0 : i32, i32, i32
  }
  func.func @transform_1(%arg0: i32) -> (i32, i32) {
    %c0_i32 = arith.constant 0 : i32
    %c0_i32_0 = arith.constant 0 : i32
    return %arg0, %c0_i32 : i32, i32
  }
  func.func @transform_2(%arg0: i32) -> (i32, i32) {
    %c0_i32 = arith.constant 0 : i32
    %c0_i32_0 = arith.constant 0 : i32
    return %arg0, %c0_i32 : i32, i32
  }
  func.func @transform_3(%arg0: i32) -> (i32, i32) {
    %c0_i32 = arith.constant 0 : i32
    %c0_i32_0 = arith.constant 0 : i32
    %c0_i32_1 = arith.constant 0 : i32
    return %c0_i32, %c0_i32_0 : i32, i32
  }
  func.func @transform_4(%arg0: i32) -> (i32, i32) {
    %c0_i32 = arith.constant 0 : i32
    %c0_i32_0 = arith.constant 0 : i32
    %c0_i32_1 = arith.constant 0 : i32
    return %c0_i32, %c0_i32_0 : i32, i32
  }
  func.func @transform_5(%arg0: i32) -> (i32, i32) {
    %c0_i32 = arith.constant 0 : i32
    %c0_i32_0 = arith.constant 0 : i32
    %c0_i32_1 = arith.constant 0 : i32
    return %c0_i32, %c0_i32_0 : i32, i32
  }
  func.func @transform_6(%arg0: i32) -> (i32, i32, i32) {
    %c0_i32 = arith.constant 0 : i32
    %c0_i32_0 = arith.constant 0 : i32
    %c0_i32_1 = arith.constant 0 : i32
    return %c0_i32, %arg0, %c0_i32_0 : i32, i32, i32
  }
  func.func @transform_7(%arg0: i32) -> (i32, i32) {
    %c0_i32 = arith.constant 0 : i32
    %c0_i32_0 = arith.constant 0 : i32
    return %arg0, %c0_i32 : i32, i32
  }
}

module attributes {stable_mosaic.version = 14 : i64} {
  func.func @_tc_f_body(%arg0: i32, %arg1: memref<2x512x64xf32, #tpu.memory_space<vmem>>, %arg2: memref<2x512x64xf32, #tpu.memory_space<vmem>>, %arg3: memref<512x1xf32, #tpu.memory_space<vmem>>, %arg4: memref<1x128xf32, #tpu.memory_space<vmem>>, %arg5: memref<512x128xf32, #tpu.memory_space<vmem>>) attributes {dimension_semantics = [#tpu.dimension_semantics<arbitrary>], iteration_bounds = array<i64: 20>, scalar_prefetch = 0 : i64, scratch_operands = 0 : i64, tpu.core_type = #tpu.core_type<tc>, window_params = [{transform_indices = @transform_0, window_bounds = array<i64: 2, 512, 64>}, {transform_indices = @transform_1, window_bounds = array<i64: 2, 512, 64>}, {transform_indices = @transform_2, window_bounds = array<i64: 512, 1>}, {pipeline_mode = #tpu.pipeline_mode<synchronous>, transform_indices = @transform_3, window_bounds = array<i64: 1, 128>}, {transform_indices = @transform_4, window_bounds = array<i64: 512, 128>}]} {
    %get3A = arith.constant 0 : index
    %get3A_0 = arith.constant 0 : index
    %get3A_1 = vector.load %arg3[%get3A, %get3A_0] : memref<512x1xf32, #tpu.memory_space<vmem>>, vector<512x1xf32>
    %get3A_2 = arith.constant 0 : index
    %get3A_3 = arith.constant 0 : index
    %get3A_4 = arith.constant 0 : index
    %get3A_5 = vector.load %arg1[%get3A_2, %get3A_3, %get3A_4] : memref<2x512x64xf32, #tpu.memory_space<vmem>>, vector<1x512x64xf32>
    %get3A_6 = vector.shape_cast %get3A_5 : vector<1x512x64xf32> to vector<512x64xf32>
    %get3A_7 = arith.constant 0 : index
    %get3A_8 = arith.constant 0 : index
    %get3A_9 = arith.constant 0 : index
    %get3A_10 = vector.load %arg2[%get3A_7, %get3A_8, %get3A_9] : memref<2x512x64xf32, #tpu.memory_space<vmem>>, vector<1x512x64xf32>
    %get3A_11 = vector.shape_cast %get3A_10 : vector<1x512x64xf32> to vector<512x64xf32>
    %add3A = arith.addf %get3A_6, %get3A_11 : vector<512x64xf32>
    %mul3A = vector.broadcast %get3A_1 : vector<512x1xf32> to vector<512x64xf32>
    %mul3A_12 = arith.mulf %mul3A, %add3A : vector<512x64xf32>
    %get3A_13 = arith.constant 1 : index
    %get3A_14 = arith.constant 0 : index
    %get3A_15 = arith.constant 0 : index
    %get3A_16 = vector.load %arg1[%get3A_13, %get3A_14, %get3A_15] : memref<2x512x64xf32, #tpu.memory_space<vmem>>, vector<1x512x64xf32>
    %get3A_17 = vector.shape_cast %get3A_16 : vector<1x512x64xf32> to vector<512x64xf32>
    %get3A_18 = arith.constant 1 : index
    %get3A_19 = arith.constant 0 : index
    %get3A_20 = arith.constant 0 : index
    %get3A_21 = vector.load %arg2[%get3A_18, %get3A_19, %get3A_20] : memref<2x512x64xf32, #tpu.memory_space<vmem>>, vector<1x512x64xf32>
    %get3A_22 = vector.shape_cast %get3A_21 : vector<1x512x64xf32> to vector<512x64xf32>
    %add3A_23 = arith.addf %get3A_17, %get3A_22 : vector<512x64xf32>
    %mul3A_24 = vector.broadcast %get3A_1 : vector<512x1xf32> to vector<512x64xf32>
    %mul3A_25 = arith.mulf %mul3A_24, %add3A_23 : vector<512x64xf32>
    %concatenate3A = tpu.concatenate %mul3A_12, %mul3A_25 in 1 : vector<512x64xf32>, vector<512x64xf32> -> vector<512x128xf32>
    %get3A_26 = arith.constant 0 : index
    %get3A_27 = arith.constant 0 : index
    %get3A_28 = vector.load %arg4[%get3A_26, %get3A_27] : memref<1x128xf32, #tpu.memory_space<vmem>>, vector<1x128xf32>
    %add3A_29 = vector.broadcast %get3A_28 : vector<1x128xf32> to vector<512x128xf32>
    %add3A_30 = arith.addf %concatenate3A, %add3A_29 : vector<512x128xf32>
    %swap3A = arith.constant 0 : index
    %swap3A_31 = arith.constant 0 : index
    %swap3A_32 = vector.load %arg5[%swap3A, %swap3A_31] : memref<512x128xf32, #tpu.memory_space<vmem>>, vector<512x128xf32>
    tpu.vector_store %arg5[%swap3A, %swap3A_31], %add3A_30 {strides = array<i32>} : memref<512x128xf32, #tpu.memory_space<vmem>>, vector<512x128xf32>,
    return
  }
  func.func @transform_0(%arg0: i32) -> (i32, i32, i32) {
    %c0_i32 = arith.constant 0 : i32
    %c0_i32_0 = arith.constant 0 : i32
    %c0_i32_1 = arith.constant 0 : i32
    return %c0_i32, %arg0, %c0_i32_0 : i32, i32, i32
  }
  func.func @transform_1(%arg0: i32) -> (i32, i32, i32) {
    %c0_i32 = arith.constant 0 : i32
    %c0_i32_0 = arith.constant 0 : i32
    %c0_i32_1 = arith.constant 0 : i32
    return %c0_i32, %arg0, %c0_i32_0 : i32, i32, i32
  }
  func.func @transform_2(%arg0: i32) -> (i32, i32) {
    %c0_i32 = arith.constant 0 : i32
    %c0_i32_0 = arith.constant 0 : i32
    return %arg0, %c0_i32 : i32, i32
  }
  func.func @transform_3(%arg0: i32) -> (i32, i32) {
    %c0_i32 = arith.constant 0 : i32
    %c0_i32_0 = arith.constant 0 : i32
    %c0_i32_1 = arith.constant 0 : i32
    return %c0_i32, %c0_i32_0 : i32, i32
  }
  func.func @transform_4(%arg0: i32) -> (i32, i32) {
    %c0_i32 = arith.constant 0 : i32
    %c0_i32_0 = arith.constant 0 : i32
    return %arg0, %c0_i32 : i32, i32
  }
}

</mosaic_0001>

<sc_bundles>
// kernel: kernel.11.cloned.1.call-start
scs
__scs_entry_jumppad:
0x0: {  	(pc) =	sbr.rel $0x88, $3  }
0x1: {  	(tag) =	ssettag $0x0;
	lr =	simm.s32 $0x1  }
0x2: {  	[smem:$0x3F9B] =	sst lr;
	_ =	strace $0xD0000000  }
0x3: {  	_ = 	snop  }
0x4: {  	_ = 	snop  }
0x5: {  	_ = 	snop  }
0x6: {  	_ = 	snop  }
0x7: {  	_ = 	snop  }
__scs_overlays_trampoline_lowered:
0x8: {  	[smem:$0x3FAA] =	sst s0  }
0x9: {  	[smem:$0x3FAB] =	sst s1  }
0xa: {  	[smem:$0x3FAC] =	sst s2  }
0xb: {  	[smem:$0x3FAD] =	sst s3  }
0xc: {  	[smem:$0x3FAE] =	sst s4  }
0xd: {  	[smem:$0x3FAF] =	sst s5  }
0xe: {  	[smem:$0x3FB0] =	sst s6  }
0xf: {  	[smem:$0x3FB1] =	sst s7  }
0x10: {  	[smem:$0x3FB2] =	sst s8  }
0x11: {  	[smem:$0x3FB3] =	sst s9;
	s0 =	simm.s32 @!p0 $0x0  }
0x12: {  	s1 =	sld [smem:$0x3F99];
	s0 =	simm.s32 @p0 $0x1  }
0x13: {  	[smem:$0x3FB4] =	sst s0;
	s0 =	simm.s32 @!p1 $0x0  }
0x14: {  	s2 =	sld [smem:$0x3F98];
	s0 =	simm.s32 @p1 $0x1  }
0x15: {  	[smem:$0x3FB5] =	sst s0;
	s0 =	simm.s32 @!p2 $0x0  }
0x16: {  	s3 =	sld [smem:$0x3FDB];
	s0 =	simm.s32 @p2 $0x1  }
0x17: {  	s4 =	simm.s32 $0x1BF5;
	[smem:$0x3FB7] =	sst s0  }
0x18: {  	s0 =	sld [smem:$0x3F9A];
	_ =	swait.ge [sflag:s4], $0x0  }
0x19: {  	s7 =	sld [smem:$0x3F9B]  }
0x1a: {  	s8 =	sadd.s32 $0xFFFFE003, lr  }
0x1b: {  	s9 =	sadd.s32 $0xFFFFFEF7, lr;
	s5 =	simm.s32 $0xFFFFFFFF;
	p2 =	slt.u32 s8, $0xFFFFF086  }
0x1c: {  	p1 =	slt.u32 s9, $0xF7A;
	s5 =	simm.s32 @!p2 $0x0  }
0x1d: {  	s5 =	simm.s32 @p1 $0x1;
	p0 =	seq.s32 s7, s2  }
0x1e: {  	s7 =	smul.u32 @!p0 $0xF7A, s2;
	p2 =	seq.s32 @!p0 s5, $0x0  }
0x1f: {  	s9 =	smul.u32 $0xF7A, s1;
	s8 =	simm.s32 @!p0 $0x1BF5;
	p2 =	por !p2, p0  }
0x20: {  	[sflag:s8] =	ssyncset.s32 @!p0 $0xFFFFF086;
	s6 =	sadd.s32 @!p0 s3, s7;
	s7 =	simm.s32 @!p0 $0x108  }
0x21: {  	s3 =	sadd.s32 s3, s9;
	s6 =	sadd.s32 @!p0 $0x88, s6;
	s7 =	simm.s32 @p2 $0x1082  }
0x22: {  	[simem:s7], [sflag:s8] =	dma.local @!p0 [hbm:s6], $0xF7A  }
0x23: {  	s9 =	sor.u32 $0xD0000000, s2;
	s6 =	simm.s32 $0x108;
	_ =	swait.ge @!p0 [sflag:s8], $0x0  }
0x24: {  	s3 =	sadd.s32 $0x88, s3;
	s6 =	simm.s32 @!p1 $0x1082;
	[sflag:s4] =	ssyncset.s32 $0xFFFFF086  }
0x25: {  	[simem:s6], [sflag:s4] =	dma.local [hbm:s3], $0xF7A  }
0x26: {  	[smem:$0x3F9B] =	sst s1;
	(tag) =	ssettag s2;
	_ =	strace s9  }
0x27: {  	s1 =	sld [smem:$0x3FAB]  }
0x28: {  	s2 =	sld [smem:$0x3FAC]  }
0x29: {  	s4 =	sld [smem:$0x3FAE]  }
0x2a: {  	p0 =	seq.s32 s5, $0x0;
	s5 =	sld [smem:$0x3FAF]  }
0x2b: {  	s6 =	sld [smem:$0x3FB0]  }
0x2c: {  	s7 =	sld [smem:$0x3FB1]  }
0x2d: {  	s3 =	simm.s32 $0x108;
	s8 =	sld [smem:$0x3FB2]  }
0x2e: {  	s3 =	simm.s32 @!p0 $0x1082;
	s9 =	sld [smem:$0x3FB3]  }
0x2f: {  	lr =	sadd.s32 s0, s3;
	s0 =	sld [smem:$0x3FAA]  }
0x30: {  	s3 =	sld [smem:$0x3FAD]  }
0x31: {  	[smem:$0x3FB6] =	sst s10  }
0x32: {  	s10 =	sld [smem:$0x3FB4];
	_ =	sdelay $0x3  }
0x33: {  	p0 =	seq.s32 s10, $0x1;
	s10 =	sld [smem:$0x3FB6];
	_ =	sdelay $0x3  }
0x34: {  	[smem:$0x3FB6] =	sst s10  }
0x35: {  	s10 =	sld [smem:$0x3FB5];
	_ =	sdelay $0x3  }
0x36: {  	p1 =	seq.s32 s10, $0x1;
	s10 =	sld [smem:$0x3FB6];
	_ =	sdelay $0x3  }
0x37: {  	[smem:$0x3FB6] =	sst s10  }
0x38: {  	s10 =	sld [smem:$0x3FB7]  }
0x39: {  	_ = 	snop;
	(pc) =	sbr.ind lr, $3  }
0x3a: {  	_ = 	snop  }
0x3b: {  	_ = 	snop  }
0x3c: {  	p2 =	seq.s32 s10, $0x1;
	s10 =	sld [smem:$0x3FB6]  }
0x3d: {  	_ =	shalt  }
0x3e: {  	_ =	shalt  }
0x3f: {  	_ =	shalt  }
0x40: {  	_ =	shalt  }
0x41: {  	_ =	shalt  }
0x42: {  	_ =	shalt  }
0x43: {  	_ =	shalt  }
0x44: {  	_ =	shalt  }
0x45: {  	_ =	shalt  }
0x46: {  	_ =	shalt  }
0x47: {  	_ =	shalt  }
0x48: {  	_ =	shalt  }
0x49: {  	_ =	shalt  }
0x4a: {  	_ =	shalt  }
0x4b: {  	_ =	shalt  }
0x4c: {  	_ =	shalt  }
0x4d: {  	_ =	shalt  }
0x4e: {  	_ =	shalt  }
0x4f: {  	_ =	shalt  }
0x50: {  	_ =	shalt  }
0x51: {  	_ =	shalt  }
0x52: {  	_ =	shalt  }
0x53: {  	_ =	shalt  }
0x54: {  	_ =	shalt  }
0x55: {  	_ =	shalt  }
0x56: {  	_ =	shalt  }
0x57: {  	_ =	shalt  }
0x58: {  	_ =	shalt  }
0x59: {  	_ =	shalt  }
0x5a: {  	_ =	shalt  }
0x5b: {  	_ =	shalt  }
0x5c: {  	_ =	shalt  }
0x5d: {  	_ =	shalt  }
0x5e: {  	_ =	shalt  }
0x5f: {  	_ =	shalt  }
0x60: {  	_ =	shalt  }
0x61: {  	_ =	shalt  }
0x62: {  	_ =	shalt  }
0x63: {  	_ =	shalt  }
0x64: {  	_ =	shalt  }
0x65: {  	_ =	shalt  }
0x66: {  	_ =	shalt  }
0x67: {  	_ =	shalt  }
0x68: {  	_ =	shalt  }
0x69: {  	_ =	shalt  }
0x6a: {  	_ =	shalt  }
0x6b: {  	_ =	shalt  }
0x6c: {  	_ =	shalt  }
0x6d: {  	_ =	shalt  }
0x6e: {  	_ =	shalt  }
0x6f: {  	_ =	shalt  }
0x70: {  	_ =	shalt  }
0x71: {  	_ =	shalt  }
0x72: {  	_ =	shalt  }
0x73: {  	_ =	shalt  }
0x74: {  	_ =	shalt  }
0x75: {  	_ =	shalt  }
0x76: {  	_ =	shalt  }
0x77: {  	_ =	shalt  }
0x78: {  	_ =	shalt  }
0x79: {  	_ =	shalt  }
0x7a: {  	_ =	shalt  }
0x7b: {  	_ =	shalt  }
0x7c: {  	_ =	shalt  }
0x7d: {  	_ =	shalt  }
0x7e: {  	_ =	shalt  }
0x7f: {  	_ =	shalt  }
0x80: {  	_ =	shalt  }
0x81: {  	_ =	shalt  }
0x82: {  	_ =	shalt  }
0x83: {  	_ =	shalt  }
0x84: {  	_ =	shalt  }
0x85: {  	_ =	shalt  }
0x86: {  	_ =	shalt  }
0x87: {  	_ =	shalt  }
.Lfunc_end0:
.L_simem_size_0:
called_computation.1_lowered:
.L_overlay_start_0:
0x88: {  	s2 =	sld [smem:$0x3FD9]  }
0x89: {  	s3 =	sld [smem:$0x3FFE];
	_ =	sdelay $0x1  }
0x8a: {  	s1 =	srdreg.scid  }
0x8b: {  	s0 =	sand.u32 $0x1, s1  }
0x8c: {  	s14 =	sshll.u32 s0, $0xA;
	s2 =	sadd.s32 s3, s2  }
0x8d: {  	s2 =	sadd.s32 s2, s14  }
0x8e: {  	[smem:$0x3FC2] =	sst s2  }
0x8f: {  	_ = 	snop  }
0x90: {  	s2 =	sld [smem:$0x3FD0];
	_ =	sdelay $0x2  }
0x91: {  	s15 =	simm.s32 $0xA;
	s4 =	simm.s32 $0x10  }
0x92: {  	[smem:s4], [sflag:s15] =	dma.local [hbm:s2], $0x1  }
0x93: {  	_ =	swait.eq [sflag:s15], $0x1  }
0x94: {  	[sflag:s15] =	ssyncset.done $0x0  }
0x95: {  	s16 =	sld [smem:$0x10];
	[sflag:s15] =	ssyncadd.s32 $0xFFFFFFFF  }
0x96: {  	s17 =	sld [smem:$0x11];
	(tm) =	ssettm $0x1  }
0x97: {  	s18 =	sld [smem:$0x3FFB];
	_ =	sdelay $0x3  }
0x98: {  	_ =	strace s18  }
0x99: {  	s4 =	sld [smem:$0x3FFC];
	_ =	sdelay $0x3  }
0x9a: {  	_ =	strace s4  }
0x9b: {  	s4 =	sld [smem:$0x3FFD];
	_ =	sdelay $0x3  }
0x9c: {  	_ =	strace s4  }
0x9d: {  	_ =	strace $0x8FFFFFFF  }
0x9e: {  	s19 =	sld [smem:$0x3FDB];
	_ =	sdelay $0x1  }
0x9f: {  	s5 =	simm.s32 $_scs_section_size  }
0xa0: {  	s6 =	simm.s32 $_size__tile_overlayer_lowered;
	s7 =	simm.s32 $_tile_overlayer_lowered  }
0xa1: {  	s22 =	simm.s32 $0x1BFF;
	s21 =	sshll.u32 s7, $0x1;
	s4 =	sadd.s32 s5, s19  }
0xa2: {  	s8 =	simm.s32 $0x0;
	s20 =	sshll.u32 s6, $0x1;
	s6 =	sadd.s32 s21, s4  }
0xa3: {  	[timem:s8], [sflag:s22] =	dma.local [hbm:s6], s20  }
0xa4: {  	_ =	swait.ge [sflag:s22], s20  }
0xa5: {  	s5 =	ssub.s32 $0x0, s20;
	[sflag:s22] =	ssyncset.done $0x0  }
0xa6: {  	[sflag:s22] =	ssyncadd.s32 s5;
	_ =	sdelay $0x1  }
0xa7: {  	s23 =	simm.s32 $0x1B8B  }
0xa8: {  	_ =	swait.ge [sflag:s23], $0x1  }
0xa9: {  	[sflag:s23] =	ssyncset.done $0x0  }
0xaa: {  	s25 =	simm.s32 $0x1B8E;
	s24 =	sld [smem:$0x3FFE];
	[sflag:s23] =	ssyncadd.s32 $0xFFFFFFFF  }
0xab: {  	s26 =	simm.s32 $execute0_lowered;
	[smem:$0x3FD2] =	sst s25  }
0xac: {  	s6 =	sshll.u32 s26, $0x1;
	_ =	strace $0x80000049;
	[dreg:$0x1] =	wrdreg $0xFFFFFFFF  }
0xad: {  	s28 =	simm.s32 $_size_execute0_lowered;
	s4 =	sadd.s32 s4, s6;
	[dreg:$0x0] =	wrdreg $0x0  }
0xae: {  	s6 =	sshll.u32 s28, $0x1;
	[dreg:$0x2] =	wrdreg s4  }
0xaf: {  	[dreg:$0x3] =	wrdreg s6  }
0xb0: {  	[dreg:$0x4] =	wrdreg $0xC0  }
0xb1: {  	_ =	task [dreg:s8], $0x5FFFF  }
0xb2: {  	[dreg:$0x1] =	wrdreg $0xFFFFFFFF  }
0xb3: {  	[dreg:$0x0] =	wrdreg $0x60  }
0xb4: {  	[dreg:$0x2] =	wrdreg s17  }
0xb5: {  	[dreg:$0x3] =	wrdreg s16  }
0xb6: {  	[dreg:$0x4] =	wrdreg s24  }
0xb7: {  	[dreg:$0x5] =	wrdreg $0xD0000  }
0xb8: {  	[dreg:$0x6] =	wrdreg $0x9  }
0xb9: {  	_ =	task.clear_ibuf [dreg:s8], $0x7FFFF;
	_ =	strace $0x90000049  }
0xba: {  	s29 =	simm.s32 $0x9;
	_ =	strace $0x8000004B  }
0xbb: {  	_ =	swait.ge [sflag:s29], $0x1  }
0xbc: {  	[sflag:s29] =	ssyncadd.s32 $0xFFFFFFFF  }
0xbd: {  	_ =	strace $0x9000004B  }
0xbe: {  	_ =	sfence  }
0xbf: {  	s30 =	sld [smem:$0x0];
	_ =	sdelay $0x2  }
0xc0: {  	s31 =	sshll.u32 s1, $0xD;
	s1 =	sshrl.u32 s1, $0x2  }
0xc1: {  	s3 =	sand.u32 $0x4000, s31;
	s1 =	sadd.s32 s1, s30  }
0xc2: {  	s0 =	sor.u32 s3, s0;
	s1 =	sshll.u32 s1, $0x11  }
0xc3: {  	s0 =	sor.u32 s1, s0  }
0xc4: {  	s0 =	sadd.s32 $0x8F2B, s0  }
0xc5: {  	[sflag:s0] =	ssyncadd.remote.s32 $0x1  }
0xc6: {  	_ =	sfence.sel $0xFFFF  }
0xc7: {  	[dreg:$0x0] =	wrdreg $0xFFFFFFFF;
	(pc) =	sbr.abs _section_cstart, $3  }
0xc8: {  	[dreg:$0x1] =	wrdreg $0xFFFFFFFF  }
0xc9: {  	_ =	task.clear_ibuf [dreg:s8], $0x2FFFF;
	_ =	strace $0x9FFFFFFF  }
0xca: {  	(tm) =	ssettm $0x7FFFFFFF  }
0xcb: {  	_ =	shalt  }
tec
execute0_lowered:
.L_overlay_start_1:
0x0: {  	(tag) =	ssettag $0x1  }
0x1: {  	s0 =	rddreg [dreg:$0x0]  }
0x2: {  	s1 =	rddreg [dreg:$0x1];
	s2 =	srdreg.scid  }
0x3: {  	s6 =	rddreg [dreg:$0x2];
	s13 =	stileid.u32  }
0x4: {  	s3 =	rddreg [dreg:$0x3];
	s4 =	simm.s32 $0x0;
	s14 =	simm.s32 $0x80  }
0x5: {  	s15 =	simm.s32 $0x5000;
	s16 =	simm.s32 $0x7000;
	s18 =	simm.s32 $0x9000  }
0x6: {  	s19 =	simm.s32 $0x1;
	s21 =	simm.s32 $0xB000;
	s22 =	simm.s32 $0x2  }
0x7: {  	s24 =	simm.s32 $0x5;
	s29 =	simm.s32 $0x6;
	s31 =	simm.s32 $0x4  }
0x8: {  	s17 =	simm.s32 $0x8;
	s30 =	simm.s32 $0x4F00;
	s7 =	smul.u32 $0x2800, s13  }
0x9: {  	s20 =	simm.s32 $0x0;
	s2 =	sand.u32 $0x1, s2;
	s8 =	smul.u32 $0xA000, s13  }
0xa: {  	[smem:$0x7FF] =	sst s4;
	s28 =	sshll.u32 s13, $0x6;
	s5 =	smul.u32 $0x28000, s2  }
0xb: {  	s25 =	smul.u32 $0xA0000, s2;
	_ =	strace $0x8000004A;
	s2 =	ssub.s32 $0x2, s2  }
0xc: {  	s11 =	sshrl.u32 s2, $0x1;
	s26 =	sadd.s32 s8, s3;
	s5 =	sadd.s32 s7, s5  }
0xd: {  	s7 =	sadd.s32 s8, s25;
	s2 =	ssub.s32 s2, s11;
	s11 =	simm.s32 $0x2800  }
0xe: {  	s13 =	sshrl.u32 s26, $0x3;
	s26 =	simm.s32 $0x3;
	s9 =	sshrl.u32 s5, $0x3  }
0xf: {  	s5 =	sadd.s32 $0xCC00, s6;
	s7 =	sshrl.u32 s7, $0x3;
	s10 =	sadd.s32 s9, s6  }
0x10: {  	s12 =	sadd.s32 s7, s6;
	s6 =	sadd.s32 s1, s9;
	s9 =	smax.u32 s2, $0x1  }
0x11: {  	s1 =	simm.s32 $0x7;
	s2 =	simm.s32 $0x4F80;
	s7 =	sadd.s32 $0x2C00, s10  }
0x12: {  	s8 =	sadd.s32 $0xE000, s12;
	s10 =	simm.s32 $0x9;
	s12 =	sor.u32 $0x1C09, s28  }
.LBB2_1:
0x13: {  	[tilespmem:s4], [sflag:$0x9] =	stream.linear.gather [hbm4b:s6+s4], $0x2800, $0x38;
	[tilespmem:$0x17000] =	vst v63  }
0x14: {  	_ =	swait.ge [sflag:s10], $0x2800  }
0x15: {  	[sflag:s10] =	ssyncset.done $0x0  }
0x16: {  	[sflag:s10] =	ssyncadd.s32 $0xFFFFD800  }
0x17: {  	[tilespmem:s11], [sflag:$0x9] =	stream.linear.gather [hbm4b:s7+s4], $0x2800, $0x38;
	[tilespmem:$0x17000] =	vst v63  }
0x18: {  	_ =	swait.ge [sflag:s10], $0x2800  }
0x19: {  	[sflag:s10] =	ssyncset.done $0x0  }
0x1a: {  	[sflag:s10] =	ssyncadd.s32 $0xFFFFD800  }
0x1b: {  	[spmem:s13], [sflag:s12] =	dma.local [hbm:s5], $0x1400  }
0x1c: {  	_ =	swait.ge [sflag:s10], $0x1400  }
0x1d: {  	[sflag:s10] =	ssyncset.done $0x0  }
0x1e: {  	[sflag:s10] =	ssyncadd.s32 $0xFFFFEC00  }
0x1f: {  	[bflag:$0x0] =	sbarrier.arrive $0xFFFF  }
0x20: {  	[tilespmem:s15], [sflag:$0x1] =	stream.indirect.gather [hbm4b:s0+s14], $0x40, s4, s14, $0xb8;
	[tilespmem:$0x17000] =	vst v63  }
0x21: {  	_ = 	snop  }
0x22: {  	[tilespmem:s16], [sflag:$0x2] =	stream.indirect.gather [hbm4b:s0+s14], $0x40, s14, s14, $0xb8;
	[tilespmem:$0x17000] =	vst v63  }
0x23: {  	s23 =	simm.s32 $0x100  }
0x24: {  	[tilespmem:s18], [sflag:$0x3] =	stream.indirect.gather [hbm4b:s0+s14], $0x40, s23, s14, $0xb8;
	[tilespmem:$0x17000] =	vst v63  }
0x25: {  	_ =	swait.ge [sflag:s19], $0x2000  }
0x26: {  	[sflag:s19] =	ssyncset.done $0x0  }
0x27: {  	[sflag:s19] =	ssyncadd.s32 $0xFFFFE000  }
0x28: {  	[spmem:s3] =	stream.indirect.scatter.add.f32 [tilespmem:s15], [sflag:$0x5], $0x40, s11, s14, $0xb8;
	[tilespmem:$0x17000] =	vst v63  }
0x29: {  	s28 =	simm.s32 $0x180  }
0x2a: {  	[tilespmem:s21], [sflag:$0x4] =	stream.indirect.gather [hbm4b:s0+s14], $0x40, s28, s14, $0xb8;
	[tilespmem:$0x17000] =	vst v63  }
0x2b: {  	_ =	swait.ge [sflag:s22], $0x2000  }
0x2c: {  	[sflag:s22] =	ssyncset.done $0x0  }
0x2d: {  	s25 =	simm.s32 $0x2880;
	[sflag:s22] =	ssyncadd.s32 $0xFFFFE000  }
0x2e: {  	[spmem:s3] =	stream.indirect.scatter.add.f32 [tilespmem:s16], [sflag:$0x6], $0x40, s25, s14, $0xb8;
	[tilespmem:$0x17000] =	vst v63  }
0x2f: {  	_ =	swait.ge [sflag:s24], $0x2000  }
0x30: {  	[sflag:s24] =	ssyncset.done $0x0  }
0x31: {  	s28 =	simm.s32 $0x200;
	[sflag:s24] =	ssyncadd.s32 $0xFFFFE000  }
0x32: {  	[tilespmem:s15], [sflag:$0x1] =	stream.indirect.gather [hbm4b:s0+s14], $0x40, s28, s14, $0xb8;
	[tilespmem:$0x17000] =	vst v63  }
0x33: {  	_ =	swait.ge [sflag:s26], $0x2000  }
0x34: {  	[sflag:s26] =	ssyncset.done $0x0  }
0x35: {  	s25 =	simm.s32 $0x2900;
	[sflag:s26] =	ssyncadd.s32 $0xFFFFE000  }
0x36: {  	[spmem:s3] =	stream.indirect.scatter.add.f32 [tilespmem:s18], [sflag:$0x7], $0x40, s25, s14, $0xb8;
	[tilespmem:$0x17000] =	vst v63  }
0x37: {  	_ =	swait.ge [sflag:s29], $0x2000  }
0x38: {  	[sflag:s29] =	ssyncset.done $0x0  }
0x39: {  	s28 =	simm.s32 $0x280;
	[sflag:s29] =	ssyncadd.s32 $0xFFFFE000  }
0x3a: {  	[tilespmem:s16], [sflag:$0x2] =	stream.indirect.gather [hbm4b:s0+s14], $0x40, s28, s14, $0xb8;
	[tilespmem:$0x17000] =	vst v63  }
0x3b: {  	_ =	swait.ge [sflag:s31], $0x2000  }
0x3c: {  	[sflag:s31] =	ssyncset.done $0x0  }
0x3d: {  	s25 =	simm.s32 $0x2980;
	[sflag:s31] =	ssyncadd.s32 $0xFFFFE000  }
0x3e: {  	[spmem:s3] =	stream.indirect.scatter.add.f32 [tilespmem:s21], [sflag:$0x8], $0x40, s25, s14, $0xb8;
	[tilespmem:$0x17000] =	vst v63  }
0x3f: {  	_ =	swait.ge [sflag:s1], $0x2000  }
0x40: {  	[sflag:s1] =	ssyncset.done $0x0  }
0x41: {  	s28 =	simm.s32 $0x300;
	[sflag:s1] =	ssyncadd.s32 $0xFFFFE000  }
0x42: {  	[tilespmem:s18], [sflag:$0x3] =	stream.indirect.gather [hbm4b:s0+s14], $0x40, s28, s14, $0xb8;
	[tilespmem:$0x17000] =	vst v63  }
0x43: {  	_ =	swait.ge [sflag:s19], $0x2000  }
0x44: {  	[sflag:s19] =	ssyncset.done $0x0  }
0x45: {  	s25 =	simm.s32 $0x2A00;
	[sflag:s19] =	ssyncadd.s32 $0xFFFFE000  }
0x46: {  	[spmem:s3] =	stream.indirect.scatter.add.f32 [tilespmem:s15], [sflag:$0x5], $0x40, s25, s14, $0xb8;
	[tilespmem:$0x17000] =	vst v63  }
0x47: {  	_ =	swait.ge [sflag:s17], $0x2000  }
0x48: {  	[sflag:s17] =	ssyncset.done $0x0  }
0x49: {  	s28 =	simm.s32 $0x380;
	[sflag:s17] =	ssyncadd.s32 $0xFFFFE000  }
0x4a: {  	[tilespmem:s21], [sflag:$0x4] =	stream.indirect.gather [hbm4b:s0+s14], $0x40, s28, s14, $0xb8;
	[tilespmem:$0x17000] =	vst v63  }
0x4b: {  	_ =	swait.ge [sflag:s22], $0x2000  }
0x4c: {  	[sflag:s22] =	ssyncset.done $0x0  }
0x4d: {  	s25 =	simm.s32 $0x2A80;
	[sflag:s22] =	ssyncadd.s32 $0xFFFFE000  }
0x4e: {  	[spmem:s3] =	stream.indirect.scatter.add.f32 [tilespmem:s16], [sflag:$0x6], $0x40, s25, s14, $0xb8;
	[tilespmem:$0x17000] =	vst v63  }
0x4f: {  	_ =	swait.ge [sflag:s24], $0x2000  }
0x50: {  	[sflag:s24] =	ssyncset.done $0x0  }
0x51: {  	s28 =	simm.s32 $0x400;
	[sflag:s24] =	ssyncadd.s32 $0xFFFFE000  }
0x52: {  	[tilespmem:s15], [sflag:$0x1] =	stream.indirect.gather [hbm4b:s0+s14], $0x40, s28, s14, $0xb8;
	[tilespmem:$0x17000] =	vst v63  }
0x53: {  	_ =	swait.ge [sflag:s26], $0x2000  }
0x54: {  	[sflag:s26] =	ssyncset.done $0x0  }
0x55: {  	s25 =	simm.s32 $0x2B00;
	[sflag:s26] =	ssyncadd.s32 $0xFFFFE000  }
0x56: {  	[spmem:s3] =	stream.indirect.scatter.add.f32 [tilespmem:s18], [sflag:$0x7], $0x40, s25, s14, $0xb8;
	[tilespmem:$0x17000] =	vst v63  }
0x57: {  	_ =	swait.ge [sflag:s29], $0x2000  }
0x58: {  	[sflag:s29] =	ssyncset.done $0x0  }
0x59: {  	s28 =	simm.s32 $0x480;
	[sflag:s29] =	ssyncadd.s32 $0xFFFFE000  }
0x5a: {  	[tilespmem:s16], [sflag:$0x2] =	stream.indirect.gather [hbm4b:s0+s14], $0x40, s28, s14, $0xb8;
	[tilespmem:$0x17000] =	vst v63  }
0x5b: {  	_ =	swait.ge [sflag:s31], $0x2000  }
0x5c: {  	[sflag:s31] =	ssyncset.done $0x0  }
0x5d: {  	s23 =	simm.s32 $0x800;
	s25 =	simm.s32 $0x2B80;
	[sflag:s31] =	ssyncadd.s32 $0xFFFFE000  }
.LBB2_2:
0x5e: {  	[spmem:s3] =	stream.indirect.scatter.add.f32 [tilespmem:s21], [sflag:$0x8], $0x40, s25, s14, $0xb8;
	[tilespmem:$0x17000] =	vst v63  }
0x5f: {  	s25 =	smov.u32 s23  }
0x60: {  	p0 =	sne.s32 s23, $0x8800;
	s23 =	sadd.s32 $0x800, s23;
	_ =	swait.ge [sflag:s1], $0x2000  }
0x61: {  	s25 =	sshra.s32 s25, $0x2;
	[sflag:s1] =	ssyncset.done $0x0  }
0x62: {  	s28 =	sadd.s32 $0x300, s25;
	[sflag:s1] =	ssyncadd.s32 $0xFFFFE000  }
0x63: {  	[tilespmem:s18], [sflag:$0x3] =	stream.indirect.gather [hbm4b:s0+s14], $0x40, s28, s14, $0xb8;
	[tilespmem:$0x17000] =	vst v63  }
0x64: {  	_ =	swait.ge [sflag:s19], $0x2000  }
0x65: {  	[sflag:s19] =	ssyncset.done $0x0  }
0x66: {  	s28 =	sadd.s32 $0x2A00, s25;
	[sflag:s19] =	ssyncadd.s32 $0xFFFFE000  }
0x67: {  	[spmem:s3] =	stream.indirect.scatter.add.f32 [tilespmem:s15], [sflag:$0x5], $0x40, s28, s14, $0xb8;
	[tilespmem:$0x17000] =	vst v63  }
0x68: {  	_ =	swait.ge [sflag:s17], $0x2000  }
0x69: {  	[sflag:s17] =	ssyncset.done $0x0  }
0x6a: {  	s28 =	sadd.s32 $0x380, s25;
	[sflag:s17] =	ssyncadd.s32 $0xFFFFE000  }
0x6b: {  	[tilespmem:s21], [sflag:$0x4] =	stream.indirect.gather [hbm4b:s0+s14], $0x40, s28, s14, $0xb8;
	[tilespmem:$0x17000] =	vst v63  }
0x6c: {  	_ =	swait.ge [sflag:s22], $0x2000  }
0x6d: {  	[sflag:s22] =	ssyncset.done $0x0  }
0x6e: {  	s28 =	sadd.s32 $0x2A80, s25;
	[sflag:s22] =	ssyncadd.s32 $0xFFFFE000  }
0x6f: {  	[spmem:s3] =	stream.indirect.scatter.add.f32 [tilespmem:s16], [sflag:$0x6], $0x40, s28, s14, $0xb8;
	[tilespmem:$0x17000] =	vst v63  }
0x70: {  	_ =	swait.ge [sflag:s24], $0x2000  }
0x71: {  	[sflag:s24] =	ssyncset.done $0x0  }
0x72: {  	s28 =	sadd.s32 $0x400, s25;
	[sflag:s24] =	ssyncadd.s32 $0xFFFFE000  }
0x73: {  	[tilespmem:s15], [sflag:$0x1] =	stream.indirect.gather [hbm4b:s0+s14], $0x40, s28, s14, $0xb8;
	[tilespmem:$0x17000] =	vst v63  }
0x74: {  	_ =	swait.ge [sflag:s26], $0x2000  }
0x75: {  	[sflag:s26] =	ssyncset.done $0x0  }
0x76: {  	s28 =	sadd.s32 $0x2B00, s25;
	[sflag:s26] =	ssyncadd.s32 $0xFFFFE000  }
0x77: {  	[spmem:s3] =	stream.indirect.scatter.add.f32 [tilespmem:s18], [sflag:$0x7], $0x40, s28, s14, $0xb8;
	[tilespmem:$0x17000] =	vst v63  }
0x78: {  	_ =	swait.ge [sflag:s29], $0x2000  }
0x79: {  	[sflag:s29] =	ssyncset.done $0x0  }
.Ltmp0:
0x7a: {  	s28 =	sadd.s32 $0x480, s25;
	[sflag:s29] =	ssyncadd.s32 $0xFFFFE000;
	(pc) =	sbr.rel @p0 .LBB2_2-.Ltmp0, $4  }
0x7b: {  	[tilespmem:s16], [sflag:$0x2] =	stream.indirect.gather [hbm4b:s0+s14], $0x40, s28, s14, $0xb8;
	[tilespmem:$0x17000] =	vst v63  }
0x7c: {  	_ =	swait.ge [sflag:s31], $0x2000  }
0x7d: {  	[sflag:s31] =	ssyncset.done $0x0  }
0x7e: {  	s25 =	sadd.s32 $0x2B80, s25;
	[sflag:s31] =	ssyncadd.s32 $0xFFFFE000  }
0x7f: {  	[spmem:s3] =	stream.indirect.scatter.add.f32 [tilespmem:s21], [sflag:$0x8], $0x40, s25, s14, $0xb8;
	[tilespmem:$0x17000] =	vst v63  }
0x80: {  	_ =	swait.ge [sflag:s1], $0x2000  }
0x81: {  	[sflag:s1] =	ssyncset.done $0x0  }
0x82: {  	s23 =	simm.s32 $0x2700;
	[sflag:s1] =	ssyncadd.s32 $0xFFFFE000  }
0x83: {  	[tilespmem:s18], [sflag:$0x3] =	stream.indirect.gather [hbm4b:s0+s14], $0x40, s23, s14, $0xb8;
	[tilespmem:$0x17000] =	vst v63  }
0x84: {  	_ =	swait.ge [sflag:s19], $0x2000  }
0x85: {  	[sflag:s19] =	ssyncset.done $0x0  }
0x86: {  	s28 =	simm.s32 $0x4E00;
	[sflag:s19] =	ssyncadd.s32 $0xFFFFE000  }
0x87: {  	[spmem:s3] =	stream.indirect.scatter.add.f32 [tilespmem:s15], [sflag:$0x5], $0x40, s28, s14, $0xb8;
	[tilespmem:$0x17000] =	vst v63  }
0x88: {  	_ =	swait.ge [sflag:s17], $0x2000  }
0x89: {  	[sflag:s17] =	ssyncset.done $0x0  }
0x8a: {  	s25 =	simm.s32 $0x2780;
	[sflag:s17] =	ssyncadd.s32 $0xFFFFE000  }
0x8b: {  	[tilespmem:s21], [sflag:$0x4] =	stream.indirect.gather [hbm4b:s0+s14], $0x40, s25, s14, $0xb8;
	[tilespmem:$0x17000] =	vst v63  }
0x8c: {  	_ =	swait.ge [sflag:s22], $0x2000  }
0x8d: {  	[sflag:s22] =	ssyncset.done $0x0  }
0x8e: {  	s28 =	simm.s32 $0x4E80;
	[sflag:s22] =	ssyncadd.s32 $0xFFFFE000  }
0x8f: {  	[spmem:s3] =	stream.indirect.scatter.add.f32 [tilespmem:s16], [sflag:$0x6], $0x40, s28, s14, $0xb8;
	[tilespmem:$0x17000] =	vst v63  }
0x90: {  	_ =	swait.ge [sflag:s24], $0x2000  }
0x91: {  	[sflag:s24] =	ssyncset.done $0x0  }
0x92: {  	[sflag:s24] =	ssyncadd.s32 $0xFFFFE000  }
0x93: {  	_ =	swait.ge [sflag:s26], $0x2000  }
0x94: {  	[sflag:s26] =	ssyncset.done $0x0  }
0x95: {  	[sflag:s26] =	ssyncadd.s32 $0xFFFFE000  }
0x96: {  	[spmem:s3] =	stream.indirect.scatter.add.f32 [tilespmem:s18], [sflag:$0x7], $0x40, s30, s14, $0xb8;
	[tilespmem:$0x17000] =	vst v63  }
0x97: {  	_ =	swait.ge [sflag:s29], $0x2000  }
0x98: {  	[sflag:s29] =	ssyncset.done $0x0  }
0x99: {  	[sflag:s29] =	ssyncadd.s32 $0xFFFFE000  }
0x9a: {  	_ =	swait.ge [sflag:s31], $0x2000  }
0x9b: {  	[sflag:s31] =	ssyncset.done $0x0  }
0x9c: {  	[sflag:s31] =	ssyncadd.s32 $0xFFFFE000  }
0x9d: {  	[spmem:s3] =	stream.indirect.scatter.add.f32 [tilespmem:s21], [sflag:$0x8], $0x40, s2, s14, $0xb8;
	[tilespmem:$0x17000] =	vst v63  }
0x9e: {  	_ =	swait.ge [sflag:s1], $0x2000  }
0x9f: {  	[sflag:s1] =	ssyncset.done $0x0  }
0xa0: {  	[sflag:s1] =	ssyncadd.s32 $0xFFFFE000  }
0xa1: {  	_ =	swait.ge [sflag:s17], $0x2000  }
0xa2: {  	s20 =	sadd.s32 $0x1, s20;
	[sflag:s17] =	ssyncset.done $0x0  }
0xa3: {  	p0 =	sne.s32 s20, s9;
	[sflag:s17] =	ssyncadd.s32 $0xFFFFE000  }
.Ltmp1:
0xa4: {  	[bflag:$0x0] =	sbarrier.arrive $0xFFFF;
	(pc) =	sbr.rel @p0 .LBB2_1-.Ltmp1, $4  }
0xa5: {  	[hbm:s8], [sflag:s12] =	dma.local [spmem:s13], $0x1400  }
0xa6: {  	_ =	swait.ge [sflag:s10], $0x1400  }
0xa7: {  	[sflag:s10] =	ssyncset.done $0x0  }
0xa8: {  	[sflag:s10] =	ssyncadd.s32 $0xFFFFEC00  }
0xa9: {  	_ =	sfence.sel $0x180000  }
0xaa: {  	[bflag:$0x0] =	sbarrier.arrive $0xFFFF  }
0xab: {  	_ =	strace $0x9000004A  }
0xac: {  	s0 =	stileid.u32;
	[bflag:$0x2] =	sbarrier.arrive $0xFFFF  }
0xad: {  	p0 =	sne.s32 s0, $0x0;
	s0 =	rddreg [dreg:$0x4]  }
0xae: {  	s0 =	sadd.s32 @!p0 $0x100000, s0  }
0xaf: {  	[sflag:s0] =	ssyncadd.tile.s32 @!p0 $0x1;
	_ =	shalt  }
.Lfunc_end2:
_tile_overlayer_lowered:
.L_overlay_start_2:
0xb0: {  	(tag) =	ssettag $0x2  }
0xb1: {  	s0 =	rddreg [dreg:$0x0];
	s2 =	stileid.u32  }
0xb2: {  	s1 =	rddreg [dreg:$0x1];
	p0 =	sne.s32 s2, $0x0  }
0xb3: {  	s3 =	rddreg [dreg:$0x2];
	[bflag:$0x3] =	sbarrier.arrive $0xFFFF;
	s2 =	simm.s32 @!p0 $0x1C09  }
0xb4: {  	[timem:s3], [sflag:s2] =	dma.local @!p0 [hbm:s0], s1  }
0xb5: {  	s0 =	simm.s32 @!p0 $0x9  }
0xb6: {  	_ =	swait.ge @!p0 [sflag:s0], s1  }
0xb7: {  	s1 =	ssub.s32 @!p0 $0x0, s1;
	[sflag:s0] =	ssyncset.done @!p0 $0x0  }
0xb8: {  	[sflag:s0] =	ssyncadd.s32 @!p0 s1  }
0xb9: {  	[bflag:$0x3] =	sbarrier.arrive $0xFFFF  }
0xba: {  	_ =	shalt  }

// kernel: kernel.14.cloned.1.call-start
scs
__scs_entry_jumppad:
0x0: {  	(pc) =	sbr.rel $0x88, $3  }
0x1: {  	(tag) =	ssettag $0x0;
	lr =	simm.s32 $0x1  }
0x2: {  	[smem:$0x3F9B] =	sst lr;
	_ =	strace $0xD0000000  }
0x3: {  	_ = 	snop  }
0x4: {  	_ = 	snop  }
0x5: {  	_ = 	snop  }
0x6: {  	_ = 	snop  }
0x7: {  	_ = 	snop  }
__scs_overlays_trampoline_lowered:
0x8: {  	[smem:$0x3FAA] =	sst s0  }
0x9: {  	[smem:$0x3FAB] =	sst s1  }
0xa: {  	[smem:$0x3FAC] =	sst s2  }
0xb: {  	[smem:$0x3FAD] =	sst s3  }
0xc: {  	[smem:$0x3FAE] =	sst s4  }
0xd: {  	[smem:$0x3FAF] =	sst s5  }
0xe: {  	[smem:$0x3FB0] =	sst s6  }
0xf: {  	[smem:$0x3FB1] =	sst s7  }
0x10: {  	[smem:$0x3FB2] =	sst s8  }
0x11: {  	[smem:$0x3FB3] =	sst s9;
	s0 =	simm.s32 @!p0 $0x0  }
0x12: {  	s1 =	sld [smem:$0x3F99];
	s0 =	simm.s32 @p0 $0x1  }
0x13: {  	[smem:$0x3FB4] =	sst s0;
	s0 =	simm.s32 @!p1 $0x0  }
0x14: {  	s2 =	sld [smem:$0x3F98];
	s0 =	simm.s32 @p1 $0x1  }
0x15: {  	[smem:$0x3FB5] =	sst s0;
	s0 =	simm.s32 @!p2 $0x0  }
0x16: {  	s3 =	sld [smem:$0x3FDB];
	s0 =	simm.s32 @p2 $0x1  }
0x17: {  	s4 =	simm.s32 $0x1BF5;
	[smem:$0x3FB7] =	sst s0  }
0x18: {  	s0 =	sld [smem:$0x3F9A];
	_ =	swait.ge [sflag:s4], $0x0  }
0x19: {  	s7 =	sld [smem:$0x3F9B]  }
0x1a: {  	s8 =	sadd.s32 $0xFFFFE003, lr  }
0x1b: {  	s9 =	sadd.s32 $0xFFFFFEF7, lr;
	s5 =	simm.s32 $0xFFFFFFFF;
	p2 =	slt.u32 s8, $0xFFFFF086  }
0x1c: {  	p1 =	slt.u32 s9, $0xF7A;
	s5 =	simm.s32 @!p2 $0x0  }
0x1d: {  	s5 =	simm.s32 @p1 $0x1;
	p0 =	seq.s32 s7, s2  }
0x1e: {  	s7 =	smul.u32 @!p0 $0xF7A, s2;
	p2 =	seq.s32 @!p0 s5, $0x0  }
0x1f: {  	s9 =	smul.u32 $0xF7A, s1;
	s8 =	simm.s32 @!p0 $0x1BF5;
	p2 =	por !p2, p0  }
0x20: {  	[sflag:s8] =	ssyncset.s32 @!p0 $0xFFFFF086;
	s6 =	sadd.s32 @!p0 s3, s7;
	s7 =	simm.s32 @!p0 $0x108  }
0x21: {  	s3 =	sadd.s32 s3, s9;
	s6 =	sadd.s32 @!p0 $0x88, s6;
	s7 =	simm.s32 @p2 $0x1082  }
0x22: {  	[simem:s7], [sflag:s8] =	dma.local @!p0 [hbm:s6], $0xF7A  }
0x23: {  	s9 =	sor.u32 $0xD0000000, s2;
	s6 =	simm.s32 $0x108;
	_ =	swait.ge @!p0 [sflag:s8], $0x0  }
0x24: {  	s3 =	sadd.s32 $0x88, s3;
	s6 =	simm.s32 @!p1 $0x1082;
	[sflag:s4] =	ssyncset.s32 $0xFFFFF086  }
0x25: {  	[simem:s6], [sflag:s4] =	dma.local [hbm:s3], $0xF7A  }
0x26: {  	[smem:$0x3F9B] =	sst s1;
	(tag) =	ssettag s2;
	_ =	strace s9  }
0x27: {  	s1 =	sld [smem:$0x3FAB]  }
0x28: {  	s2 =	sld [smem:$0x3FAC]  }
0x29: {  	s4 =	sld [smem:$0x3FAE]  }
0x2a: {  	p0 =	seq.s32 s5, $0x0;
	s5 =	sld [smem:$0x3FAF]  }
0x2b: {  	s6 =	sld [smem:$0x3FB0]  }
0x2c: {  	s7 =	sld [smem:$0x3FB1]  }
0x2d: {  	s3 =	simm.s32 $0x108;
	s8 =	sld [smem:$0x3FB2]  }
0x2e: {  	s3 =	simm.s32 @!p0 $0x1082;
	s9 =	sld [smem:$0x3FB3]  }
0x2f: {  	lr =	sadd.s32 s0, s3;
	s0 =	sld [smem:$0x3FAA]  }
0x30: {  	s3 =	sld [smem:$0x3FAD]  }
0x31: {  	[smem:$0x3FB6] =	sst s10  }
0x32: {  	s10 =	sld [smem:$0x3FB4];
	_ =	sdelay $0x3  }
0x33: {  	p0 =	seq.s32 s10, $0x1;
	s10 =	sld [smem:$0x3FB6];
	_ =	sdelay $0x3  }
0x34: {  	[smem:$0x3FB6] =	sst s10  }
0x35: {  	s10 =	sld [smem:$0x3FB5];
	_ =	sdelay $0x3  }
0x36: {  	p1 =	seq.s32 s10, $0x1;
	s10 =	sld [smem:$0x3FB6];
	_ =	sdelay $0x3  }
0x37: {  	[smem:$0x3FB6] =	sst s10  }
0x38: {  	s10 =	sld [smem:$0x3FB7]  }
0x39: {  	_ = 	snop;
	(pc) =	sbr.ind lr, $3  }
0x3a: {  	_ = 	snop  }
0x3b: {  	_ = 	snop  }
0x3c: {  	p2 =	seq.s32 s10, $0x1;
	s10 =	sld [smem:$0x3FB6]  }
0x3d: {  	_ =	shalt  }
0x3e: {  	_ =	shalt  }
0x3f: {  	_ =	shalt  }
0x40: {  	_ =	shalt  }
0x41: {  	_ =	shalt  }
0x42: {  	_ =	shalt  }
0x43: {  	_ =	shalt  }
0x44: {  	_ =	shalt  }
0x45: {  	_ =	shalt  }
0x46: {  	_ =	shalt  }
0x47: {  	_ =	shalt  }
0x48: {  	_ =	shalt  }
0x49: {  	_ =	shalt  }
0x4a: {  	_ =	shalt  }
0x4b: {  	_ =	shalt  }
0x4c: {  	_ =	shalt  }
0x4d: {  	_ =	shalt  }
0x4e: {  	_ =	shalt  }
0x4f: {  	_ =	shalt  }
0x50: {  	_ =	shalt  }
0x51: {  	_ =	shalt  }
0x52: {  	_ =	shalt  }
0x53: {  	_ =	shalt  }
0x54: {  	_ =	shalt  }
0x55: {  	_ =	shalt  }
0x56: {  	_ =	shalt  }
0x57: {  	_ =	shalt  }
0x58: {  	_ =	shalt  }
0x59: {  	_ =	shalt  }
0x5a: {  	_ =	shalt  }
0x5b: {  	_ =	shalt  }
0x5c: {  	_ =	shalt  }
0x5d: {  	_ =	shalt  }
0x5e: {  	_ =	shalt  }
0x5f: {  	_ =	shalt  }
0x60: {  	_ =	shalt  }
0x61: {  	_ =	shalt  }
0x62: {  	_ =	shalt  }
0x63: {  	_ =	shalt  }
0x64: {  	_ =	shalt  }
0x65: {  	_ =	shalt  }
0x66: {  	_ =	shalt  }
0x67: {  	_ =	shalt  }
0x68: {  	_ =	shalt  }
0x69: {  	_ =	shalt  }
0x6a: {  	_ =	shalt  }
0x6b: {  	_ =	shalt  }
0x6c: {  	_ =	shalt  }
0x6d: {  	_ =	shalt  }
0x6e: {  	_ =	shalt  }
0x6f: {  	_ =	shalt  }
0x70: {  	_ =	shalt  }
0x71: {  	_ =	shalt  }
0x72: {  	_ =	shalt  }
0x73: {  	_ =	shalt  }
0x74: {  	_ =	shalt  }
0x75: {  	_ =	shalt  }
0x76: {  	_ =	shalt  }
0x77: {  	_ =	shalt  }
0x78: {  	_ =	shalt  }
0x79: {  	_ =	shalt  }
0x7a: {  	_ =	shalt  }
0x7b: {  	_ =	shalt  }
0x7c: {  	_ =	shalt  }
0x7d: {  	_ =	shalt  }
0x7e: {  	_ =	shalt  }
0x7f: {  	_ =	shalt  }
0x80: {  	_ =	shalt  }
0x81: {  	_ =	shalt  }
0x82: {  	_ =	shalt  }
0x83: {  	_ =	shalt  }
0x84: {  	_ =	shalt  }
0x85: {  	_ =	shalt  }
0x86: {  	_ =	shalt  }
0x87: {  	_ =	shalt  }
.Lfunc_end0:
.L_simem_size_0:
called_computation.2_lowered:
.L_overlay_start_0:
0x88: {  	s2 =	sld [smem:$0x3FD9]  }
0x89: {  	s3 =	sld [smem:$0x3FFE];
	_ =	sdelay $0x1  }
0x8a: {  	s1 =	srdreg.scid  }
0x8b: {  	s0 =	sand.u32 $0x1, s1  }
0x8c: {  	s14 =	sshll.u32 s0, $0xA;
	s2 =	sadd.s32 s3, s2  }
0x8d: {  	s2 =	sadd.s32 s2, s14  }
0x8e: {  	[smem:$0x3FC2] =	sst s2  }
0x8f: {  	_ = 	snop  }
0x90: {  	s2 =	sld [smem:$0x3FD0];
	_ =	sdelay $0x2  }
0x91: {  	s15 =	simm.s32 $0xA;
	s4 =	simm.s32 $0x10  }
0x92: {  	[smem:s4], [sflag:s15] =	dma.local [hbm:s2], $0x1  }
0x93: {  	_ =	swait.eq [sflag:s15], $0x1  }
0x94: {  	[sflag:s15] =	ssyncset.done $0x0  }
0x95: {  	[sflag:s15] =	ssyncadd.s32 $0xFFFFFFFF  }
0x96: {  	s16 =	sld [smem:$0x10];
	(tm) =	ssettm $0x1  }
0x97: {  	s17 =	sld [smem:$0x3FFB];
	_ =	sdelay $0x3  }
0x98: {  	_ =	strace s17  }
0x99: {  	s3 =	sld [smem:$0x3FFC];
	_ =	sdelay $0x3  }
0x9a: {  	_ =	strace s3  }
0x9b: {  	s3 =	sld [smem:$0x3FFD];
	_ =	sdelay $0x3  }
0x9c: {  	_ =	strace s3  }
0x9d: {  	_ =	strace $0x8FFFFFFF  }
0x9e: {  	s18 =	sld [smem:$0x3FDB];
	_ =	sdelay $0x1  }
0x9f: {  	s19 =	simm.s32 $_scs_section_size  }
0xa0: {  	s5 =	simm.s32 $_size__tile_overlayer_lowered;
	s6 =	simm.s32 $_tile_overlayer_lowered  }
0xa1: {  	s22 =	simm.s32 $0x1BFF;
	s21 =	sshll.u32 s6, $0x1;
	s3 =	sadd.s32 s19, s18  }
0xa2: {  	s7 =	simm.s32 $0x0;
	s20 =	sshll.u32 s5, $0x1;
	s5 =	sadd.s32 s21, s3  }
0xa3: {  	[timem:s7], [sflag:s22] =	dma.local [hbm:s5], s20  }
0xa4: {  	_ =	swait.ge [sflag:s22], s20  }
0xa5: {  	s4 =	ssub.s32 $0x0, s20;
	[sflag:s22] =	ssyncset.done $0x0  }
0xa6: {  	[sflag:s22] =	ssyncadd.s32 s4;
	_ =	sdelay $0x1  }
0xa7: {  	s23 =	simm.s32 $0x1B8B  }
0xa8: {  	_ =	swait.ge [sflag:s23], $0x1  }
0xa9: {  	[sflag:s23] =	ssyncset.done $0x0  }
0xaa: {  	s25 =	simm.s32 $0x1B8E;
	s24 =	sld [smem:$0x3FFE];
	[sflag:s23] =	ssyncadd.s32 $0xFFFFFFFF  }
0xab: {  	s26 =	simm.s32 $execute0_lowered;
	[smem:$0x3FD2] =	sst s25  }
0xac: {  	s5 =	sshll.u32 s26, $0x1;
	_ =	strace $0x8000004C;
	[dreg:$0x1] =	wrdreg $0xFFFFFFFF  }
0xad: {  	s28 =	simm.s32 $_size_execute0_lowered;
	s3 =	sadd.s32 s3, s5;
	[dreg:$0x0] =	wrdreg $0x0  }
0xae: {  	s5 =	sshll.u32 s28, $0x1;
	[dreg:$0x2] =	wrdreg s3  }
0xaf: {  	[dreg:$0x3] =	wrdreg s5  }
0xb0: {  	[dreg:$0x4] =	wrdreg $0xC0  }
0xb1: {  	_ =	task [dreg:s7], $0x5FFFF  }
0xb2: {  	[dreg:$0x1] =	wrdreg $0xFFFFFFFF  }
0xb3: {  	[dreg:$0x0] =	wrdreg $0x60  }
0xb4: {  	[dreg:$0x2] =	wrdreg s24  }
0xb5: {  	[dreg:$0x3] =	wrdreg s16  }
0xb6: {  	[dreg:$0x4] =	wrdreg $0x120000  }
0xb7: {  	[dreg:$0x5] =	wrdreg $0x9  }
0xb8: {  	_ =	task.clear_ibuf [dreg:s7], $0x6FFFF;
	_ =	strace $0x9000004C  }
0xb9: {  	s29 =	simm.s32 $0x9;
	_ =	strace $0x8000004E  }
0xba: {  	_ =	swait.ge [sflag:s29], $0x1  }
0xbb: {  	[sflag:s29] =	ssyncadd.s32 $0xFFFFFFFF  }
0xbc: {  	_ =	strace $0x9000004E  }
0xbd: {  	_ =	sfence  }
0xbe: {  	s30 =	sld [smem:$0x0];
	_ =	sdelay $0x2  }
0xbf: {  	s31 =	sshll.u32 s1, $0xD;
	s1 =	sshrl.u32 s1, $0x2  }
0xc0: {  	s3 =	sand.u32 $0x4000, s31;
	s1 =	sadd.s32 s1, s30  }
0xc1: {  	s0 =	sor.u32 s3, s0;
	s1 =	sshll.u32 s1, $0x11  }
0xc2: {  	s0 =	sor.u32 s1, s0  }
0xc3: {  	s0 =	sadd.s32 $0x8F2B, s0  }
0xc4: {  	[sflag:s0] =	ssyncadd.remote.s32 $0x1  }
0xc5: {  	_ =	sfence.sel $0xFFFF  }
0xc6: {  	[dreg:$0x0] =	wrdreg $0xFFFFFFFF;
	(pc) =	sbr.abs _section_cstart, $3  }
0xc7: {  	[dreg:$0x1] =	wrdreg $0xFFFFFFFF  }
0xc8: {  	_ =	task.clear_ibuf [dreg:s7], $0x2FFFF;
	_ =	strace $0x9FFFFFFF  }
0xc9: {  	(tm) =	ssettm $0x7FFFFFFF  }
tec
execute0_lowered:
.L_overlay_start_1:
0x0: {  	(tag) =	ssettag $0x1  }
0x1: {  	s0 =	rddreg [dreg:$0x0]  }
0x2: {  	s1 =	rddreg [dreg:$0x1]  }
0x3: {  	s3 =	srdreg.scid;
	s2 =	rddreg [dreg:$0x2]  }
0x4: {  	s11 =	stileid.u32;
	s14 =	simm.s32 $0x80;
	s15 =	simm.s32 $0xA000  }
0x5: {  	s16 =	simm.s32 $0xC000;
	s18 =	simm.s32 $0xE000;
	s19 =	simm.s32 $0x1  }
0x6: {  	s21 =	simm.s32 $0x10000;
	s22 =	simm.s32 $0x2;
	s29 =	simm.s32 $0x6  }
0x7: {  	s31 =	simm.s32 $0x4;
	s17 =	simm.s32 $0x8;
	s30 =	simm.s32 $0x9F00  }
0x8: {  	s20 =	simm.s32 $0x0;
	s4 =	sand.u32 $0x1, s3;
	s7 =	smul.u32 $0xA000, s11  }
0x9: {  	s3 =	simm.s32 $0x0;
	s8 =	smul.u32 $0xA00, s11;
	s28 =	sshll.u32 s11, $0x6  }
0xa: {  	s11 =	simm.s32 $0x5000;
	s5 =	smul.u32 $0xA0000, s4;
	[smem:$0x7FF] =	sst s3  }
0xb: {  	s10 =	ssub.s32 $0x2, s4;
	s4 =	sadd.s32 $0xCC00, s0;
	s12 =	sor.u32 $0x1C09, s28  }
0xc: {  	_ =	strace $0x8000004D;
	s24 =	sadd.s32 s8, s0;
	s25 =	sshrl.u32 s10, $0x1  }
0xd: {  	s26 =	sadd.s32 s7, s2;
	s6 =	sshrl.u32 s5, $0x3;
	s5 =	sadd.s32 s7, s5  }
0xe: {  	s10 =	ssub.s32 s10, s25;
	s13 =	sshrl.u32 s26, $0x3;
	s26 =	simm.s32 $0x3  }
0xf: {  	s9 =	sadd.s32 s6, s0;
	s5 =	sshrl.u32 s5, $0x3;
	s6 =	sadd.s32 $0x2C00, s24  }
0x10: {  	s24 =	simm.s32 $0x5;
	s0 =	sadd.s32 s5, s0;
	s5 =	sadd.s32 s1, s8  }
0x11: {  	s7 =	sadd.s32 $0xE000, s9;
	s9 =	smax.u32 s10, $0x1;
	s10 =	simm.s32 $0x9  }
0x12: {  	s1 =	simm.s32 $0x7;
	s8 =	sadd.s32 $0x36000, s0;
	s0 =	simm.s32 $0x9F80  }
.LBB2_1:
0x13: {  	[tilespmem:s3], [sflag:$0x9] =	stream.linear.gather [hbm4b:s5+s3], $0x5000, $0x38;
	[tilespmem:$0x1C000] =	vst v63  }
0x14: {  	_ =	swait.ge [sflag:s10], $0x5000  }
0x15: {  	[sflag:s10] =	ssyncset.done $0x0  }
0x16: {  	[sflag:s10] =	ssyncadd.s32 $0xFFFFB000  }
0x17: {  	[tilespmem:s11], [sflag:$0x9] =	stream.linear.gather [hbm4b:s6+s3], $0x5000, $0x38;
	[tilespmem:$0x1C000] =	vst v63  }
0x18: {  	_ =	swait.ge [sflag:s10], $0x5000  }
0x19: {  	[sflag:s10] =	ssyncset.done $0x0  }
0x1a: {  	[sflag:s10] =	ssyncadd.s32 $0xFFFFB000  }
0x1b: {  	[spmem:s13], [sflag:s12] =	dma.local [hbm:s4], $0x1400  }
0x1c: {  	_ =	swait.ge [sflag:s10], $0x1400  }
0x1d: {  	[sflag:s10] =	ssyncset.done $0x0  }
0x1e: {  	[sflag:s10] =	ssyncadd.s32 $0xFFFFEC00  }
0x1f: {  	[bflag:$0x0] =	sbarrier.arrive $0xFFFF  }
0x20: {  	[tilespmem:s15], [sflag:$0x1] =	stream.indirect.gather [hbm4b:s7+s14], $0x40, s3, s14, $0xb8;
	[tilespmem:$0x1C000] =	vst v63  }
0x21: {  	_ = 	snop  }
0x22: {  	[tilespmem:s16], [sflag:$0x2] =	stream.indirect.gather [hbm4b:s7+s14], $0x40, s14, s14, $0xb8;
	[tilespmem:$0x1C000] =	vst v63  }
0x23: {  	s23 =	simm.s32 $0x100  }
0x24: {  	[tilespmem:s18], [sflag:$0x3] =	stream.indirect.gather [hbm4b:s7+s14], $0x40, s23, s14, $0xb8;
	[tilespmem:$0x1C000] =	vst v63  }
0x25: {  	_ =	swait.ge [sflag:s19], $0x2000  }
0x26: {  	[sflag:s19] =	ssyncset.done $0x0  }
0x27: {  	[sflag:s19] =	ssyncadd.s32 $0xFFFFE000  }
0x28: {  	[spmem:s2] =	stream.indirect.scatter.add.f32 [tilespmem:s15], [sflag:$0x5], $0x40, s11, s14, $0xb8;
	[tilespmem:$0x1C000] =	vst v63  }
0x29: {  	s28 =	simm.s32 $0x180  }
0x2a: {  	[tilespmem:s21], [sflag:$0x4] =	stream.indirect.gather [hbm4b:s7+s14], $0x40, s28, s14, $0xb8;
	[tilespmem:$0x1C000] =	vst v63  }
0x2b: {  	_ =	swait.ge [sflag:s22], $0x2000  }
0x2c: {  	[sflag:s22] =	ssyncset.done $0x0  }
0x2d: {  	s25 =	simm.s32 $0x5080;
	[sflag:s22] =	ssyncadd.s32 $0xFFFFE000  }
0x2e: {  	[spmem:s2] =	stream.indirect.scatter.add.f32 [tilespmem:s16], [sflag:$0x6], $0x40, s25, s14, $0xb8;
	[tilespmem:$0x1C000] =	vst v63  }
0x2f: {  	_ =	swait.ge [sflag:s24], $0x2000  }
0x30: {  	[sflag:s24] =	ssyncset.done $0x0  }
0x31: {  	s28 =	simm.s32 $0x200;
	[sflag:s24] =	ssyncadd.s32 $0xFFFFE000  }
0x32: {  	[tilespmem:s15], [sflag:$0x1] =	stream.indirect.gather [hbm4b:s7+s14], $0x40, s28, s14, $0xb8;
	[tilespmem:$0x1C000] =	vst v63  }
0x33: {  	_ =	swait.ge [sflag:s26], $0x2000  }
0x34: {  	[sflag:s26] =	ssyncset.done $0x0  }
0x35: {  	s25 =	simm.s32 $0x5100;
	[sflag:s26] =	ssyncadd.s32 $0xFFFFE000  }
0x36: {  	[spmem:s2] =	stream.indirect.scatter.add.f32 [tilespmem:s18], [sflag:$0x7], $0x40, s25, s14, $0xb8;
	[tilespmem:$0x1C000] =	vst v63  }
0x37: {  	_ =	swait.ge [sflag:s29], $0x2000  }
0x38: {  	[sflag:s29] =	ssyncset.done $0x0  }
0x39: {  	s28 =	simm.s32 $0x280;
	[sflag:s29] =	ssyncadd.s32 $0xFFFFE000  }
0x3a: {  	[tilespmem:s16], [sflag:$0x2] =	stream.indirect.gather [hbm4b:s7+s14], $0x40, s28, s14, $0xb8;
	[tilespmem:$0x1C000] =	vst v63  }
0x3b: {  	_ =	swait.ge [sflag:s31], $0x2000  }
0x3c: {  	[sflag:s31] =	ssyncset.done $0x0  }
0x3d: {  	s25 =	simm.s32 $0x5180;
	[sflag:s31] =	ssyncadd.s32 $0xFFFFE000  }
0x3e: {  	[spmem:s2] =	stream.indirect.scatter.add.f32 [tilespmem:s21], [sflag:$0x8], $0x40, s25, s14, $0xb8;
	[tilespmem:$0x1C000] =	vst v63  }
0x3f: {  	_ =	swait.ge [sflag:s1], $0x2000  }
0x40: {  	[sflag:s1] =	ssyncset.done $0x0  }
0x41: {  	s28 =	simm.s32 $0x300;
	[sflag:s1] =	ssyncadd.s32 $0xFFFFE000  }
0x42: {  	[tilespmem:s18], [sflag:$0x3] =	stream.indirect.gather [hbm4b:s7+s14], $0x40, s28, s14, $0xb8;
	[tilespmem:$0x1C000] =	vst v63  }
0x43: {  	_ =	swait.ge [sflag:s19], $0x2000  }
0x44: {  	[sflag:s19] =	ssyncset.done $0x0  }
0x45: {  	s25 =	simm.s32 $0x5200;
	[sflag:s19] =	ssyncadd.s32 $0xFFFFE000  }
0x46: {  	[spmem:s2] =	stream.indirect.scatter.add.f32 [tilespmem:s15], [sflag:$0x5], $0x40, s25, s14, $0xb8;
	[tilespmem:$0x1C000] =	vst v63  }
0x47: {  	_ =	swait.ge [sflag:s17], $0x2000  }
0x48: {  	[sflag:s17] =	ssyncset.done $0x0  }
0x49: {  	s28 =	simm.s32 $0x380;
	[sflag:s17] =	ssyncadd.s32 $0xFFFFE000  }
0x4a: {  	[tilespmem:s21], [sflag:$0x4] =	stream.indirect.gather [hbm4b:s7+s14], $0x40, s28, s14, $0xb8;
	[tilespmem:$0x1C000] =	vst v63  }
0x4b: {  	_ =	swait.ge [sflag:s22], $0x2000  }
0x4c: {  	[sflag:s22] =	ssyncset.done $0x0  }
0x4d: {  	s25 =	simm.s32 $0x5280;
	[sflag:s22] =	ssyncadd.s32 $0xFFFFE000  }
0x4e: {  	[spmem:s2] =	stream.indirect.scatter.add.f32 [tilespmem:s16], [sflag:$0x6], $0x40, s25, s14, $0xb8;
	[tilespmem:$0x1C000] =	vst v63  }
0x4f: {  	_ =	swait.ge [sflag:s24], $0x2000  }
0x50: {  	[sflag:s24] =	ssyncset.done $0x0  }
0x51: {  	s28 =	simm.s32 $0x400;
	[sflag:s24] =	ssyncadd.s32 $0xFFFFE000  }
0x52: {  	[tilespmem:s15], [sflag:$0x1] =	stream.indirect.gather [hbm4b:s7+s14], $0x40, s28, s14, $0xb8;
	[tilespmem:$0x1C000] =	vst v63  }
0x53: {  	_ =	swait.ge [sflag:s26], $0x2000  }
0x54: {  	[sflag:s26] =	ssyncset.done $0x0  }
0x55: {  	s25 =	simm.s32 $0x5300;
	[sflag:s26] =	ssyncadd.s32 $0xFFFFE000  }
0x56: {  	[spmem:s2] =	stream.indirect.scatter.add.f32 [tilespmem:s18], [sflag:$0x7], $0x40, s25, s14, $0xb8;
	[tilespmem:$0x1C000] =	vst v63  }
0x57: {  	_ =	swait.ge [sflag:s29], $0x2000  }
0x58: {  	[sflag:s29] =	ssyncset.done $0x0  }
0x59: {  	s28 =	simm.s32 $0x480;
	[sflag:s29] =	ssyncadd.s32 $0xFFFFE000  }
0x5a: {  	[tilespmem:s16], [sflag:$0x2] =	stream.indirect.gather [hbm4b:s7+s14], $0x40, s28, s14, $0xb8;
	[tilespmem:$0x1C000] =	vst v63  }
0x5b: {  	_ =	swait.ge [sflag:s31], $0x2000  }
0x5c: {  	[sflag:s31] =	ssyncset.done $0x0  }
0x5d: {  	s23 =	simm.s32 $0x800;
	s25 =	simm.s32 $0x5380;
	[sflag:s31] =	ssyncadd.s32 $0xFFFFE000  }
.LBB2_2:
0x5e: {  	[spmem:s2] =	stream.indirect.scatter.add.f32 [tilespmem:s21], [sflag:$0x8], $0x40, s25, s14, $0xb8;
	[tilespmem:$0x1C000] =	vst v63  }
0x5f: {  	s25 =	smov.u32 s23  }
0x60: {  	p0 =	sne.s32 s23, $0x12800;
	s23 =	sadd.s32 $0x800, s23;
	_ =	swait.ge [sflag:s1], $0x2000  }
0x61: {  	s25 =	sshra.s32 s25, $0x2;
	[sflag:s1] =	ssyncset.done $0x0  }
0x62: {  	s28 =	sadd.s32 $0x300, s25;
	[sflag:s1] =	ssyncadd.s32 $0xFFFFE000  }
0x63: {  	[tilespmem:s18], [sflag:$0x3] =	stream.indirect.gather [hbm4b:s7+s14], $0x40, s28, s14, $0xb8;
	[tilespmem:$0x1C000] =	vst v63  }
0x64: {  	_ =	swait.ge [sflag:s19], $0x2000  }
0x65: {  	[sflag:s19] =	ssyncset.done $0x0  }
0x66: {  	s28 =	sadd.s32 $0x5200, s25;
	[sflag:s19] =	ssyncadd.s32 $0xFFFFE000  }
0x67: {  	[spmem:s2] =	stream.indirect.scatter.add.f32 [tilespmem:s15], [sflag:$0x5], $0x40, s28, s14, $0xb8;
	[tilespmem:$0x1C000] =	vst v63  }
0x68: {  	_ =	swait.ge [sflag:s17], $0x2000  }
0x69: {  	[sflag:s17] =	ssyncset.done $0x0  }
0x6a: {  	s28 =	sadd.s32 $0x380, s25;
	[sflag:s17] =	ssyncadd.s32 $0xFFFFE000  }
0x6b: {  	[tilespmem:s21], [sflag:$0x4] =	stream.indirect.gather [hbm4b:s7+s14], $0x40, s28, s14, $0xb8;
	[tilespmem:$0x1C000] =	vst v63  }
0x6c: {  	_ =	swait.ge [sflag:s22], $0x2000  }
0x6d: {  	[sflag:s22] =	ssyncset.done $0x0  }
0x6e: {  	s28 =	sadd.s32 $0x5280, s25;
	[sflag:s22] =	ssyncadd.s32 $0xFFFFE000  }
0x6f: {  	[spmem:s2] =	stream.indirect.scatter.add.f32 [tilespmem:s16], [sflag:$0x6], $0x40, s28, s14, $0xb8;
	[tilespmem:$0x1C000] =	vst v63  }
0x70: {  	_ =	swait.ge [sflag:s24], $0x2000  }
0x71: {  	[sflag:s24] =	ssyncset.done $0x0  }
0x72: {  	s28 =	sadd.s32 $0x400, s25;
	[sflag:s24] =	ssyncadd.s32 $0xFFFFE000  }
0x73: {  	[tilespmem:s15], [sflag:$0x1] =	stream.indirect.gather [hbm4b:s7+s14], $0x40, s28, s14, $0xb8;
	[tilespmem:$0x1C000] =	vst v63  }
0x74: {  	_ =	swait.ge [sflag:s26], $0x2000  }
0x75: {  	[sflag:s26] =	ssyncset.done $0x0  }
0x76: {  	s28 =	sadd.s32 $0x5300, s25;
	[sflag:s26] =	ssyncadd.s32 $0xFFFFE000  }
0x77: {  	[spmem:s2] =	stream.indirect.scatter.add.f32 [tilespmem:s18], [sflag:$0x7], $0x40, s28, s14, $0xb8;
	[tilespmem:$0x1C000] =	vst v63  }
0x78: {  	_ =	swait.ge [sflag:s29], $0x2000  }
0x79: {  	[sflag:s29] =	ssyncset.done $0x0  }
.Ltmp0:
0x7a: {  	s28 =	sadd.s32 $0x480, s25;
	[sflag:s29] =	ssyncadd.s32 $0xFFFFE000;
	(pc) =	sbr.rel @p0 .LBB2_2-.Ltmp0, $4  }
0x7b: {  	[tilespmem:s16], [sflag:$0x2] =	stream.indirect.gather [hbm4b:s7+s14], $0x40, s28, s14, $0xb8;
	[tilespmem:$0x1C000] =	vst v63  }
0x7c: {  	_ =	swait.ge [sflag:s31], $0x2000  }
0x7d: {  	[sflag:s31] =	ssyncset.done $0x0  }
0x7e: {  	s25 =	sadd.s32 $0x5380, s25;
	[sflag:s31] =	ssyncadd.s32 $0xFFFFE000  }
0x7f: {  	[spmem:s2] =	stream.indirect.scatter.add.f32 [tilespmem:s21], [sflag:$0x8], $0x40, s25, s14, $0xb8;
	[tilespmem:$0x1C000] =	vst v63  }
0x80: {  	_ =	swait.ge [sflag:s1], $0x2000  }
0x81: {  	[sflag:s1] =	ssyncset.done $0x0  }
0x82: {  	s23 =	simm.s32 $0x4F00;
	[sflag:s1] =	ssyncadd.s32 $0xFFFFE000  }
0x83: {  	[tilespmem:s18], [sflag:$0x3] =	stream.indirect.gather [hbm4b:s7+s14], $0x40, s23, s14, $0xb8;
	[tilespmem:$0x1C000] =	vst v63  }
0x84: {  	_ =	swait.ge [sflag:s19], $0x2000  }
0x85: {  	[sflag:s19] =	ssyncset.done $0x0  }
0x86: {  	s28 =	simm.s32 $0x9E00;
	[sflag:s19] =	ssyncadd.s32 $0xFFFFE000  }
0x87: {  	[spmem:s2] =	stream.indirect.scatter.add.f32 [tilespmem:s15], [sflag:$0x5], $0x40, s28, s14, $0xb8;
	[tilespmem:$0x1C000] =	vst v63  }
0x88: {  	_ =	swait.ge [sflag:s17], $0x2000  }
0x89: {  	[sflag:s17] =	ssyncset.done $0x0  }
0x8a: {  	s25 =	simm.s32 $0x4F80;
	[sflag:s17] =	ssyncadd.s32 $0xFFFFE000  }
0x8b: {  	[tilespmem:s21], [sflag:$0x4] =	stream.indirect.gather [hbm4b:s7+s14], $0x40, s25, s14, $0xb8;
	[tilespmem:$0x1C000] =	vst v63  }
0x8c: {  	_ =	swait.ge [sflag:s22], $0x2000  }
0x8d: {  	[sflag:s22] =	ssyncset.done $0x0  }
0x8e: {  	s28 =	simm.s32 $0x9E80;
	[sflag:s22] =	ssyncadd.s32 $0xFFFFE000  }
0x8f: {  	[spmem:s2] =	stream.indirect.scatter.add.f32 [tilespmem:s16], [sflag:$0x6], $0x40, s28, s14, $0xb8;
	[tilespmem:$0x1C000] =	vst v63  }
0x90: {  	_ =	swait.ge [sflag:s24], $0x2000  }
0x91: {  	[sflag:s24] =	ssyncset.done $0x0  }
0x92: {  	[sflag:s24] =	ssyncadd.s32 $0xFFFFE000  }
0x93: {  	_ =	swait.ge [sflag:s26], $0x2000  }
0x94: {  	[sflag:s26] =	ssyncset.done $0x0  }
0x95: {  	[sflag:s26] =	ssyncadd.s32 $0xFFFFE000  }
0x96: {  	[spmem:s2] =	stream.indirect.scatter.add.f32 [tilespmem:s18], [sflag:$0x7], $0x40, s30, s14, $0xb8;
	[tilespmem:$0x1C000] =	vst v63  }
0x97: {  	_ =	swait.ge [sflag:s29], $0x2000  }
0x98: {  	[sflag:s29] =	ssyncset.done $0x0  }
0x99: {  	[sflag:s29] =	ssyncadd.s32 $0xFFFFE000  }
0x9a: {  	_ =	swait.ge [sflag:s31], $0x2000  }
0x9b: {  	[sflag:s31] =	ssyncset.done $0x0  }
0x9c: {  	[sflag:s31] =	ssyncadd.s32 $0xFFFFE000  }
0x9d: {  	[spmem:s2] =	stream.indirect.scatter.add.f32 [tilespmem:s21], [sflag:$0x8], $0x40, s0, s14, $0xb8;
	[tilespmem:$0x1C000] =	vst v63  }
0x9e: {  	_ =	swait.ge [sflag:s1], $0x2000  }
0x9f: {  	[sflag:s1] =	ssyncset.done $0x0  }
0xa0: {  	[sflag:s1] =	ssyncadd.s32 $0xFFFFE000  }
0xa1: {  	_ =	swait.ge [sflag:s17], $0x2000  }
0xa2: {  	s20 =	sadd.s32 $0x1, s20;
	[sflag:s17] =	ssyncset.done $0x0  }
0xa3: {  	p0 =	sne.s32 s20, s9;
	[sflag:s17] =	ssyncadd.s32 $0xFFFFE000  }
.Ltmp1:
0xa4: {  	[bflag:$0x0] =	sbarrier.arrive $0xFFFF;
	(pc) =	sbr.rel @p0 .LBB2_1-.Ltmp1, $4  }
0xa5: {  	[hbm:s8], [sflag:s12] =	dma.local [spmem:s13], $0x1400  }
0xa6: {  	_ =	swait.ge [sflag:s10], $0x1400  }
0xa7: {  	[sflag:s10] =	ssyncset.done $0x0  }
0xa8: {  	[sflag:s10] =	ssyncadd.s32 $0xFFFFEC00  }
0xa9: {  	_ =	sfence.sel $0x180000  }
0xaa: {  	[bflag:$0x0] =	sbarrier.arrive $0xFFFF  }
0xab: {  	_ =	strace $0x9000004D  }
0xac: {  	s0 =	stileid.u32;
	[bflag:$0x2] =	sbarrier.arrive $0xFFFF  }
0xad: {  	p0 =	sne.s32 s0, $0x0;
	s0 =	rddreg [dreg:$0x3]  }
0xae: {  	s0 =	sadd.s32 @!p0 $0x100000, s0  }
0xaf: {  	[sflag:s0] =	ssyncadd.tile.s32 @!p0 $0x1;
	_ =	shalt  }
.Lfunc_end2:
_tile_overlayer_lowered:
.L_overlay_start_2:
0xb0: {  	(tag) =	ssettag $0x2  }
0xb1: {  	s0 =	rddreg [dreg:$0x0];
	s2 =	stileid.u32  }
0xb2: {  	s1 =	rddreg [dreg:$0x1];
	p0 =	sne.s32 s2, $0x0  }
0xb3: {  	s3 =	rddreg [dreg:$0x2];
	[bflag:$0x3] =	sbarrier.arrive $0xFFFF;
	s2 =	simm.s32 @!p0 $0x1C09  }
0xb4: {  	[timem:s3], [sflag:s2] =	dma.local @!p0 [hbm:s0], s1  }
0xb5: {  	s0 =	simm.s32 @!p0 $0x9  }
0xb6: {  	_ =	swait.ge @!p0 [sflag:s0], s1  }
0xb7: {  	s1 =	ssub.s32 @!p0 $0x0, s1;
	[sflag:s0] =	ssyncset.done @!p0 $0x0  }
0xb8: {  	[sflag:s0] =	ssyncadd.s32 @!p0 s1  }
0xb9: {  	[bflag:$0x3] =	sbarrier.arrive $0xFFFF  }
0xba: {  	_ =	shalt  }

// kernel: kernel.8.cloned.1.call-start
scs
__scs_entry_jumppad:
0x0: {  	(pc) =	sbr.rel $0x88, $3  }
0x1: {  	(tag) =	ssettag $0x0;
	lr =	simm.s32 $0x1  }
0x2: {  	[smem:$0x3F9B] =	sst lr;
	_ =	strace $0xD0000000  }
0x3: {  	_ = 	snop  }
0x4: {  	_ = 	snop  }
0x5: {  	_ = 	snop  }
0x6: {  	_ = 	snop  }
0x7: {  	_ = 	snop  }
__scs_overlays_trampoline_lowered:
0x8: {  	[smem:$0x3FAA] =	sst s0  }
0x9: {  	[smem:$0x3FAB] =	sst s1  }
0xa: {  	[smem:$0x3FAC] =	sst s2  }
0xb: {  	[smem:$0x3FAD] =	sst s3  }
0xc: {  	[smem:$0x3FAE] =	sst s4  }
0xd: {  	[smem:$0x3FAF] =	sst s5  }
0xe: {  	[smem:$0x3FB0] =	sst s6  }
0xf: {  	[smem:$0x3FB1] =	sst s7  }
0x10: {  	[smem:$0x3FB2] =	sst s8  }
0x11: {  	[smem:$0x3FB3] =	sst s9;
	s0 =	simm.s32 @!p0 $0x0  }
0x12: {  	s1 =	sld [smem:$0x3F99];
	s0 =	simm.s32 @p0 $0x1  }
0x13: {  	[smem:$0x3FB4] =	sst s0;
	s0 =	simm.s32 @!p1 $0x0  }
0x14: {  	s2 =	sld [smem:$0x3F98];
	s0 =	simm.s32 @p1 $0x1  }
0x15: {  	[smem:$0x3FB5] =	sst s0;
	s0 =	simm.s32 @!p2 $0x0  }
0x16: {  	s3 =	sld [smem:$0x3FDB];
	s0 =	simm.s32 @p2 $0x1  }
0x17: {  	s4 =	simm.s32 $0x1BF5;
	[smem:$0x3FB7] =	sst s0  }
0x18: {  	s0 =	sld [smem:$0x3F9A];
	_ =	swait.ge [sflag:s4], $0x0  }
0x19: {  	s7 =	sld [smem:$0x3F9B]  }
0x1a: {  	s8 =	sadd.s32 $0xFFFFE003, lr  }
0x1b: {  	s9 =	sadd.s32 $0xFFFFFEF7, lr;
	s5 =	simm.s32 $0xFFFFFFFF;
	p2 =	slt.u32 s8, $0xFFFFF086  }
0x1c: {  	p1 =	slt.u32 s9, $0xF7A;
	s5 =	simm.s32 @!p2 $0x0  }
0x1d: {  	s5 =	simm.s32 @p1 $0x1;
	p0 =	seq.s32 s7, s2  }
0x1e: {  	s7 =	smul.u32 @!p0 $0xF7A, s2;
	p2 =	seq.s32 @!p0 s5, $0x0  }
0x1f: {  	s9 =	smul.u32 $0xF7A, s1;
	s8 =	simm.s32 @!p0 $0x1BF5;
	p2 =	por !p2, p0  }
0x20: {  	[sflag:s8] =	ssyncset.s32 @!p0 $0xFFFFF086;
	s6 =	sadd.s32 @!p0 s3, s7;
	s7 =	simm.s32 @!p0 $0x108  }
0x21: {  	s3 =	sadd.s32 s3, s9;
	s6 =	sadd.s32 @!p0 $0x88, s6;
	s7 =	simm.s32 @p2 $0x1082  }
0x22: {  	[simem:s7], [sflag:s8] =	dma.local @!p0 [hbm:s6], $0xF7A  }
0x23: {  	s9 =	sor.u32 $0xD0000000, s2;
	s6 =	simm.s32 $0x108;
	_ =	swait.ge @!p0 [sflag:s8], $0x0  }
0x24: {  	s3 =	sadd.s32 $0x88, s3;
	s6 =	simm.s32 @!p1 $0x1082;
	[sflag:s4] =	ssyncset.s32 $0xFFFFF086  }
0x25: {  	[simem:s6], [sflag:s4] =	dma.local [hbm:s3], $0xF7A  }
0x26: {  	[smem:$0x3F9B] =	sst s1;
	(tag) =	ssettag s2;
	_ =	strace s9  }
0x27: {  	s1 =	sld [smem:$0x3FAB]  }
0x28: {  	s2 =	sld [smem:$0x3FAC]  }
0x29: {  	s4 =	sld [smem:$0x3FAE]  }
0x2a: {  	p0 =	seq.s32 s5, $0x0;
	s5 =	sld [smem:$0x3FAF]  }
0x2b: {  	s6 =	sld [smem:$0x3FB0]  }
0x2c: {  	s7 =	sld [smem:$0x3FB1]  }
0x2d: {  	s3 =	simm.s32 $0x108;
	s8 =	sld [smem:$0x3FB2]  }
0x2e: {  	s3 =	simm.s32 @!p0 $0x1082;
	s9 =	sld [smem:$0x3FB3]  }
0x2f: {  	lr =	sadd.s32 s0, s3;
	s0 =	sld [smem:$0x3FAA]  }
0x30: {  	s3 =	sld [smem:$0x3FAD]  }
0x31: {  	[smem:$0x3FB6] =	sst s10  }
0x32: {  	s10 =	sld [smem:$0x3FB4];
	_ =	sdelay $0x3  }
0x33: {  	p0 =	seq.s32 s10, $0x1;
	s10 =	sld [smem:$0x3FB6];
	_ =	sdelay $0x3  }
0x34: {  	[smem:$0x3FB6] =	sst s10  }
0x35: {  	s10 =	sld [smem:$0x3FB5];
	_ =	sdelay $0x3  }
0x36: {  	p1 =	seq.s32 s10, $0x1;
	s10 =	sld [smem:$0x3FB6];
	_ =	sdelay $0x3  }
0x37: {  	[smem:$0x3FB6] =	sst s10  }
0x38: {  	s10 =	sld [smem:$0x3FB7]  }
0x39: {  	_ = 	snop;
	(pc) =	sbr.ind lr, $3  }
0x3a: {  	_ = 	snop  }
0x3b: {  	_ = 	snop  }
0x3c: {  	p2 =	seq.s32 s10, $0x1;
	s10 =	sld [smem:$0x3FB6]  }
0x3d: {  	_ =	shalt  }
0x3e: {  	_ =	shalt  }
0x3f: {  	_ =	shalt  }
0x40: {  	_ =	shalt  }
0x41: {  	_ =	shalt  }
0x42: {  	_ =	shalt  }
0x43: {  	_ =	shalt  }
0x44: {  	_ =	shalt  }
0x45: {  	_ =	shalt  }
0x46: {  	_ =	shalt  }
0x47: {  	_ =	shalt  }
0x48: {  	_ =	shalt  }
0x49: {  	_ =	shalt  }
0x4a: {  	_ =	shalt  }
0x4b: {  	_ =	shalt  }
0x4c: {  	_ =	shalt  }
0x4d: {  	_ =	shalt  }
0x4e: {  	_ =	shalt  }
0x4f: {  	_ =	shalt  }
0x50: {  	_ =	shalt  }
0x51: {  	_ =	shalt  }
0x52: {  	_ =	shalt  }
0x53: {  	_ =	shalt  }
0x54: {  	_ =	shalt  }
0x55: {  	_ =	shalt  }
0x56: {  	_ =	shalt  }
0x57: {  	_ =	shalt  }
0x58: {  	_ =	shalt  }
0x59: {  	_ =	shalt  }
0x5a: {  	_ =	shalt  }
0x5b: {  	_ =	shalt  }
0x5c: {  	_ =	shalt  }
0x5d: {  	_ =	shalt  }
0x5e: {  	_ =	shalt  }
0x5f: {  	_ =	shalt  }
0x60: {  	_ =	shalt  }
0x61: {  	_ =	shalt  }
0x62: {  	_ =	shalt  }
0x63: {  	_ =	shalt  }
0x64: {  	_ =	shalt  }
0x65: {  	_ =	shalt  }
0x66: {  	_ =	shalt  }
0x67: {  	_ =	shalt  }
0x68: {  	_ =	shalt  }
0x69: {  	_ =	shalt  }
0x6a: {  	_ =	shalt  }
0x6b: {  	_ =	shalt  }
0x6c: {  	_ =	shalt  }
0x6d: {  	_ =	shalt  }
0x6e: {  	_ =	shalt  }
0x6f: {  	_ =	shalt  }
0x70: {  	_ =	shalt  }
0x71: {  	_ =	shalt  }
0x72: {  	_ =	shalt  }
0x73: {  	_ =	shalt  }
0x74: {  	_ =	shalt  }
0x75: {  	_ =	shalt  }
0x76: {  	_ =	shalt  }
0x77: {  	_ =	shalt  }
0x78: {  	_ =	shalt  }
0x79: {  	_ =	shalt  }
0x7a: {  	_ =	shalt  }
0x7b: {  	_ =	shalt  }
0x7c: {  	_ =	shalt  }
0x7d: {  	_ =	shalt  }
0x7e: {  	_ =	shalt  }
0x7f: {  	_ =	shalt  }
0x80: {  	_ =	shalt  }
0x81: {  	_ =	shalt  }
0x82: {  	_ =	shalt  }
0x83: {  	_ =	shalt  }
0x84: {  	_ =	shalt  }
0x85: {  	_ =	shalt  }
0x86: {  	_ =	shalt  }
0x87: {  	_ =	shalt  }
.Lfunc_end0:
.L_simem_size_0:
called_computation_lowered:
.L_overlay_start_0:
0x88: {  	s2 =	sld [smem:$0x3FD9]  }
0x89: {  	s3 =	sld [smem:$0x3FFE];
	_ =	sdelay $0x1  }
0x8a: {  	s1 =	srdreg.scid  }
0x8b: {  	s0 =	sand.u32 $0x1, s1  }
0x8c: {  	s14 =	sshll.u32 s0, $0xA;
	s2 =	sadd.s32 s3, s2  }
0x8d: {  	s2 =	sadd.s32 s2, s14  }
0x8e: {  	[smem:$0x3FC2] =	sst s2  }
0x8f: {  	_ = 	snop  }
0x90: {  	s2 =	sld [smem:$0x3FD0];
	_ =	sdelay $0x2  }
0x91: {  	s15 =	simm.s32 $0xA;
	s4 =	simm.s32 $0x10  }
0x92: {  	[smem:s4], [sflag:s15] =	dma.local [hbm:s2], $0x1  }
0x93: {  	_ =	swait.eq [sflag:s15], $0x1  }
0x94: {  	[sflag:s15] =	ssyncset.done $0x0  }
0x95: {  	[sflag:s15] =	ssyncadd.s32 $0xFFFFFFFF  }
0x96: {  	s16 =	sld [smem:$0x11];
	(tm) =	ssettm $0x1  }
0x97: {  	s17 =	sld [smem:$0x3FFB];
	_ =	sdelay $0x3  }
0x98: {  	_ =	strace s17  }
0x99: {  	s3 =	sld [smem:$0x3FFC];
	_ =	sdelay $0x3  }
0x9a: {  	_ =	strace s3  }
0x9b: {  	s3 =	sld [smem:$0x3FFD];
	_ =	sdelay $0x3  }
0x9c: {  	_ =	strace s3  }
0x9d: {  	_ =	strace $0x8FFFFFFF  }
0x9e: {  	s18 =	sld [smem:$0x3FDB];
	_ =	sdelay $0x1  }
0x9f: {  	s19 =	simm.s32 $_scs_section_size  }
0xa0: {  	s5 =	simm.s32 $_size__tile_overlayer_lowered;
	s6 =	simm.s32 $_tile_overlayer_lowered  }
0xa1: {  	s22 =	simm.s32 $0x1BFF;
	s21 =	sshll.u32 s6, $0x1;
	s3 =	sadd.s32 s19, s18  }
0xa2: {  	s7 =	simm.s32 $0x0;
	s20 =	sshll.u32 s5, $0x1;
	s5 =	sadd.s32 s21, s3  }
0xa3: {  	[timem:s7], [sflag:s22] =	dma.local [hbm:s5], s20  }
0xa4: {  	_ =	swait.ge [sflag:s22], s20  }
0xa5: {  	s4 =	ssub.s32 $0x0, s20;
	[sflag:s22] =	ssyncset.done $0x0  }
0xa6: {  	[sflag:s22] =	ssyncadd.s32 s4;
	_ =	sdelay $0x1  }
0xa7: {  	s23 =	simm.s32 $0x1B8B  }
0xa8: {  	_ =	swait.ge [sflag:s23], $0x1  }
0xa9: {  	[sflag:s23] =	ssyncset.done $0x0  }
0xaa: {  	s25 =	simm.s32 $0x1B8E;
	s24 =	sld [smem:$0x3FFE];
	[sflag:s23] =	ssyncadd.s32 $0xFFFFFFFF  }
0xab: {  	s26 =	simm.s32 $execute0_lowered;
	[smem:$0x3FD2] =	sst s25  }
0xac: {  	s5 =	sshll.u32 s26, $0x1;
	_ =	strace $0x80000046;
	[dreg:$0x1] =	wrdreg $0xFFFFFFFF  }
0xad: {  	s28 =	simm.s32 $_size_execute0_lowered;
	s3 =	sadd.s32 s3, s5;
	[dreg:$0x0] =	wrdreg $0x0  }
0xae: {  	s5 =	sshll.u32 s28, $0x1;
	[dreg:$0x2] =	wrdreg s3  }
0xaf: {  	[dreg:$0x3] =	wrdreg s5  }
0xb0: {  	[dreg:$0x4] =	wrdreg $0xC0  }
0xb1: {  	_ =	task [dreg:s7], $0x5FFFF  }
0xb2: {  	[dreg:$0x1] =	wrdreg $0xFFFFFFFF  }
0xb3: {  	[dreg:$0x0] =	wrdreg $0x60  }
0xb4: {  	[dreg:$0x2] =	wrdreg s16  }
0xb5: {  	[dreg:$0x3] =	wrdreg s24  }
0xb6: {  	[dreg:$0x4] =	wrdreg $0x7A800  }
0xb7: {  	[dreg:$0x5] =	wrdreg $0x9  }
0xb8: {  	_ =	task.clear_ibuf [dreg:s7], $0x6FFFF;
	_ =	strace $0x90000046  }
0xb9: {  	s29 =	simm.s32 $0x9;
	_ =	strace $0x80000048  }
0xba: {  	_ =	swait.ge [sflag:s29], $0x1  }
0xbb: {  	[sflag:s29] =	ssyncadd.s32 $0xFFFFFFFF  }
0xbc: {  	_ =	strace $0x90000048  }
0xbd: {  	_ =	sfence  }
0xbe: {  	s30 =	sld [smem:$0x0];
	_ =	sdelay $0x2  }
0xbf: {  	s31 =	sshll.u32 s1, $0xD;
	s1 =	sshrl.u32 s1, $0x2  }
0xc0: {  	s3 =	sand.u32 $0x4000, s31;
	s1 =	sadd.s32 s1, s30  }
0xc1: {  	s0 =	sor.u32 s3, s0;
	s1 =	sshll.u32 s1, $0x11  }
0xc2: {  	s0 =	sor.u32 s1, s0  }
0xc3: {  	s0 =	sadd.s32 $0x8F2B, s0  }
0xc4: {  	[sflag:s0] =	ssyncadd.remote.s32 $0x1  }
0xc5: {  	_ =	sfence.sel $0xFFFF  }
0xc6: {  	[dreg:$0x0] =	wrdreg $0xFFFFFFFF;
	(pc) =	sbr.abs _section_cstart, $3  }
0xc7: {  	[dreg:$0x1] =	wrdreg $0xFFFFFFFF  }
0xc8: {  	_ =	task.clear_ibuf [dreg:s7], $0x2FFFF;
	_ =	strace $0x9FFFFFFF  }
0xc9: {  	(tm) =	ssettm $0x7FFFFFFF  }
tec
execute0_lowered:
.L_overlay_start_1:
0x0: {  	(tag) =	ssettag $0x1  }
0x1: {  	s0 =	rddreg [dreg:$0x0]  }
0x2: {  	s1 =	rddreg [dreg:$0x1]  }
0x3: {  	s2 =	rddreg [dreg:$0x2];
	s3 =	simm.s32 $0x0;
	s7 =	srdreg.scid  }
0x4: {  	s9 =	stileid.u32;
	[smem:$0x7FF] =	sst s3;
	s3 =	sand.u32 $0x1, s7  }
0x5: {  	s4 =	smul.u32 $0x500, s9;
	s5 =	sshrl.u32 s9, $0x3;
	s6 =	sadd.s32 $0x1C00, s1  }
0x6: {  	_ =	strace $0x80000047;
	[dreg:$0x4] =	wrdreg s6;
	s5 =	smul.u32 $0x14000, s5  }
0x7: {  	s8 =	sshll.u32 s3, $0x7;
	s10 =	ssub.s32 $0x2, s3;
	s3 =	smul.u32 $0x28000, s3  }
0x8: {  	s4 =	sor.u32 s8, s4;
	s7 =	sshrl.u32 s10, $0x1;
	s8 =	sshll.u32 s9, $0x7  }
0x9: {  	s9 =	smul.u32 $0x5000, s9;
	s4 =	sshrl.u32 s4, $0x3;
	s8 =	sand.u32 $0x380, s8  }
0xa: {  	s3 =	sadd.s32 s3, s5;
	s11 =	ssub.s32 s10, s7;
	s5 =	sadd.s32 s5, s2  }
0xb: {  	s1 =	sadd.s32 s4, s1;
	s3 =	sor.u32 s8, s3;
	s13 =	sadd.s32 s8, s5  }
0xc: {  	s12 =	sshrl.u32 s9, $0x2;
	s7 =	smax.u32 s11, $0x1;
	[dreg:$0x6] =	wrdreg s13  }
0xd: {  	s3 =	sshrl.u32 s3, $0x3;
	s5 =	sadd.s32 $0x2200, s1;
	[dreg:$0x17] =	wrdreg s7  }
0xe: {  	s6 =	sadd.s32 s12, s2;
	s0 =	sadd.s32 s0, s3;
	[dreg:$0x16] =	wrdreg s5  }
0xf: {  	s14 =	sadd.s32 $0x80, s6;
	[dreg:$0x5] =	wrdreg s0  }
0x10: {  	s15 =	sadd.s32 $0x100, s6;
	[dreg:$0x7] =	wrdreg s14  }
0x11: {  	s16 =	sadd.s32 $0x180, s6;
	[dreg:$0x8] =	wrdreg s15  }
0x12: {  	s17 =	sadd.s32 $0x200, s6;
	[dreg:$0x9] =	wrdreg s16  }
0x13: {  	s18 =	sadd.s32 $0x280, s6;
	[dreg:$0xa] =	wrdreg s17  }
0x14: {  	s19 =	sadd.s32 $0x300, s6;
	[dreg:$0xb] =	wrdreg s18  }
0x15: {  	s20 =	sadd.s32 $0x380, s6;
	[dreg:$0xc] =	wrdreg s19  }
0x16: {  	s21 =	sadd.s32 $0x14000, s6;
	[dreg:$0xd] =	wrdreg s20  }
0x17: {  	s22 =	sadd.s32 $0x14080, s6;
	[dreg:$0xe] =	wrdreg s21  }
0x18: {  	s23 =	sadd.s32 $0x14100, s6;
	[dreg:$0xf] =	wrdreg s22  }
0x19: {  	s24 =	sadd.s32 $0x14180, s6;
	[dreg:$0x10] =	wrdreg s23  }
0x1a: {  	s25 =	sadd.s32 $0x14200, s6;
	[dreg:$0x11] =	wrdreg s24  }
0x1b: {  	s26 =	sadd.s32 $0x14280, s6;
	[dreg:$0x12] =	wrdreg s25  }
0x1c: {  	s2 =	sadd.s32 $0x14300, s6;
	[dreg:$0x13] =	wrdreg s26  }
0x1d: {  	s3 =	sadd.s32 $0x14380, s6;
	[dreg:$0x14] =	wrdreg s2  }
0x1e: {  	s8 =	sadd.s32 $0x400, s6;
	[dreg:$0x15] =	wrdreg s3  }
0x1f: {  	s9 =	sadd.s32 $0x800, s6;
	[dreg:$0x18] =	wrdreg s8  }
0x20: {  	s10 =	sadd.s32 $0xC00, s6;
	[dreg:$0x19] =	wrdreg s9  }
0x21: {  	s11 =	sadd.s32 $0x1000, s6;
	[dreg:$0x1a] =	wrdreg s10  }
0x22: {  	s12 =	sadd.s32 $0x480, s6;
	[dreg:$0x1b] =	wrdreg s11  }
0x23: {  	s13 =	sadd.s32 $0x880, s6;
	[dreg:$0x1c] =	wrdreg s12  }
0x24: {  	s1 =	sadd.s32 $0x1200, s6;
	[dreg:$0x1d] =	wrdreg s13  }
0x25: {  	s4 =	sadd.s32 $0xE80, s6;
	[smem:$0x7E5] =	sst s1  }
0x26: {  	s5 =	sadd.s32 $0x1280, s6;
	[smem:$0x7E8] =	sst s4  }
0x27: {  	s7 =	sadd.s32 $0x700, s6;
	[smem:$0x7E9] =	sst s5  }
0x28: {  	s14 =	sadd.s32 $0xC80, s6;
	[smem:$0x7EA] =	sst s7  }
0x29: {  	s15 =	sadd.s32 $0x1080, s6;
	[dreg:$0x1e] =	wrdreg s14  }
0x2a: {  	s16 =	sadd.s32 $0x500, s6;
	[dreg:$0x1f] =	wrdreg s15  }
0x2b: {  	s17 =	sadd.s32 $0x900, s6;
	[smem:$0x7DA] =	sst s16  }
0x2c: {  	s18 =	sadd.s32 $0xD00, s6;
	[smem:$0x7DB] =	sst s17  }
0x2d: {  	s19 =	sadd.s32 $0x1100, s6;
	[smem:$0x7DC] =	sst s18  }
0x2e: {  	s20 =	sadd.s32 $0x580, s6;
	[smem:$0x7DD] =	sst s19  }
0x2f: {  	s21 =	sadd.s32 $0x980, s6;
	[smem:$0x7DE] =	sst s20  }
0x30: {  	s22 =	sadd.s32 $0xD80, s6;
	[smem:$0x7DF] =	sst s21  }
0x31: {  	s23 =	sadd.s32 $0x1180, s6;
	[smem:$0x7E0] =	sst s22  }
0x32: {  	s24 =	sadd.s32 $0x600, s6;
	[smem:$0x7E1] =	sst s23  }
0x33: {  	s25 =	sadd.s32 $0xA00, s6;
	[smem:$0x7E2] =	sst s24  }
0x34: {  	s26 =	sadd.s32 $0xE00, s6;
	[smem:$0x7E3] =	sst s25  }
0x35: {  	s2 =	sadd.s32 $0x680, s6;
	[smem:$0x7E4] =	sst s26  }
0x36: {  	s3 =	sadd.s32 $0xA80, s6;
	[smem:$0x7E6] =	sst s2  }
0x37: {  	s8 =	sadd.s32 $0xB00, s6;
	[smem:$0x7E7] =	sst s3  }
0x38: {  	s9 =	sadd.s32 $0xF00, s6;
	[smem:$0x7EB] =	sst s8  }
0x39: {  	s10 =	sadd.s32 $0x1300, s6;
	[smem:$0x7EC] =	sst s9  }
0x3a: {  	s11 =	sadd.s32 $0x780, s6;
	[smem:$0x7ED] =	sst s10  }
0x3b: {  	s12 =	sadd.s32 $0xB80, s6;
	[smem:$0x7EE] =	sst s11  }
0x3c: {  	s13 =	sadd.s32 $0xF80, s6;
	[smem:$0x7EF] =	sst s12  }
0x3d: {  	[smem:$0x7F0] =	sst s13;
	s14 =	sadd.s32 $0x1380, s6  }
0x3e: {  	s15 =	sadd.s32 $0x14400, s6;
	[smem:$0x7F1] =	sst s14  }
0x3f: {  	s29 =	simm.s32 $0x2800;
	s16 =	sadd.s32 $0x14800, s6;
	[smem:$0x7F2] =	sst s15  }
0x40: {  	s30 =	simm.s32 $0x1;
	s17 =	sadd.s32 $0x14C00, s6;
	[smem:$0x7F3] =	sst s16  }
0x41: {  	s31 =	simm.s32 $0x80;
	s18 =	sadd.s32 $0x15000, s6;
	[smem:$0x7F4] =	sst s17  }
0x42: {  	s28 =	sadd.s32 $0x15380, s6;
	s19 =	sadd.s32 $0x14480, s6;
	[smem:$0x7F5] =	sst s18  }
0x43: {  	s0 =	simm.s32 $0x400;
	s20 =	sadd.s32 $0x14880, s6;
	[smem:$0x7F6] =	sst s19  }
0x44: {  	s1 =	simm.s32 $0x0;
	s21 =	sadd.s32 $0x14C80, s6;
	[smem:$0x7F7] =	sst s20  }
0x45: {  	s22 =	sadd.s32 $0x15080, s6;
	s23 =	sadd.s32 $0x14500, s6;
	[smem:$0x7F8] =	sst s21  }
0x46: {  	s24 =	sadd.s32 $0x14900, s6;
	s25 =	sadd.s32 $0x14D00, s6;
	[smem:$0x7F9] =	sst s22  }
0x47: {  	s26 =	sadd.s32 $0x15100, s6;
	s8 =	sadd.s32 $0x14580, s6;
	[smem:$0x7FA] =	sst s23  }
0x48: {  	s9 =	sadd.s32 $0x14980, s6;
	s10 =	sadd.s32 $0x14D80, s6;
	[smem:$0x7FB] =	sst s24  }
0x49: {  	s11 =	sadd.s32 $0x15180, s6;
	s12 =	sadd.s32 $0x14600, s6;
	[smem:$0x7FC] =	sst s25  }
0x4a: {  	s13 =	sadd.s32 $0x14A00, s6;
	[smem:$0x7FD] =	sst s26;
	s14 =	sadd.s32 $0x14E00, s6  }
0x4b: {  	s15 =	sadd.s32 $0x15200, s6;
	s16 =	sadd.s32 $0x14680, s6;
	s17 =	sadd.s32 $0x14A80, s6  }
0x4c: {  	s18 =	sadd.s32 $0x14E80, s6;
	s19 =	sadd.s32 $0x15280, s6;
	s20 =	sadd.s32 $0x14700, s6  }
0x4d: {  	s21 =	sadd.s32 $0x14B00, s6;
	s22 =	sadd.s32 $0x14F00, s6;
	s23 =	sadd.s32 $0x15300, s6  }
0x4e: {  	v0 =	vimm.f32 $1.000000000e+00;
	s24 =	sadd.s32 $0x14780, s6;
	s25 =	sadd.s32 $0x14B80, s6;
	s26 =	sadd.s32 $0x14F80, s6  }
.LBB2_1:
0x4f: {  	s2 =	simm.s32 $0x0;
	s3 =	rddreg [dreg:$0x4]  }
0x50: {  	[tilespmem:s29], [sflag:$0x1] =	stream.linear.gather [hbm4b:s3+s2], $0x2800, $0x38;
	[tilespmem:$0xA280] =	vst v63  }
0x51: {  	_ =	swait.ge [sflag:s30], $0x2800  }
0x52: {  	[sflag:s30] =	ssyncset.done $0x0  }
0x53: {  	s7 =	rddreg [dreg:$0x5];
	[sflag:s30] =	ssyncadd.s32 $0xFFFFD800  }
0x54: {  	[tilespmem:s2], [sflag:$0x1] =	stream.strided.gather [hbm4b:s7+s31], $0x2800, s0, s31, $0x38;
	[tilespmem:$0xA280] =	vst v63  }
0x55: {  	_ =	swait.ge [sflag:s30], $0x2800  }
0x56: {  	[sflag:s30] =	ssyncset.done $0x0  }
0x57: {  	s3 =	simm.s32 $0x0;
	s2 =	simm.s32 $0x40;
	[sflag:s30] =	ssyncadd.s32 $0xFFFFD800  }
.LBB2_2:
0x58: {  	p0 =	sne.s32 s2, $0x9FC0;
	v1 =	vld [tilespmem:s3+$0x0];
	_ =	sdelay $0x3  }
.Ltmp0:
0x59: {  	(pc) =	sbr.rel @p0 .LBB2_2-.Ltmp0, $2  }
0x5a: {  	_ =	sdelay $0x2  }
0x5b: {  	s3 =	sshra.s32 s2, $0x2;
	s2 =	sadd.s32 $0x40, s2;
	[tilespmem:v1+s29+$0x0] =	vst.idx.add.f32.msk $0xffff, v0  }
0x5c: {  	v1 =	vld [tilespmem:s3+$0x0];
	_ =	sdelay $0x7  }
0x5d: {  	s2 =	rddreg [dreg:$0x6];
	[tilespmem:v1+s29+$0x0] =	vst.idx.add.f32.msk $0xffff, v0  }
0x5e: {  	[spmem:s2] =	stream.strided.scatter [tilespmem:s29], [sflag:$0x1], $0x2800, s0, s31, $0x38;
	[tilespmem:$0xA280] =	vst v63  }
0x5f: {  	_ =	swait.ge [sflag:s30], $0x2800  }
0x60: {  	[sflag:s30] =	ssyncset.done $0x0  }
0x61: {  	[sflag:s30] =	ssyncadd.s32 $0xFFFFD800  }
0x62: {  	s4 =	simm.s32 $0x5000;
	[bflag:$0x0] =	sbarrier.arrive $0xFFFF  }
0x63: {  	[tilespmem:s4], [sflag:$0x1] =	stream.linear.gather [spmem:s6], $0x80, $0x38;
	[tilespmem:$0xA280] =	vst v63  }
0x64: {  	s7 =	simm.s32 $0x5400;
	s5 =	rddreg [dreg:$0x18]  }
0x65: {  	[tilespmem:s7], [sflag:$0x1] =	stream.linear.gather [spmem:s5], $0x80, $0x38;
	[tilespmem:$0xA280] =	vst v63  }
0x66: {  	s3 =	rddreg [dreg:$0x19];
	s4 =	simm.s32 $0x5800  }
0x67: {  	[tilespmem:s4], [sflag:$0x1] =	stream.linear.gather [spmem:s3], $0x80, $0x38;
	[tilespmem:$0xA280] =	vst v63  }
0x68: {  	s5 =	rddreg [dreg:$0x1a];
	s7 =	simm.s32 $0x5C00  }
0x69: {  	[tilespmem:s7], [sflag:$0x1] =	stream.linear.gather [spmem:s5], $0x80, $0x38;
	[tilespmem:$0xA280] =	vst v63  }
0x6a: {  	s3 =	rddreg [dreg:$0x1b];
	s4 =	simm.s32 $0x6000  }
0x6b: {  	[tilespmem:s4], [sflag:$0x1] =	stream.linear.gather [spmem:s3], $0x80, $0x38;
	[tilespmem:$0xA280] =	vst v63  }
0x6c: {  	_ =	swait.ge [sflag:s30], $0x280  }
0x6d: {  	[sflag:s30] =	ssyncset.done $0x0  }
0x6e: {  	s7 =	simm.s32 $0x5080;
	s5 =	rddreg [dreg:$0x7];
	[sflag:s30] =	ssyncadd.s32 $0xFFFFFD80  }
0x6f: {  	[tilespmem:s7], [sflag:$0x1] =	stream.linear.gather [spmem:s5], $0x80, $0x38;
	[tilespmem:$0xA280] =	vst v63  }
0x70: {  	s4 =	simm.s32 $0x5480;
	s3 =	rddreg [dreg:$0x1c]  }
0x71: {  	[tilespmem:s4], [sflag:$0x1] =	stream.linear.gather [spmem:s3], $0x80, $0x38;
	[tilespmem:$0xA280] =	vst v63  }
0x72: {  	s5 =	rddreg [dreg:$0x1d];
	s7 =	simm.s32 $0x5880  }
0x73: {  	[tilespmem:s7], [sflag:$0x1] =	stream.linear.gather [spmem:s5], $0x80, $0x38;
	[tilespmem:$0xA280] =	vst v63  }
0x74: {  	s3 =	rddreg [dreg:$0x1e];
	s4 =	simm.s32 $0x5C80  }
0x75: {  	[tilespmem:s4], [sflag:$0x1] =	stream.linear.gather [spmem:s3], $0x80, $0x38;
	[tilespmem:$0xA280] =	vst v63  }
0x76: {  	s5 =	rddreg [dreg:$0x1f];
	s7 =	simm.s32 $0x6080  }
0x77: {  	[tilespmem:s7], [sflag:$0x1] =	stream.linear.gather [spmem:s5], $0x80, $0x38;
	[tilespmem:$0xA280] =	vst v63  }
0x78: {  	_ =	swait.ge [sflag:s30], $0x280  }
0x79: {  	[sflag:s30] =	ssyncset.done $0x0;
	s3 =	rddreg [dreg:$0x8]  }
0x7a: {  	s4 =	simm.s32 $0x5100;
	s5 =	sld [smem:$0x7DA];
	[sflag:s30] =	ssyncadd.s32 $0xFFFFFD80  }
0x7b: {  	[tilespmem:s4], [sflag:$0x1] =	stream.linear.gather [spmem:s3], $0x80, $0x38;
	[tilespmem:$0xA280] =	vst v63  }
0x7c: {  	s7 =	simm.s32 $0x5500;
	s3 =	sld [smem:$0x7DB]  }
0x7d: {  	[tilespmem:s7], [sflag:$0x1] =	stream.linear.gather [spmem:s5], $0x80, $0x38;
	[tilespmem:$0xA280] =	vst v63  }
0x7e: {  	s4 =	simm.s32 $0x5900;
	s5 =	sld [smem:$0x7DC]  }
0x7f: {  	[tilespmem:s4], [sflag:$0x1] =	stream.linear.gather [spmem:s3], $0x80, $0x38;
	[tilespmem:$0xA280] =	vst v63  }
0x80: {  	s7 =	simm.s32 $0x5D00;
	s3 =	sld [smem:$0x7DD]  }
0x81: {  	[tilespmem:s7], [sflag:$0x1] =	stream.linear.gather [spmem:s5], $0x80, $0x38;
	[tilespmem:$0xA280] =	vst v63  }
0x82: {  	s4 =	simm.s32 $0x6100  }
0x83: {  	[tilespmem:s4], [sflag:$0x1] =	stream.linear.gather [spmem:s3], $0x80, $0x38;
	[tilespmem:$0xA280] =	vst v63  }
0x84: {  	_ =	swait.ge [sflag:s30], $0x280  }
0x85: {  	[sflag:s30] =	ssyncset.done $0x0;
	s5 =	rddreg [dreg:$0x9]  }
0x86: {  	s7 =	simm.s32 $0x5180;
	s3 =	sld [smem:$0x7DE];
	[sflag:s30] =	ssyncadd.s32 $0xFFFFFD80  }
0x87: {  	[tilespmem:s7], [sflag:$0x1] =	stream.linear.gather [spmem:s5], $0x80, $0x38;
	[tilespmem:$0xA280] =	vst v63  }
0x88: {  	s4 =	simm.s32 $0x5580;
	s5 =	sld [smem:$0x7DF]  }
0x89: {  	[tilespmem:s4], [sflag:$0x1] =	stream.linear.gather [spmem:s3], $0x80, $0x38;
	[tilespmem:$0xA280] =	vst v63  }
0x8a: {  	s7 =	simm.s32 $0x5980;
	s3 =	sld [smem:$0x7E0]  }
0x8b: {  	[tilespmem:s7], [sflag:$0x1] =	stream.linear.gather [spmem:s5], $0x80, $0x38;
	[tilespmem:$0xA280] =	vst v63  }
0x8c: {  	s4 =	simm.s32 $0x5D80;
	s5 =	sld [smem:$0x7E1]  }
0x8d: {  	[tilespmem:s4], [sflag:$0x1] =	stream.linear.gather [spmem:s3], $0x80, $0x38;
	[tilespmem:$0xA280] =	vst v63  }
0x8e: {  	s7 =	simm.s32 $0x6180  }
0x8f: {  	[tilespmem:s7], [sflag:$0x1] =	stream.linear.gather [spmem:s5], $0x80, $0x38;
	[tilespmem:$0xA280] =	vst v63  }
0x90: {  	_ =	swait.ge [sflag:s30], $0x280  }
0x91: {  	[sflag:s30] =	ssyncset.done $0x0;
	s3 =	rddreg [dreg:$0xa]  }
0x92: {  	s4 =	simm.s32 $0x5200;
	s5 =	sld [smem:$0x7E2];
	[sflag:s30] =	ssyncadd.s32 $0xFFFFFD80  }
0x93: {  	[tilespmem:s4], [sflag:$0x1] =	stream.linear.gather [spmem:s3], $0x80, $0x38;
	[tilespmem:$0xA280] =	vst v63  }
0x94: {  	s7 =	simm.s32 $0x5600;
	s3 =	sld [smem:$0x7E3]  }
0x95: {  	[tilespmem:s7], [sflag:$0x1] =	stream.linear.gather [spmem:s5], $0x80, $0x38;
	[tilespmem:$0xA280] =	vst v63  }
0x96: {  	s4 =	simm.s32 $0x5A00;
	s5 =	sld [smem:$0x7E4]  }
0x97: {  	[tilespmem:s4], [sflag:$0x1] =	stream.linear.gather [spmem:s3], $0x80, $0x38;
	[tilespmem:$0xA280] =	vst v63  }
0x98: {  	s7 =	simm.s32 $0x5E00;
	s3 =	sld [smem:$0x7E5]  }
0x99: {  	[tilespmem:s7], [sflag:$0x1] =	stream.linear.gather [spmem:s5], $0x80, $0x38;
	[tilespmem:$0xA280] =	vst v63  }
0x9a: {  	s4 =	simm.s32 $0x6200  }
0x9b: {  	[tilespmem:s4], [sflag:$0x1] =	stream.linear.gather [spmem:s3], $0x80, $0x38;
	[tilespmem:$0xA280] =	vst v63  }
0x9c: {  	_ =	swait.ge [sflag:s30], $0x280  }
0x9d: {  	[sflag:s30] =	ssyncset.done $0x0;
	s5 =	rddreg [dreg:$0xb]  }
0x9e: {  	s7 =	simm.s32 $0x5280;
	s3 =	sld [smem:$0x7E6];
	[sflag:s30] =	ssyncadd.s32 $0xFFFFFD80  }
0x9f: {  	[tilespmem:s7], [sflag:$0x1] =	stream.linear.gather [spmem:s5], $0x80, $0x38;
	[tilespmem:$0xA280] =	vst v63  }
0xa0: {  	s4 =	simm.s32 $0x5680;
	s5 =	sld [smem:$0x7E7]  }
0xa1: {  	[tilespmem:s4], [sflag:$0x1] =	stream.linear.gather [spmem:s3], $0x80, $0x38;
	[tilespmem:$0xA280] =	vst v63  }
0xa2: {  	s7 =	simm.s32 $0x5A80;
	s3 =	sld [smem:$0x7E8]  }
0xa3: {  	[tilespmem:s7], [sflag:$0x1] =	stream.linear.gather [spmem:s5], $0x80, $0x38;
	[tilespmem:$0xA280] =	vst v63  }
0xa4: {  	s4 =	simm.s32 $0x5E80;
	s5 =	sld [smem:$0x7E9]  }
0xa5: {  	[tilespmem:s4], [sflag:$0x1] =	stream.linear.gather [spmem:s3], $0x80, $0x38;
	[tilespmem:$0xA280] =	vst v63  }
0xa6: {  	s7 =	simm.s32 $0x6280  }
0xa7: {  	[tilespmem:s7], [sflag:$0x1] =	stream.linear.gather [spmem:s5], $0x80, $0x38;
	[tilespmem:$0xA280] =	vst v63  }
0xa8: {  	_ =	swait.ge [sflag:s30], $0x280  }
0xa9: {  	[sflag:s30] =	ssyncset.done $0x0;
	s3 =	rddreg [dreg:$0xc]  }
0xaa: {  	s4 =	simm.s32 $0x5300;
	s5 =	sld [smem:$0x7EA];
	[sflag:s30] =	ssyncadd.s32 $0xFFFFFD80  }
0xab: {  	[tilespmem:s4], [sflag:$0x1] =	stream.linear.gather [spmem:s3], $0x80, $0x38;
	[tilespmem:$0xA280] =	vst v63  }
0xac: {  	s7 =	simm.s32 $0x5700;
	s3 =	sld [smem:$0x7EB]  }
0xad: {  	[tilespmem:s7], [sflag:$0x1] =	stream.linear.gather [spmem:s5], $0x80, $0x38;
	[tilespmem:$0xA280] =	vst v63  }
0xae: {  	s4 =	simm.s32 $0x5B00;
	s5 =	sld [smem:$0x7EC]  }
0xaf: {  	[tilespmem:s4], [sflag:$0x1] =	stream.linear.gather [spmem:s3], $0x80, $0x38;
	[tilespmem:$0xA280] =	vst v63  }
0xb0: {  	s7 =	simm.s32 $0x5F00;
	s3 =	sld [smem:$0x7ED]  }
0xb1: {  	[tilespmem:s7], [sflag:$0x1] =	stream.linear.gather [spmem:s5], $0x80, $0x38;
	[tilespmem:$0xA280] =	vst v63  }
0xb2: {  	s4 =	simm.s32 $0x6300  }
0xb3: {  	[tilespmem:s4], [sflag:$0x1] =	stream.linear.gather [spmem:s3], $0x80, $0x38;
	[tilespmem:$0xA280] =	vst v63  }
0xb4: {  	_ =	swait.ge [sflag:s30], $0x280  }
0xb5: {  	[sflag:s30] =	ssyncset.done $0x0;
	s5 =	rddreg [dreg:$0xd]  }
0xb6: {  	s7 =	simm.s32 $0x5380;
	s3 =	sld [smem:$0x7EE];
	[sflag:s30] =	ssyncadd.s32 $0xFFFFFD80  }
0xb7: {  	[tilespmem:s7], [sflag:$0x1] =	stream.linear.gather [spmem:s5], $0x80, $0x38;
	[tilespmem:$0xA280] =	vst v63  }
0xb8: {  	s4 =	simm.s32 $0x5780;
	s5 =	sld [smem:$0x7EF]  }
0xb9: {  	[tilespmem:s4], [sflag:$0x1] =	stream.linear.gather [spmem:s3], $0x80, $0x38;
	[tilespmem:$0xA280] =	vst v63  }
0xba: {  	s7 =	simm.s32 $0x5B80;
	s3 =	sld [smem:$0x7F0]  }
0xbb: {  	[tilespmem:s7], [sflag:$0x1] =	stream.linear.gather [spmem:s5], $0x80, $0x38;
	[tilespmem:$0xA280] =	vst v63  }
0xbc: {  	s4 =	simm.s32 $0x5F80;
	s5 =	sld [smem:$0x7F1]  }
0xbd: {  	[tilespmem:s4], [sflag:$0x1] =	stream.linear.gather [spmem:s3], $0x80, $0x38;
	[tilespmem:$0xA280] =	vst v63  }
0xbe: {  	s7 =	simm.s32 $0x6380  }
0xbf: {  	[tilespmem:s7], [sflag:$0x1] =	stream.linear.gather [spmem:s5], $0x80, $0x38;
	[tilespmem:$0xA280] =	vst v63  }
0xc0: {  	_ =	swait.ge [sflag:s30], $0x280  }
0xc1: {  	[sflag:s30] =	ssyncset.done $0x0;
	s3 =	rddreg [dreg:$0xe]  }
0xc2: {  	s4 =	simm.s32 $0x6400;
	s5 =	sld [smem:$0x7F2];
	[sflag:s30] =	ssyncadd.s32 $0xFFFFFD80  }
0xc3: {  	[tilespmem:s4], [sflag:$0x1] =	stream.linear.gather [spmem:s3], $0x80, $0x38;
	[tilespmem:$0xA280] =	vst v63  }
0xc4: {  	s7 =	simm.s32 $0x6800;
	s3 =	sld [smem:$0x7F3]  }
0xc5: {  	[tilespmem:s7], [sflag:$0x1] =	stream.linear.gather [spmem:s5], $0x80, $0x38;
	[tilespmem:$0xA280] =	vst v63  }
0xc6: {  	s4 =	simm.s32 $0x6C00;
	s5 =	sld [smem:$0x7F4]  }
0xc7: {  	[tilespmem:s4], [sflag:$0x1] =	stream.linear.gather [spmem:s3], $0x80, $0x38;
	[tilespmem:$0xA280] =	vst v63  }
0xc8: {  	s7 =	simm.s32 $0x7000;
	s3 =	sld [smem:$0x7F5]  }
0xc9: {  	[tilespmem:s7], [sflag:$0x1] =	stream.linear.gather [spmem:s5], $0x80, $0x38;
	[tilespmem:$0xA280] =	vst v63  }
0xca: {  	s4 =	simm.s32 $0x7400  }
0xcb: {  	[tilespmem:s4], [sflag:$0x1] =	stream.linear.gather [spmem:s3], $0x80, $0x38;
	[tilespmem:$0xA280] =	vst v63  }
0xcc: {  	_ =	swait.ge [sflag:s30], $0x280  }
0xcd: {  	[sflag:s30] =	ssyncset.done $0x0;
	s5 =	rddreg [dreg:$0xf]  }
0xce: {  	s7 =	simm.s32 $0x6480;
	s3 =	sld [smem:$0x7F6];
	[sflag:s30] =	ssyncadd.s32 $0xFFFFFD80  }
0xcf: {  	[tilespmem:s7], [sflag:$0x1] =	stream.linear.gather [spmem:s5], $0x80, $0x38;
	[tilespmem:$0xA280] =	vst v63  }
0xd0: {  	s4 =	simm.s32 $0x6880;
	s5 =	sld [smem:$0x7F7]  }
0xd1: {  	[tilespmem:s4], [sflag:$0x1] =	stream.linear.gather [spmem:s3], $0x80, $0x38;
	[tilespmem:$0xA280] =	vst v63  }
0xd2: {  	s7 =	simm.s32 $0x6C80;
	s3 =	sld [smem:$0x7F8]  }
0xd3: {  	[tilespmem:s7], [sflag:$0x1] =	stream.linear.gather [spmem:s5], $0x80, $0x38;
	[tilespmem:$0xA280] =	vst v63  }
0xd4: {  	s4 =	simm.s32 $0x7080;
	s5 =	sld [smem:$0x7F9]  }
0xd5: {  	[tilespmem:s4], [sflag:$0x1] =	stream.linear.gather [spmem:s3], $0x80, $0x38;
	[tilespmem:$0xA280] =	vst v63  }
0xd6: {  	s7 =	simm.s32 $0x7480  }
0xd7: {  	[tilespmem:s7], [sflag:$0x1] =	stream.linear.gather [spmem:s5], $0x80, $0x38;
	[tilespmem:$0xA280] =	vst v63  }
0xd8: {  	_ =	swait.ge [sflag:s30], $0x280  }
0xd9: {  	[sflag:s30] =	ssyncset.done $0x0;
	s3 =	rddreg [dreg:$0x10]  }
0xda: {  	s4 =	simm.s32 $0x6500;
	s5 =	sld [smem:$0x7FA];
	[sflag:s30] =	ssyncadd.s32 $0xFFFFFD80  }
0xdb: {  	[tilespmem:s4], [sflag:$0x1] =	stream.linear.gather [spmem:s3], $0x80, $0x38;
	[tilespmem:$0xA280] =	vst v63  }
0xdc: {  	s7 =	simm.s32 $0x6900;
	s3 =	sld [smem:$0x7FB]  }
0xdd: {  	[tilespmem:s7], [sflag:$0x1] =	stream.linear.gather [spmem:s5], $0x80, $0x38;
	[tilespmem:$0xA280] =	vst v63  }
0xde: {  	s4 =	simm.s32 $0x6D00;
	s5 =	sld [smem:$0x7FC]  }
0xdf: {  	[tilespmem:s4], [sflag:$0x1] =	stream.linear.gather [spmem:s3], $0x80, $0x38;
	[tilespmem:$0xA280] =	vst v63  }
0xe0: {  	s7 =	simm.s32 $0x7100;
	s3 =	sld [smem:$0x7FD]  }
0xe1: {  	[tilespmem:s7], [sflag:$0x1] =	stream.linear.gather [spmem:s5], $0x80, $0x38;
	[tilespmem:$0xA280] =	vst v63  }
0xe2: {  	s4 =	simm.s32 $0x7500  }
0xe3: {  	[tilespmem:s4], [sflag:$0x1] =	stream.linear.gather [spmem:s3], $0x80, $0x38;
	[tilespmem:$0xA280] =	vst v63  }
0xe4: {  	_ =	swait.ge [sflag:s30], $0x280  }
0xe5: {  	[sflag:s30] =	ssyncset.done $0x0  }
0xe6: {  	s7 =	simm.s32 $0x6580;
	s5 =	rddreg [dreg:$0x11];
	[sflag:s30] =	ssyncadd.s32 $0xFFFFFD80  }
0xe7: {  	[tilespmem:s7], [sflag:$0x1] =	stream.linear.gather [spmem:s5], $0x80, $0x38;
	[tilespmem:$0xA280] =	vst v63  }
0xe8: {  	s3 =	simm.s32 $0x6980  }
0xe9: {  	[tilespmem:s3], [sflag:$0x1] =	stream.linear.gather [spmem:s8], $0x80, $0x38;
	[tilespmem:$0xA280] =	vst v63  }
0xea: {  	s4 =	simm.s32 $0x6D80  }
0xeb: {  	[tilespmem:s4], [sflag:$0x1] =	stream.linear.gather [spmem:s9], $0x80, $0x38;
	[tilespmem:$0xA280] =	vst v63  }
0xec: {  	s5 =	simm.s32 $0x7180  }
0xed: {  	[tilespmem:s5], [sflag:$0x1] =	stream.linear.gather [spmem:s10], $0x80, $0x38;
	[tilespmem:$0xA280] =	vst v63  }
0xee: {  	s7 =	simm.s32 $0x7580  }
0xef: {  	[tilespmem:s7], [sflag:$0x1] =	stream.linear.gather [spmem:s11], $0x80, $0x38;
	[tilespmem:$0xA280] =	vst v63  }
0xf0: {  	_ =	swait.ge [sflag:s30], $0x280  }
0xf1: {  	[sflag:s30] =	ssyncset.done $0x0  }
0xf2: {  	s4 =	simm.s32 $0x6600;
	s3 =	rddreg [dreg:$0x12];
	[sflag:s30] =	ssyncadd.s32 $0xFFFFFD80  }
0xf3: {  	[tilespmem:s4], [sflag:$0x1] =	stream.linear.gather [spmem:s3], $0x80, $0x38;
	[tilespmem:$0xA280] =	vst v63  }
0xf4: {  	s5 =	simm.s32 $0x6A00  }
0xf5: {  	[tilespmem:s5], [sflag:$0x1] =	stream.linear.gather [spmem:s12], $0x80, $0x38;
	[tilespmem:$0xA280] =	vst v63  }
0xf6: {  	s7 =	simm.s32 $0x6E00  }
0xf7: {  	[tilespmem:s7], [sflag:$0x1] =	stream.linear.gather [spmem:s13], $0x80, $0x38;
	[tilespmem:$0xA280] =	vst v63  }
0xf8: {  	s3 =	simm.s32 $0x7200  }
0xf9: {  	[tilespmem:s3], [sflag:$0x1] =	stream.linear.gather [spmem:s14], $0x80, $0x38;
	[tilespmem:$0xA280] =	vst v63  }
0xfa: {  	s4 =	simm.s32 $0x7600  }
0xfb: {  	[tilespmem:s4], [sflag:$0x1] =	stream.linear.gather [spmem:s15], $0x80, $0x38;
	[tilespmem:$0xA280] =	vst v63  }
0xfc: {  	_ =	swait.ge [sflag:s30], $0x280  }
0xfd: {  	[sflag:s30] =	ssyncset.done $0x0  }
0xfe: {  	s7 =	simm.s32 $0x6680;
	s5 =	rddreg [dreg:$0x13];
	[sflag:s30] =	ssyncadd.s32 $0xFFFFFD80  }
0xff: {  	[tilespmem:s7], [sflag:$0x1] =	stream.linear.gather [spmem:s5], $0x80, $0x38;
	[tilespmem:$0xA280] =	vst v63  }
0x100: {  	s3 =	simm.s32 $0x6A80  }
0x101: {  	[tilespmem:s3], [sflag:$0x1] =	stream.linear.gather [spmem:s16], $0x80, $0x38;
	[tilespmem:$0xA280] =	vst v63  }
0x102: {  	s4 =	simm.s32 $0x6E80  }
0x103: {  	[tilespmem:s4], [sflag:$0x1] =	stream.linear.gather [spmem:s17], $0x80, $0x38;
	[tilespmem:$0xA280] =	vst v63  }
0x104: {  	s5 =	simm.s32 $0x7280  }
0x105: {  	[tilespmem:s5], [sflag:$0x1] =	stream.linear.gather [spmem:s18], $0x80, $0x38;
	[tilespmem:$0xA280] =	vst v63  }
0x106: {  	s7 =	simm.s32 $0x7680  }
0x107: {  	[tilespmem:s7], [sflag:$0x1] =	stream.linear.gather [spmem:s19], $0x80, $0x38;
	[tilespmem:$0xA280] =	vst v63  }
0x108: {  	_ =	swait.ge [sflag:s30], $0x280  }
0x109: {  	[sflag:s30] =	ssyncset.done $0x0  }
0x10a: {  	s4 =	simm.s32 $0x6700;
	s3 =	rddreg [dreg:$0x14];
	[sflag:s30] =	ssyncadd.s32 $0xFFFFFD80  }
0x10b: {  	[tilespmem:s4], [sflag:$0x1] =	stream.linear.gather [spmem:s3], $0x80, $0x38;
	[tilespmem:$0xA280] =	vst v63  }
0x10c: {  	s5 =	simm.s32 $0x6B00  }
0x10d: {  	[tilespmem:s5], [sflag:$0x1] =	stream.linear.gather [spmem:s20], $0x80, $0x38;
	[tilespmem:$0xA280] =	vst v63  }
0x10e: {  	s7 =	simm.s32 $0x6F00  }
0x10f: {  	[tilespmem:s7], [sflag:$0x1] =	stream.linear.gather [spmem:s21], $0x80, $0x38;
	[tilespmem:$0xA280] =	vst v63  }
0x110: {  	s3 =	simm.s32 $0x7300  }
0x111: {  	[tilespmem:s3], [sflag:$0x1] =	stream.linear.gather [spmem:s22], $0x80, $0x38;
	[tilespmem:$0xA280] =	vst v63  }
0x112: {  	s4 =	simm.s32 $0x7700  }
0x113: {  	[tilespmem:s4], [sflag:$0x1] =	stream.linear.gather [spmem:s23], $0x80, $0x38;
	[tilespmem:$0xA280] =	vst v63  }
0x114: {  	_ =	swait.ge [sflag:s30], $0x280  }
0x115: {  	[sflag:s30] =	ssyncset.done $0x0  }
0x116: {  	s7 =	simm.s32 $0x6780;
	s5 =	rddreg [dreg:$0x15];
	[sflag:s30] =	ssyncadd.s32 $0xFFFFFD80  }
0x117: {  	[tilespmem:s7], [sflag:$0x1] =	stream.linear.gather [spmem:s5], $0x80, $0x38;
	[tilespmem:$0xA280] =	vst v63  }
0x118: {  	s4 =	simm.s32 $0x6B80  }
0x119: {  	[tilespmem:s4], [sflag:$0x1] =	stream.linear.gather [spmem:s24], $0x80, $0x38;
	[tilespmem:$0xA280] =	vst v63  }
0x11a: {  	s5 =	simm.s32 $0x6F80  }
0x11b: {  	[tilespmem:s5], [sflag:$0x1] =	stream.linear.gather [spmem:s25], $0x80, $0x38;
	[tilespmem:$0xA280] =	vst v63  }
0x11c: {  	s7 =	simm.s32 $0x7380  }
0x11d: {  	[tilespmem:s7], [sflag:$0x1] =	stream.linear.gather [spmem:s26], $0x80, $0x38;
	[tilespmem:$0xA280] =	vst v63  }
0x11e: {  	s3 =	simm.s32 $0x7780  }
0x11f: {  	[tilespmem:s3], [sflag:$0x1] =	stream.linear.gather [spmem:s28], $0x80, $0x38;
	[tilespmem:$0xA280] =	vst v63  }
0x120: {  	s4 =	simm.s32 $0x0;
	_ =	swait.ge [sflag:s30], $0x280  }
0x121: {  	s2 =	sand.u32 $0x1C00, s4;
	s5 =	sand.u32 $0x70, s4;
	[sflag:s30] =	ssyncset.done $0x0  }
0x122: {  	s2 =	sor.u32 s5, s2;
	[sflag:s30] =	ssyncadd.s32 $0xFFFFFD80  }
0x123: {  	v1 =	vld [tilespmem:s2+$0x5080]  }
0x124: {  	v2 =	vld [tilespmem:s2+$0x5000];
	_ =	sdelay $0x1  }
0x125: {  	v3 =	vld [tilespmem:s2+$0x5100];
	_ =	sdelay $0x1  }
0x126: {  	v4 =	vld [tilespmem:s2+$0x5180]  }
0x127: {  	v1 =	vadd.f32 v1, v2  }
0x128: {  	v2 =	vld [tilespmem:s2+$0x5200]  }
0x129: {  	v1 =	vadd.f32 v3, v1  }
0x12a: {  	v3 =	vld [tilespmem:s2+$0x5280]  }
0x12b: {  	v1 =	vadd.f32 v4, v1  }
0x12c: {  	v60 =	vld [tilespmem:s2+$0x5300]  }
0x12d: {  	v1 =	vadd.f32 v2, v1  }
0x12e: {  	v2 =	vld [tilespmem:s2+$0x5380]  }
0x12f: {  	v1 =	vadd.f32 v3, v1  }
0x130: {  	v3 =	vld [tilespmem:s2+$0x6400]  }
0x131: {  	v1 =	vadd.f32 v60, v1  }
0x132: {  	v61 =	vld [tilespmem:s2+$0x6480]  }
0x133: {  	v1 =	vadd.f32 v2, v1  }
0x134: {  	v2 =	vld [tilespmem:s2+$0x6500]  }
0x135: {  	v1 =	vadd.f32 v3, v1  }
0x136: {  	v3 =	vld [tilespmem:s2+$0x6580]  }
0x137: {  	v1 =	vadd.f32 v61, v1  }
0x138: {  	v62 =	vld [tilespmem:s2+$0x6600]  }
0x139: {  	v1 =	vadd.f32 v2, v1  }
0x13a: {  	v2 =	vld [tilespmem:s2+$0x6680]  }
0x13b: {  	v1 =	vadd.f32 v3, v1  }
0x13c: {  	v3 =	vld [tilespmem:s2+$0x6700]  }
0x13d: {  	v1 =	vadd.f32 v62, v1  }
0x13e: {  	v63 =	vld [tilespmem:s2+$0x6780]  }
0x13f: {  	v1 =	vadd.f32 v2, v1;
	_ =	sdelay $0x1  }
0x140: {  	v1 =	vadd.f32 v3, v1;
	_ =	sdelay $0x1  }
0x141: {  	s4 =	simm.s32 $0x80;
	s7 =	simm.s32 $0x10;
	v1 =	vadd.f32 v63, v1  }
0x142: {  	s5 =	sand.u32 $0x1C00, s4;
	s3 =	sand.u32 $0x70, s7;
	s2 =	simm.s32 $0x7800  }
0x143: {  	s3 =	sor.u32 s3, s5;
	s5 =	simm.s32 $0x20;
	[tilespmem:s2+$0x0] =	vst v1  }
.LBB2_4:
0x144: {  	p0 =	sne.s32 s5, $0x270;
	v1 =	vld [tilespmem:s3+$0x5080]  }
0x145: {  	v2 =	vld [tilespmem:s3+$0x5000];
	_ =	sdelay $0x1  }
0x146: {  	v3 =	vld [tilespmem:s3+$0x5100];
	_ =	sdelay $0x1  }
0x147: {  	v4 =	vld [tilespmem:s3+$0x5180]  }
0x148: {  	v1 =	vadd.f32 v1, v2  }
0x149: {  	v2 =	vld [tilespmem:s3+$0x5200]  }
0x14a: {  	v1 =	vadd.f32 v3, v1  }
0x14b: {  	v3 =	vld [tilespmem:s3+$0x5280]  }
0x14c: {  	v1 =	vadd.f32 v4, v1  }
0x14d: {  	v4 =	vld [tilespmem:s3+$0x5300]  }
0x14e: {  	v1 =	vadd.f32 v2, v1  }
0x14f: {  	v2 =	vld [tilespmem:s3+$0x5380]  }
0x150: {  	v1 =	vadd.f32 v3, v1  }
0x151: {  	v3 =	vld [tilespmem:s3+$0x6400]  }
0x152: {  	v1 =	vadd.f32 v4, v1  }
0x153: {  	v4 =	vld [tilespmem:s3+$0x6480]  }
0x154: {  	v1 =	vadd.f32 v2, v1  }
0x155: {  	v2 =	vld [tilespmem:s3+$0x6500]  }
0x156: {  	v1 =	vadd.f32 v3, v1  }
0x157: {  	v3 =	vld [tilespmem:s3+$0x6580]  }
0x158: {  	v1 =	vadd.f32 v4, v1  }
0x159: {  	v4 =	vld [tilespmem:s3+$0x6600]  }
0x15a: {  	v1 =	vadd.f32 v2, v1  }
0x15b: {  	v2 =	vld [tilespmem:s3+$0x6680]  }
0x15c: {  	v1 =	vadd.f32 v3, v1  }
0x15d: {  	v3 =	vld [tilespmem:s3+$0x6700]  }
0x15e: {  	v1 =	vadd.f32 v4, v1  }
0x15f: {  	v4 =	vld [tilespmem:s3+$0x6780]  }
0x160: {  	v1 =	vadd.f32 v2, v1;
	_ =	sdelay $0x1  }
.Ltmp1:
0x161: {  	v1 =	vadd.f32 v3, v1;
	(pc) =	sbr.rel @p0 .LBB2_4-.Ltmp1, $4  }
0x162: {  	_ = 	snop  }
0x163: {  	s4 =	sadd.s32 $0x80, s4;
	v1 =	vadd.f32 v4, v1  }
0x164: {  	s2 =	sadd.s32 $0x10, s2;
	s7 =	sand.u32 $0x1C00, s4;
	s3 =	sand.u32 $0x70, s5  }
0x165: {  	s5 =	sadd.s32 $0x10, s5;
	s3 =	sor.u32 s3, s7;
	[tilespmem:s2+$0x0] =	vst v1  }
0x166: {  	v1 =	vld [tilespmem:s3+$0x5080]  }
0x167: {  	v2 =	vld [tilespmem:s3+$0x5000];
	_ =	sdelay $0x1  }
0x168: {  	v3 =	vld [tilespmem:s3+$0x5100];
	_ =	sdelay $0x1  }
0x169: {  	v4 =	vld [tilespmem:s3+$0x5180]  }
0x16a: {  	v1 =	vadd.f32 v1, v2  }
0x16b: {  	v2 =	vld [tilespmem:s3+$0x5200]  }
0x16c: {  	v1 =	vadd.f32 v3, v1  }
0x16d: {  	v3 =	vld [tilespmem:s3+$0x5280]  }
0x16e: {  	v1 =	vadd.f32 v4, v1  }
0x16f: {  	v60 =	vld [tilespmem:s3+$0x5300]  }
0x170: {  	v1 =	vadd.f32 v2, v1  }
0x171: {  	v2 =	vld [tilespmem:s3+$0x5380]  }
0x172: {  	v1 =	vadd.f32 v3, v1  }
0x173: {  	v3 =	vld [tilespmem:s3+$0x6400]  }
0x174: {  	v1 =	vadd.f32 v60, v1  }
0x175: {  	v61 =	vld [tilespmem:s3+$0x6480]  }
0x176: {  	v1 =	vadd.f32 v2, v1  }
0x177: {  	v2 =	vld [tilespmem:s3+$0x6500]  }
0x178: {  	v1 =	vadd.f32 v3, v1  }
0x179: {  	v3 =	vld [tilespmem:s3+$0x6580]  }
0x17a: {  	v1 =	vadd.f32 v61, v1  }
0x17b: {  	v62 =	vld [tilespmem:s3+$0x6600]  }
0x17c: {  	v1 =	vadd.f32 v2, v1  }
0x17d: {  	v2 =	vld [tilespmem:s3+$0x6680]  }
0x17e: {  	v1 =	vadd.f32 v3, v1  }
0x17f: {  	v3 =	vld [tilespmem:s3+$0x6700]  }
0x180: {  	v1 =	vadd.f32 v62, v1  }
0x181: {  	v63 =	vld [tilespmem:s3+$0x6780]  }
0x182: {  	v1 =	vadd.f32 v2, v1;
	_ =	sdelay $0x1  }
0x183: {  	v1 =	vadd.f32 v3, v1;
	_ =	sdelay $0x1  }
0x184: {  	v1 =	vadd.f32 v63, v1  }
0x185: {  	s2 =	sadd.s32 $0x10, s2  }
0x186: {  	s5 =	simm.s32 $0x100;
	s4 =	simm.s32 $0x7800;
	s3 =	rddreg [dreg:$0x16];
	[tilespmem:s2+$0x0] =	vst v1  }
0x187: {  	[hbm4b:s3+s31] =	stream.strided.scatter [tilespmem:s4], [sflag:$0x1], $0x280, s5, s31, $0x38;
	[tilespmem:$0xA280] =	vst v63  }
0x188: {  	_ =	swait.ge [sflag:s30], $0x280  }
0x189: {  	s1 =	sadd.s32 $0x1, s1;
	s7 =	rddreg [dreg:$0x17]  }
0x18a: {  	p0 =	sne.s32 s1, s7  }
.Ltmp2:
0x18b: {  	_ = 	snop;
	(pc) =	sbr.rel @p0 .LBB2_1-.Ltmp2, $3  }
0x18c: {  	_ =	sdelay $0x1  }
0x18d: {  	[sflag:s30] =	ssyncset.done $0x0  }
0x18e: {  	[sflag:s30] =	ssyncadd.s32 $0xFFFFFD80  }
0x18f: {  	_ =	sfence.sel $0x180000  }
0x190: {  	[bflag:$0x0] =	sbarrier.arrive $0xFFFF  }
0x191: {  	_ =	strace $0x90000047  }
0x192: {  	s0 =	stileid.u32;
	[bflag:$0x2] =	sbarrier.arrive $0xFFFF  }
0x193: {  	p0 =	sne.s32 s0, $0x0;
	s0 =	rddreg [dreg:$0x3]  }
0x194: {  	s0 =	sadd.s32 @!p0 $0x100000, s0  }
0x195: {  	[sflag:s0] =	ssyncadd.tile.s32 @!p0 $0x1;
	_ =	shalt  }
.Lfunc_end2:
_tile_overlayer_lowered:
.L_overlay_start_2:
0x196: {  	(tag) =	ssettag $0x2  }
0x197: {  	s0 =	rddreg [dreg:$0x0];
	s2 =	stileid.u32  }
0x198: {  	s1 =	rddreg [dreg:$0x1];
	p0 =	sne.s32 s2, $0x0  }
0x199: {  	s3 =	rddreg [dreg:$0x2];
	[bflag:$0x3] =	sbarrier.arrive $0xFFFF;
	s2 =	simm.s32 @!p0 $0x1C01  }
0x19a: {  	[timem:s3], [sflag:s2] =	dma.local @!p0 [hbm:s0], s1  }
0x19b: {  	s0 =	simm.s32 @!p0 $0x1  }
0x19c: {  	_ =	swait.ge @!p0 [sflag:s0], s1  }
0x19d: {  	s1 =	ssub.s32 @!p0 $0x0, s1;
	[sflag:s0] =	ssyncset.done @!p0 $0x0  }
0x19e: {  	[sflag:s0] =	ssyncadd.s32 @!p0 s1  }
0x19f: {  	[bflag:$0x3] =	sbarrier.arrive $0xFFFF  }
0x1a0: {  	_ =	shalt  }

</sc_bundles>
